<compile_context>
chip_gen: v7x
topology: tpu7x:2x2x1
jax: 0.10.2.dev20260603
libtpu: 0.0.44.dev20260713+nightly
codegen_flags: <defaults>
</compile_context>

<pallas_src>
import functools

import jax
import jax.numpy as jnp
from jax import lax
from jax.experimental import pallas as pl
from jax.experimental.pallas import tpu as pltpu
from jax.experimental.pallas import tpu_sc as plsc

N = 10000
D = 128
NG = 64
NA = 10
NE = 320000
NTILES = 32
CHUNK = 128
CH = 80
PH_CH = CH // 2
EPAD = NTILES * CH * CHUNK
NPAD = 10112
DUMMY = 10000
RPT = NPAD // 16
BLK = 1000
GRID = N // BLK


def _sc_mesh():
    return plsc.VectorSubcoreMesh(core_axis_name="c", subcore_axis_name="s")


def _sc_hist(dst_r, ones16, zeros16):
    @functools.partial(
        pl.kernel,
        mesh=_sc_mesh(),
        out_type=jax.ShapeDtypeStruct((2, NPAD, 16), jnp.float32),
        scratch_types=[
            pltpu.VMEM((CH, CHUNK), jnp.int32),
            pltpu.VMEM((CHUNK, 16), jnp.float32),
            pltpu.VMEM_SHARED((NPAD, 16), jnp.float32),
        ],
    )
    def k(dst_hbm, ones_hbm, zero_hbm, out_hbm, dst_v, ones_v, deg_sp):
        c = lax.axis_index("c")
        s = lax.axis_index("s")
        wid = s * 2 + c
        r0 = s * RPT
        pltpu.sync_copy(zero_hbm.at[pl.ds(r0, RPT)], deg_sp.at[pl.ds(r0, RPT)])
        pltpu.sync_copy(ones_hbm, ones_v)
        pltpu.sync_copy(dst_hbm.at[wid], dst_v)
        plsc.subcore_barrier()

        def body(j, carry):
            pltpu.sync_copy(ones_v, deg_sp.at[dst_v.at[j]], add=True)
            return carry

        lax.fori_loop(0, CH, body, 0)
        plsc.subcore_barrier()
        pltpu.sync_copy(deg_sp.at[pl.ds(r0, RPT)], out_hbm.at[c, pl.ds(r0, RPT)])

    return k(dst_r, ones16, zeros16)


def _sc_scatter(hs, src_r, dst_r, zeros):
    @functools.partial(
        pl.kernel,
        mesh=_sc_mesh(),
        out_type=jax.ShapeDtypeStruct((2, NPAD, D), jnp.float32),
        scratch_types=[
            pltpu.VMEM((PH_CH, CHUNK), jnp.int32),
            pltpu.VMEM((PH_CH, CHUNK), jnp.int32),
            pltpu.VMEM((2, CHUNK, D), jnp.float32),
            pltpu.VMEM_SHARED((NPAD, D), jnp.float32),
        ] + [pltpu.SemaphoreType.DMA] * 2,
    )
    def k(hs_hbm, src_hbm, dst_hbm, zero_hbm, out_hbm,
          src_v, dst_v, rows_v, acc_sp, *ssems):
        c = lax.axis_index("c")
        s = lax.axis_index("s")
        wid = s * 2 + c
        r0 = s * RPT
        pltpu.sync_copy(zero_hbm.at[pl.ds(r0, RPT)], acc_sp.at[pl.ds(r0, RPT)])
        plsc.subcore_barrier()

        def _chunk(j, b):
            pltpu.sync_copy(hs_hbm.at[src_v.at[j]], rows_v.at[b])
            return pltpu.async_copy(rows_v.at[b], acc_sp.at[dst_v.at[j]],
                                    ssems[b], add=True)

        for ph in range(2):
            pltpu.sync_copy(src_hbm.at[wid, pl.ds(ph * PH_CH, PH_CH)], src_v)
            pltpu.sync_copy(dst_hbm.at[wid, pl.ds(ph * PH_CH, PH_CH)], dst_v)

            def body(g, carry):
                base = g * 4
                s0 = _chunk(base + 0, 0)
                s1 = _chunk(base + 1, 1)
                s0.wait()
                s0 = _chunk(base + 2, 0)
                s1.wait()
                s1 = _chunk(base + 3, 1)
                s0.wait()
                s1.wait()
                return carry

            lax.fori_loop(0, PH_CH // 4, body, 0)
        plsc.subcore_barrier()
        pltpu.sync_copy(acc_sp.at[pl.ds(r0, RPT)], out_hbm.at[c, pl.ds(r0, RPT)])

    return k(hs, src_r, dst_r, zeros)


def _dis_from(dacc_ref):
    deg = dacc_ref[0, :, 0:1] + dacc_ref[1, :, 0:1] + 1.0
    return lax.rsqrt(deg)


def _t1_body(x_ref, w_ref, o_ref):
    o_ref[...] = jnp.dot(x_ref[...], w_ref[...], preferred_element_type=jnp.float32)


def _t1b_body(dacc_ref, hm_ref, o_ref):
    o_ref[...] = _dis_from(dacc_ref) * hm_ref[...]


def _t2_body(dacc_ref, acc_ref, hs_ref, w_ref, b_ref, o_ref):
    dis = _dis_from(dacc_ref)
    pre = dis * (acc_ref[0] + acc_ref[1] + hs_ref[...]) + b_ref[...]
    h = jnp.maximum(pre, 0.0)
    o_ref[...] = jnp.dot(dis * h, w_ref[...], preferred_element_type=jnp.float32)


def _t3_body(dacc_ref, acc_ref, hs_ref, batch_ref, b_ref, wh_ref, bh_ref,
             o_ref, sums, counts):
    i = pl.program_id(0)

    @pl.when(i == 0)
    def _():
        sums[...] = jnp.zeros_like(sums)
        counts[...] = jnp.zeros_like(counts)

    dis = _dis_from(dacc_ref)
    h2 = dis * (acc_ref[0] + acc_ref[1] + hs_ref[...]) + b_ref[...]
    bb = batch_ref[0]
    gids = lax.broadcasted_iota(jnp.int32, (NG, BLK), 0)
    p = (bb == gids).astype(jnp.float32)
    sums[...] += jnp.dot(p, h2, preferred_element_type=jnp.float32)
    counts[...] += jnp.sum(p, axis=1, keepdims=True)

    @pl.when(i == pl.num_programs(0) - 1)
    def _():
        pooled = sums[...] / jnp.maximum(counts[...], 1.0)
        o_ref[...] = (jnp.dot(pooled, wh_ref[...],
                              preferred_element_type=jnp.float32) + bh_ref[...])


def _spec_rows(bs):
    return pl.BlockSpec(bs, lambda i: (0, i, 0))


def kernel(x, edge_index, batch, W1, b1, W2, b2, Wh, bh):
    src = edge_index[0].astype(jnp.int32)
    dst = edge_index[1].astype(jnp.int32)
    npad_e = EPAD - NE
    pad_iota = jnp.arange(npad_e, dtype=jnp.int32)
    src_r = jnp.concatenate([src, pad_iota % N]).reshape(NTILES, CH, CHUNK)
    dst_r = jnp.concatenate([dst, DUMMY + pad_iota % (NPAD - N)]
                            ).reshape(NTILES, CH, CHUNK)
    zeros = jnp.zeros((NPAD, D), jnp.float32)
    zeros16 = jnp.zeros((NPAD, 16), jnp.float32)
    ones16 = jnp.ones((CHUNK, 16), jnp.float32)
    batch_r = batch.astype(jnp.int32).reshape(GRID, 1, BLK)
    b1r = b1.reshape(1, D)
    b2r = b2.reshape(1, D)
    whp = jnp.zeros((D, 128), jnp.float32).at[:, :NA].set(Wh)
    bhp = jnp.zeros((1, 128), jnp.float32).at[0, :NA].set(bh)

    degacc = _sc_hist(dst_r, ones16, zeros16)

    hm1 = pl.pallas_call(
        _t1_body,
        grid=(GRID,),
        in_specs=[pl.BlockSpec((BLK, D), lambda i: (i, 0)),
                  pl.BlockSpec((D, D), lambda i: (0, 0))],
        out_specs=pl.BlockSpec((BLK, D), lambda i: (i, 0)),
        out_shape=jax.ShapeDtypeStruct((N, D), jnp.float32),
    )(x, W1)

    hs1 = pl.pallas_call(
        _t1b_body,
        grid=(GRID,),
        in_specs=[_spec_rows((2, BLK, 16)),
                  pl.BlockSpec((BLK, D), lambda i: (i, 0))],
        out_specs=pl.BlockSpec((BLK, D), lambda i: (i, 0)),
        out_shape=jax.ShapeDtypeStruct((N, D), jnp.float32),
    )(degacc, hm1)

    acc1 = _sc_scatter(hs1, src_r, dst_r, zeros)

    hs2 = pl.pallas_call(
        _t2_body,
        grid=(GRID,),
        in_specs=[_spec_rows((2, BLK, 16)),
                  _spec_rows((2, BLK, D)),
                  pl.BlockSpec((BLK, D), lambda i: (i, 0)),
                  pl.BlockSpec((D, D), lambda i: (0, 0)),
                  pl.BlockSpec((1, D), lambda i: (0, 0))],
        out_specs=pl.BlockSpec((BLK, D), lambda i: (i, 0)),
        out_shape=jax.ShapeDtypeStruct((N, D), jnp.float32),
    )(degacc, acc1, hs1, W2, b1r)

    acc2 = _sc_scatter(hs2, src_r, dst_r, zeros)

    out = pl.pallas_call(
        _t3_body,
        grid=(GRID,),
        in_specs=[_spec_rows((2, BLK, 16)),
                  _spec_rows((2, BLK, D)),
                  pl.BlockSpec((BLK, D), lambda i: (i, 0)),
                  pl.BlockSpec((1, 1, BLK), lambda i: (i, 0, 0)),
                  pl.BlockSpec((1, D), lambda i: (0, 0)),
                  pl.BlockSpec((D, 128), lambda i: (0, 0)),
                  pl.BlockSpec((1, 128), lambda i: (0, 0))],
        out_specs=pl.BlockSpec((NG, 128), lambda i: (0, 0)),
        out_shape=jax.ShapeDtypeStruct((NG, 128), jnp.float32),
        scratch_shapes=[pltpu.VMEM((NG, D), jnp.float32),
                        pltpu.VMEM((NG, 128), jnp.float32)],
    )(degacc, acc2, hs2, batch_r, b2r, whp, bhp)

    return out[:, :NA]

# --- scband reference (transcript-rebuilt; emitter-appended) ---
"""Pipeline reference for scband-gcnpolicy-network-17214228923074 (READ-ONLY COPY).

The authoritative reference and input builder live on the scoring server;
editing this copy changes nothing except your own understanding.
"""

import jax, jax.numpy as jnp
import numpy as np

N_NODES = 10000
N_EDGES = 320000
D_FEAT = 128
HIDDEN = 128
N_ACTIONS = 10
N_GRAPHS = 64


def setup_inputs(seed: int = 0) -> dict:
    key = jax.random.key(seed)
    ks = jax.random.split(key, 10)
    x = jax.random.normal(ks[0], (N_NODES, D_FEAT), dtype=jnp.float32)
    edge_index = jax.random.randint(ks[1], (2, N_EDGES), 0, N_NODES, dtype=jnp.int64)
    batch = jnp.sort(jax.random.randint(ks[2], (N_NODES,), 0, N_GRAPHS, dtype=jnp.int64))
    # GCN layer 1: in=D_FEAT -> hidden=HIDDEN
    W1 = jax.random.normal(ks[3], (D_FEAT, HIDDEN), dtype=jnp.float32) / np.sqrt(D_FEAT)
    b1 = jnp.zeros((HIDDEN,), dtype=jnp.float32)
    # GCN layer 2: hidden -> out=HIDDEN
    W2 = jax.random.normal(ks[4], (HIDDEN, HIDDEN), dtype=jnp.float32) / np.sqrt(HIDDEN)
    b2 = jnp.zeros((HIDDEN,), dtype=jnp.float32)
    # head linear: HIDDEN -> N_ACTIONS (dropout is identity in eval)
    Wh = jax.random.normal(ks[5], (HIDDEN, N_ACTIONS), dtype=jnp.float32) / np.sqrt(HIDDEN)
    bh = jnp.zeros((N_ACTIONS,), dtype=jnp.float32)
    return {"x": x, "edge_index": edge_index, "batch": batch,
            "W1": W1, "b1": b1, "W2": W2, "b2": b2, "Wh": Wh, "bh": bh}


def _gcn_conv(x, src, dst, W, b, n):
    # GCNConv: add self-loops, symmetric deg normalization, linear, scatter-add, bias
    loop = jnp.arange(n, dtype=src.dtype)
    src2 = jnp.concatenate([src, loop])
    dst2 = jnp.concatenate([dst, loop])
    deg = jax.ops.segment_sum(jnp.ones_like(dst2, dtype=x.dtype), dst2, num_segments=n)
    dis = jnp.where(deg > 0, deg ** -0.5, 0.0)
    norm = dis[src2] * dis[dst2]
    h = x @ W
    msg = h[src2] * norm[:, None]
    out = jax.ops.segment_sum(msg, dst2, num_segments=n)
    return out + b


def reference(x, edge_index, batch, W1, b1, W2, b2, Wh, bh):
    n = x.shape[0]
    src, dst = edge_index[0], edge_index[1]
    h = _gcn_conv(x, src, dst, W1, b1, n)
    h = jax.nn.relu(h)
    h = _gcn_conv(h, src, dst, W2, b2, n)
    # global_mean_pool over batch ids
    sums = jax.ops.segment_sum(h, batch, num_segments=N_GRAPHS)
    counts = jax.ops.segment_sum(jnp.ones((n,), dtype=h.dtype), batch, num_segments=N_GRAPHS)
    pooled = sums / jnp.maximum(counts, 1.0)[:, None]
    # head (dropout identity at eval)
    return pooled @ Wh + bh

if __name__ == "__main__":
    import jax
    _d = setup_inputs()
    print(jax.jit(kernel)(*tuple(_d.values())))

</pallas_src>

<mosaic_0001>
#map = affine_map<(d0, d1) -> (0, 0, 0)>
#map1 = affine_map<(d0, d1) -> (0, 0)>
module attributes {stable_mosaic.version = 14 : i64} {
  func.func @k(%arg0: i32, %arg1: i32, %arg2: memref<32x80x128xi32, #tpu.memory_space<hbm>>, %arg3: memref<128x16xf32, #tpu.memory_space<hbm>>, %arg4: memref<10112x16xf32, #tpu.memory_space<hbm>>, %arg5: memref<2x10112x16xf32, #tpu.memory_space<hbm>>, %arg6: memref<80x128xi32, #tpu.memory_space<vmem>>, %arg7: memref<128x16xf32, #tpu.memory_space<vmem>>, %arg8: memref<10112x16xf32, #tpu.memory_space<vmem_shared>>) attributes {dimension_semantics = [#tpu.dimension_semantics<core_parallel>, #tpu.dimension_semantics<subcore_parallel>], iteration_bounds = array<i64: 2, 16>, scalar_prefetch = 0 : i64, scratch_operands = 3 : i64, tpu.core_type = #tpu.core_type<sc_vector_subcore>, window_params = [{transform_indices = #map}, {transform_indices = #map1}, {transform_indices = #map1}, {transform_indices = #map}]} {
    %mul3A = arith.constant 2 : i32
    %mul3A_0 = arith.muli %arg1, %mul3A : i32
    %add3A = arith.addi %mul3A_0, %arg0 : i32
    %mul3A_1 = arith.constant 632 : i32
    %mul3A_2 = arith.muli %arg1, %mul3A_1 : i32
    "tpu.region"() ({
      %run_scoped3A = tpu.sem_alloc : memref<!tpu.dma_semaphore, #tpu.memory_space<semaphore_mem>>
      %dma_start3A = arith.constant 0 : i32
      %dma_start3A_9 = tpu.memref_slice %arg8[%mul3A_2, %dma_start3A] : memref<10112x16xf32, #tpu.memory_space<vmem_shared>> -> memref<632x16xf32, #tpu.memory_space<vmem_shared>>
      %dma_start3A_10 = arith.constant 0 : i32
      %dma_start3A_11 = tpu.memref_slice %arg4[%mul3A_2, %dma_start3A_10] : memref<10112x16xf32, #tpu.memory_space<hbm>> -> memref<632x16xf32, #tpu.memory_space<hbm>>
      tpu.enqueue_dma source(%dma_start3A_11 : memref<632x16xf32, #tpu.memory_space<hbm>>) target(%dma_start3A_9 : memref<632x16xf32, #tpu.memory_space<vmem_shared>>) target_semaphore(%run_scoped3A : memref<!tpu.dma_semaphore, #tpu.memory_space<semaphore_mem>>)
      %dma_wait3A = arith.constant 0 : i32
      %dma_wait3A_12 = tpu.memref_slice %arg8[%mul3A_2, %dma_wait3A] : memref<10112x16xf32, #tpu.memory_space<vmem_shared>> -> memref<632x16xf32, #tpu.memory_space<vmem_shared>>
      %dma_wait3A_13 = arith.constant 0 : i32
      %dma_wait3A_14 = tpu.memref_slice %arg4[%mul3A_2, %dma_wait3A_13] : memref<10112x16xf32, #tpu.memory_space<hbm>> -> memref<632x16xf32, #tpu.memory_space<hbm>>
      tpu.wait_dma2 semaphore(%run_scoped3A : memref<!tpu.dma_semaphore, #tpu.memory_space<semaphore_mem>>) src(%dma_wait3A_14 : memref<632x16xf32, #tpu.memory_space<hbm>>) dst(%dma_wait3A_12 : memref<632x16xf32, #tpu.memory_space<vmem_shared>>)
      tpu.yield
    }) : () -> ()
    "tpu.region"() ({
      %run_scoped3A = tpu.sem_alloc : memref<!tpu.dma_semaphore, #tpu.memory_space<semaphore_mem>>
      tpu.enqueue_dma source(%arg3 : memref<128x16xf32, #tpu.memory_space<hbm>>) target(%arg7 : memref<128x16xf32, #tpu.memory_space<vmem>>) target_semaphore(%run_scoped3A : memref<!tpu.dma_semaphore, #tpu.memory_space<semaphore_mem>>)
      tpu.wait_dma2 semaphore(%run_scoped3A : memref<!tpu.dma_semaphore, #tpu.memory_space<semaphore_mem>>) src(%arg3 : memref<128x16xf32, #tpu.memory_space<hbm>>) dst(%arg7 : memref<128x16xf32, #tpu.memory_space<vmem>>)
      tpu.yield
    }) : () -> ()
    "tpu.region"() ({
      %run_scoped3A = tpu.sem_alloc : memref<!tpu.dma_semaphore, #tpu.memory_space<semaphore_mem>>
      %dma_start3A = arith.constant 0 : i32
      %dma_start3A_9 = arith.constant 0 : i32
      %dma_start3A_10 = tpu.memref_slice %arg2[%add3A, %dma_start3A, %dma_start3A_9] : memref<32x80x128xi32, #tpu.memory_space<hbm>> -> memref<1x80x128xi32, #tpu.memory_space<hbm>>
      %dma_start3A_11 = tpu.memref_squeeze %dma_start3A_10 : memref<1x80x128xi32, #tpu.memory_space<hbm>> -> memref<80x128xi32, #tpu.memory_space<hbm>>
      %dma_start3A_12 = arith.constant 0 : i32
      %dma_start3A_13 = arith.constant 0 : i32
      %dma_start3A_14 = tpu.memref_slice %arg2[%add3A, %dma_start3A_12, %dma_start3A_13] : memref<32x80x128xi32, #tpu.memory_space<hbm>> -> memref<1x80x128xi32, #tpu.memory_space<hbm>>
      %dma_start3A_15 = tpu.memref_squeeze %dma_start3A_14 : memref<1x80x128xi32, #tpu.memory_space<hbm>> -> memref<80x128xi32, #tpu.memory_space<hbm>>
      tpu.enqueue_dma source(%dma_start3A_15 : memref<80x128xi32, #tpu.memory_space<hbm>>) target(%arg6 : memref<80x128xi32, #tpu.memory_space<vmem>>) target_semaphore(%run_scoped3A : memref<!tpu.dma_semaphore, #tpu.memory_space<semaphore_mem>>)
      %dma_wait3A = arith.constant 0 : i32
      %dma_wait3A_16 = arith.constant 0 : i32
      %dma_wait3A_17 = tpu.memref_slice %arg2[%add3A, %dma_wait3A, %dma_wait3A_16] : memref<32x80x128xi32, #tpu.memory_space<hbm>> -> memref<1x80x128xi32, #tpu.memory_space<hbm>>
      %dma_wait3A_18 = tpu.memref_squeeze %dma_wait3A_17 : memref<1x80x128xi32, #tpu.memory_space<hbm>> -> memref<80x128xi32, #tpu.memory_space<hbm>>
      %dma_wait3A_19 = arith.constant 0 : i32
      %dma_wait3A_20 = arith.constant 0 : i32
      %dma_wait3A_21 = tpu.memref_slice %arg2[%add3A, %dma_wait3A_19, %dma_wait3A_20] : memref<32x80x128xi32, #tpu.memory_space<hbm>> -> memref<1x80x128xi32, #tpu.memory_space<hbm>>
      %dma_wait3A_22 = tpu.memref_squeeze %dma_wait3A_21 : memref<1x80x128xi32, #tpu.memory_space<hbm>> -> memref<80x128xi32, #tpu.memory_space<hbm>>
      tpu.wait_dma2 semaphore(%run_scoped3A : memref<!tpu.dma_semaphore, #tpu.memory_space<semaphore_mem>>) src(%dma_wait3A_22 : memref<80x128xi32, #tpu.memory_space<hbm>>) dst(%arg6 : memref<80x128xi32, #tpu.memory_space<vmem>>)
      tpu.yield
    }) : () -> ()
    %barrier3A = arith.constant 0 : index
    tpu.barrier barrier_id(%barrier3A)
    %scan3A = arith.constant 0 : i32
    %scan3A_3 = arith.constant 0 : i32
    %scan3A_4 = arith.constant 80 : i32
    %scan3A_5 = arith.addi %scan3A_3, %scan3A_4 : i32
    %scan3A_6 = arith.constant 1 : i32
    scf.for %scan3A_9 = %scan3A_3 to %scan3A_5 step %scan3A_6  : i32 {
      "tpu.region"() ({
        %run_scoped3A = tpu.sem_alloc : memref<!tpu.dma_semaphore, #tpu.memory_space<semaphore_mem>>
        %dma_start3A = arith.constant 0 : i32
        %dma_start3A_10 = tpu.memref_slice %arg6[%scan3A_9, %dma_start3A] : memref<80x128xi32, #tpu.memory_space<vmem>> -> memref<1x128xi32, #tpu.memory_space<vmem>>
        %dma_start3A_11 = tpu.memref_squeeze %dma_start3A_10 : memref<1x128xi32, #tpu.memory_space<vmem>> -> memref<128xi32, #tpu.memory_space<vmem>>
        %dma_start3A_12 = arith.constant 0 : i32
        %dma_start3A_13 = arith.constant 0 : i32
        %dma_start3A_14 = tpu.memref_slice %arg8[%dma_start3A_12, %dma_start3A_13] : memref<10112x16xf32, #tpu.memory_space<vmem_shared>> -> memref<10112x16xf32, #tpu.memory_space<vmem_shared>>
        tpu.enqueue_indirect_dma source(%arg7 : memref<128x16xf32, #tpu.memory_space<vmem>>) target(%dma_start3A_14 : memref<10112x16xf32, #tpu.memory_space<vmem_shared>>) offsets(%dma_start3A_11 : memref<128xi32, #tpu.memory_space<vmem>>) semaphore(%run_scoped3A : memref<!tpu.dma_semaphore, #tpu.memory_space<semaphore_mem>>) {add = true}
        %dma_wait3A = arith.constant 0 : i32
        %dma_wait3A_15 = tpu.memref_slice %arg6[%scan3A_9, %dma_wait3A] : memref<80x128xi32, #tpu.memory_space<vmem>> -> memref<1x128xi32, #tpu.memory_space<vmem>>
        %dma_wait3A_16 = tpu.memref_squeeze %dma_wait3A_15 : memref<1x128xi32, #tpu.memory_space<vmem>> -> memref<128xi32, #tpu.memory_space<vmem>>
        %dma_wait3A_17 = arith.constant 0 : i32
        %dma_wait3A_18 = arith.constant 0 : i32
        %dma_wait3A_19 = tpu.memref_slice %arg8[%dma_wait3A_17, %dma_wait3A_18] : memref<10112x16xf32, #tpu.memory_space<vmem_shared>> -> memref<10112x16xf32, #tpu.memory_space<vmem_shared>>
        tpu.wait_indirect_dma semaphore(%run_scoped3A : memref<!tpu.dma_semaphore, #tpu.memory_space<semaphore_mem>>) src(%arg7 : memref<128x16xf32, #tpu.memory_space<vmem>>) dst(%dma_wait3A_19 : memref<10112x16xf32, #tpu.memory_space<vmem_shared>>)
        tpu.yield
      }) : () -> ()
    }
    %scan3A_7 = arith.constant 80 : i32
    %barrier3A_8 = arith.constant 0 : index
    tpu.barrier barrier_id(%barrier3A_8)
    "tpu.region"() ({
      %run_scoped3A = tpu.sem_alloc : memref<!tpu.dma_semaphore, #tpu.memory_space<semaphore_mem>>
      %dma_start3A = arith.constant 0 : i32
      %dma_start3A_9 = tpu.memref_slice %arg5[%arg0, %mul3A_2, %dma_start3A] : memref<2x10112x16xf32, #tpu.memory_space<hbm>> -> memref<1x632x16xf32, #tpu.memory_space<hbm>>
      %dma_start3A_10 = tpu.memref_squeeze %dma_start3A_9 : memref<1x632x16xf32, #tpu.memory_space<hbm>> -> memref<632x16xf32, #tpu.memory_space<hbm>>
      %dma_start3A_11 = arith.constant 0 : i32
      %dma_start3A_12 = tpu.memref_slice %arg8[%mul3A_2, %dma_start3A_11] : memref<10112x16xf32, #tpu.memory_space<vmem_shared>> -> memref<632x16xf32, #tpu.memory_space<vmem_shared>>
      tpu.enqueue_dma source(%dma_start3A_12 : memref<632x16xf32, #tpu.memory_space<vmem_shared>>) target(%dma_start3A_10 : memref<632x16xf32, #tpu.memory_space<hbm>>) target_semaphore(%run_scoped3A : memref<!tpu.dma_semaphore, #tpu.memory_space<semaphore_mem>>)
      %dma_wait3A = arith.constant 0 : i32
      %dma_wait3A_13 = tpu.memref_slice %arg5[%arg0, %mul3A_2, %dma_wait3A] : memref<2x10112x16xf32, #tpu.memory_space<hbm>> -> memref<1x632x16xf32, #tpu.memory_space<hbm>>
      %dma_wait3A_14 = tpu.memref_squeeze %dma_wait3A_13 : memref<1x632x16xf32, #tpu.memory_space<hbm>> -> memref<632x16xf32, #tpu.memory_space<hbm>>
      %dma_wait3A_15 = arith.constant 0 : i32
      %dma_wait3A_16 = tpu.memref_slice %arg8[%mul3A_2, %dma_wait3A_15] : memref<10112x16xf32, #tpu.memory_space<vmem_shared>> -> memref<632x16xf32, #tpu.memory_space<vmem_shared>>
      tpu.wait_dma2 semaphore(%run_scoped3A : memref<!tpu.dma_semaphore, #tpu.memory_space<semaphore_mem>>) src(%dma_wait3A_16 : memref<632x16xf32, #tpu.memory_space<vmem_shared>>) dst(%dma_wait3A_14 : memref<632x16xf32, #tpu.memory_space<hbm>>)
      tpu.yield
    }) : () -> ()
    return
  }
}

#map = affine_map<(d0, d1) -> (0, 0)>
#map1 = affine_map<(d0, d1) -> (0, 0, 0)>
module attributes {stable_mosaic.version = 14 : i64} {
  func.func @k(%arg0: i32, %arg1: i32, %arg2: memref<10000x128xf32, #tpu.memory_space<hbm>>, %arg3: memref<32x80x128xi32, #tpu.memory_space<hbm>>, %arg4: memref<32x80x128xi32, #tpu.memory_space<hbm>>, %arg5: memref<10112x128xf32, #tpu.memory_space<hbm>>, %arg6: memref<2x10112x128xf32, #tpu.memory_space<hbm>>, %arg7: memref<40x128xi32, #tpu.memory_space<vmem>>, %arg8: memref<40x128xi32, #tpu.memory_space<vmem>>, %arg9: memref<2x128x128xf32, #tpu.memory_space<vmem>>, %arg10: memref<10112x128xf32, #tpu.memory_space<vmem_shared>>, %arg11: memref<!tpu.dma_semaphore, #tpu.memory_space<semaphore_mem>>, %arg12: memref<!tpu.dma_semaphore, #tpu.memory_space<semaphore_mem>>) attributes {dimension_semantics = [#tpu.dimension_semantics<core_parallel>, #tpu.dimension_semantics<subcore_parallel>], iteration_bounds = array<i64: 2, 16>, scalar_prefetch = 0 : i64, scratch_operands = 6 : i64, tpu.core_type = #tpu.core_type<sc_vector_subcore>, window_params = [{transform_indices = #map}, {transform_indices = #map1}, {transform_indices = #map1}, {transform_indices = #map}, {transform_indices = #map1}]} {
    %mul3A = arith.constant 2 : i32
    %mul3A_0 = arith.muli %arg1, %mul3A : i32
    %add3A = arith.addi %mul3A_0, %arg0 : i32
    %mul3A_1 = arith.constant 632 : i32
    %mul3A_2 = arith.muli %arg1, %mul3A_1 : i32
    "tpu.region"() ({
      %run_scoped3A = tpu.sem_alloc : memref<!tpu.dma_semaphore, #tpu.memory_space<semaphore_mem>>
      %dma_start3A = arith.constant 0 : i32
      %dma_start3A_15 = tpu.memref_slice %arg10[%mul3A_2, %dma_start3A] : memref<10112x128xf32, #tpu.memory_space<vmem_shared>> -> memref<632x128xf32, #tpu.memory_space<vmem_shared>>
      %dma_start3A_16 = arith.constant 0 : i32
      %dma_start3A_17 = tpu.memref_slice %arg5[%mul3A_2, %dma_start3A_16] : memref<10112x128xf32, #tpu.memory_space<hbm>> -> memref<632x128xf32, #tpu.memory_space<hbm>>
      tpu.enqueue_dma source(%dma_start3A_17 : memref<632x128xf32, #tpu.memory_space<hbm>>) target(%dma_start3A_15 : memref<632x128xf32, #tpu.memory_space<vmem_shared>>) target_semaphore(%run_scoped3A : memref<!tpu.dma_semaphore, #tpu.memory_space<semaphore_mem>>)
      %dma_wait3A = arith.constant 0 : i32
      %dma_wait3A_18 = tpu.memref_slice %arg10[%mul3A_2, %dma_wait3A] : memref<10112x128xf32, #tpu.memory_space<vmem_shared>> -> memref<632x128xf32, #tpu.memory_space<vmem_shared>>
      %dma_wait3A_19 = arith.constant 0 : i32
      %dma_wait3A_20 = tpu.memref_slice %arg5[%mul3A_2, %dma_wait3A_19] : memref<10112x128xf32, #tpu.memory_space<hbm>> -> memref<632x128xf32, #tpu.memory_space<hbm>>
      tpu.wait_dma2 semaphore(%run_scoped3A : memref<!tpu.dma_semaphore, #tpu.memory_space<semaphore_mem>>) src(%dma_wait3A_20 : memref<632x128xf32, #tpu.memory_space<hbm>>) dst(%dma_wait3A_18 : memref<632x128xf32, #tpu.memory_space<vmem_shared>>)
      tpu.yield
    }) : () -> ()
    %barrier3A = arith.constant 0 : index
    tpu.barrier barrier_id(%barrier3A)
    "tpu.region"() ({
      %run_scoped3A = tpu.sem_alloc : memref<!tpu.dma_semaphore, #tpu.memory_space<semaphore_mem>>
      %dma_start3A = arith.constant 0 : i32
      %dma_start3A_15 = arith.constant 0 : i32
      %dma_start3A_16 = tpu.memref_slice %arg3[%add3A, %dma_start3A, %dma_start3A_15] : memref<32x80x128xi32, #tpu.memory_space<hbm>> -> memref<1x40x128xi32, #tpu.memory_space<hbm>>
      %dma_start3A_17 = tpu.memref_squeeze %dma_start3A_16 : memref<1x40x128xi32, #tpu.memory_space<hbm>> -> memref<40x128xi32, #tpu.memory_space<hbm>>
      %dma_start3A_18 = arith.constant 0 : i32
      %dma_start3A_19 = arith.constant 0 : i32
      %dma_start3A_20 = tpu.memref_slice %arg3[%add3A, %dma_start3A_18, %dma_start3A_19] : memref<32x80x128xi32, #tpu.memory_space<hbm>> -> memref<1x40x128xi32, #tpu.memory_space<hbm>>
      %dma_start3A_21 = tpu.memref_squeeze %dma_start3A_20 : memref<1x40x128xi32, #tpu.memory_space<hbm>> -> memref<40x128xi32, #tpu.memory_space<hbm>>
      tpu.enqueue_dma source(%dma_start3A_21 : memref<40x128xi32, #tpu.memory_space<hbm>>) target(%arg7 : memref<40x128xi32, #tpu.memory_space<vmem>>) target_semaphore(%run_scoped3A : memref<!tpu.dma_semaphore, #tpu.memory_space<semaphore_mem>>)
      %dma_wait3A = arith.constant 0 : i32
      %dma_wait3A_22 = arith.constant 0 : i32
      %dma_wait3A_23 = tpu.memref_slice %arg3[%add3A, %dma_wait3A, %dma_wait3A_22] : memref<32x80x128xi32, #tpu.memory_space<hbm>> -> memref<1x40x128xi32, #tpu.memory_space<hbm>>
      %dma_wait3A_24 = tpu.memref_squeeze %dma_wait3A_23 : memref<1x40x128xi32, #tpu.memory_space<hbm>> -> memref<40x128xi32, #tpu.memory_space<hbm>>
      %dma_wait3A_25 = arith.constant 0 : i32
      %dma_wait3A_26 = arith.constant 0 : i32
      %dma_wait3A_27 = tpu.memref_slice %arg3[%add3A, %dma_wait3A_25, %dma_wait3A_26] : memref<32x80x128xi32, #tpu.memory_space<hbm>> -> memref<1x40x128xi32, #tpu.memory_space<hbm>>
      %dma_wait3A_28 = tpu.memref_squeeze %dma_wait3A_27 : memref<1x40x128xi32, #tpu.memory_space<hbm>> -> memref<40x128xi32, #tpu.memory_space<hbm>>
      tpu.wait_dma2 semaphore(%run_scoped3A : memref<!tpu.dma_semaphore, #tpu.memory_space<semaphore_mem>>) src(%dma_wait3A_28 : memref<40x128xi32, #tpu.memory_space<hbm>>) dst(%arg7 : memref<40x128xi32, #tpu.memory_space<vmem>>)
      tpu.yield
    }) : () -> ()
    "tpu.region"() ({
      %run_scoped3A = tpu.sem_alloc : memref<!tpu.dma_semaphore, #tpu.memory_space<semaphore_mem>>
      %dma_start3A = arith.constant 0 : i32
      %dma_start3A_15 = arith.constant 0 : i32
      %dma_start3A_16 = tpu.memref_slice %arg4[%add3A, %dma_start3A, %dma_start3A_15] : memref<32x80x128xi32, #tpu.memory_space<hbm>> -> memref<1x40x128xi32, #tpu.memory_space<hbm>>
      %dma_start3A_17 = tpu.memref_squeeze %dma_start3A_16 : memref<1x40x128xi32, #tpu.memory_space<hbm>> -> memref<40x128xi32, #tpu.memory_space<hbm>>
      %dma_start3A_18 = arith.constant 0 : i32
      %dma_start3A_19 = arith.constant 0 : i32
      %dma_start3A_20 = tpu.memref_slice %arg4[%add3A, %dma_start3A_18, %dma_start3A_19] : memref<32x80x128xi32, #tpu.memory_space<hbm>> -> memref<1x40x128xi32, #tpu.memory_space<hbm>>
      %dma_start3A_21 = tpu.memref_squeeze %dma_start3A_20 : memref<1x40x128xi32, #tpu.memory_space<hbm>> -> memref<40x128xi32, #tpu.memory_space<hbm>>
      tpu.enqueue_dma source(%dma_start3A_21 : memref<40x128xi32, #tpu.memory_space<hbm>>) target(%arg8 : memref<40x128xi32, #tpu.memory_space<vmem>>) target_semaphore(%run_scoped3A : memref<!tpu.dma_semaphore, #tpu.memory_space<semaphore_mem>>)
      %dma_wait3A = arith.constant 0 : i32
      %dma_wait3A_22 = arith.constant 0 : i32
      %dma_wait3A_23 = tpu.memref_slice %arg4[%add3A, %dma_wait3A, %dma_wait3A_22] : memref<32x80x128xi32, #tpu.memory_space<hbm>> -> memref<1x40x128xi32, #tpu.memory_space<hbm>>
      %dma_wait3A_24 = tpu.memref_squeeze %dma_wait3A_23 : memref<1x40x128xi32, #tpu.memory_space<hbm>> -> memref<40x128xi32, #tpu.memory_space<hbm>>
      %dma_wait3A_25 = arith.constant 0 : i32
      %dma_wait3A_26 = arith.constant 0 : i32
      %dma_wait3A_27 = tpu.memref_slice %arg4[%add3A, %dma_wait3A_25, %dma_wait3A_26] : memref<32x80x128xi32, #tpu.memory_space<hbm>> -> memref<1x40x128xi32, #tpu.memory_space<hbm>>
      %dma_wait3A_28 = tpu.memref_squeeze %dma_wait3A_27 : memref<1x40x128xi32, #tpu.memory_space<hbm>> -> memref<40x128xi32, #tpu.memory_space<hbm>>
      tpu.wait_dma2 semaphore(%run_scoped3A : memref<!tpu.dma_semaphore, #tpu.memory_space<semaphore_mem>>) src(%dma_wait3A_28 : memref<40x128xi32, #tpu.memory_space<hbm>>) dst(%arg8 : memref<40x128xi32, #tpu.memory_space<vmem>>)
      tpu.yield
    }) : () -> ()
    %scan3A = arith.constant 0 : i32
    %scan3A_3 = arith.constant 0 : i32
    %scan3A_4 = arith.constant 10 : i32
    %scan3A_5 = arith.addi %scan3A_3, %scan3A_4 : i32
    %scan3A_6 = arith.constant 1 : i32
    scf.for %scan3A_15 = %scan3A_3 to %scan3A_5 step %scan3A_6  : i32 {
      %mul3A_16 = arith.constant 4 : i32
      %mul3A_17 = arith.muli %scan3A_15, %mul3A_16 : i32
      %add3A_18 = arith.constant 0 : i32
      %add3A_19 = arith.addi %mul3A_17, %add3A_18 : i32
      %run_scoped3A = arith.constant 0 : i32
      "tpu.region"() ({
        %run_scoped3A_115 = tpu.sem_alloc : memref<!tpu.dma_semaphore, #tpu.memory_space<semaphore_mem>>
        %dma_start3A_116 = arith.constant 0 : i32
        %dma_start3A_117 = arith.constant 0 : i32
        %dma_start3A_118 = tpu.memref_slice %arg9[%run_scoped3A, %dma_start3A_116, %dma_start3A_117] : memref<2x128x128xf32, #tpu.memory_space<vmem>> -> memref<1x128x128xf32, #tpu.memory_space<vmem>>
        %dma_start3A_119 = tpu.memref_squeeze %dma_start3A_118 : memref<1x128x128xf32, #tpu.memory_space<vmem>> -> memref<128x128xf32, #tpu.memory_space<vmem>>
        %dma_start3A_120 = arith.constant 0 : i32
        %dma_start3A_121 = tpu.memref_slice %arg7[%add3A_19, %dma_start3A_120] : memref<40x128xi32, #tpu.memory_space<vmem>> -> memref<1x128xi32, #tpu.memory_space<vmem>>
        %dma_start3A_122 = tpu.memref_squeeze %dma_start3A_121 : memref<1x128xi32, #tpu.memory_space<vmem>> -> memref<128xi32, #tpu.memory_space<vmem>>
        %dma_start3A_123 = arith.constant 0 : i32
        %dma_start3A_124 = arith.constant 0 : i32
        %dma_start3A_125 = tpu.memref_slice %arg2[%dma_start3A_123, %dma_start3A_124] : memref<10000x128xf32, #tpu.memory_space<hbm>> -> memref<10000x128xf32, #tpu.memory_space<hbm>>
        tpu.enqueue_indirect_dma source(%dma_start3A_125 : memref<10000x128xf32, #tpu.memory_space<hbm>>) target(%dma_start3A_119 : memref<128x128xf32, #tpu.memory_space<vmem>>) offsets(%dma_start3A_122 : memref<128xi32, #tpu.memory_space<vmem>>) semaphore(%run_scoped3A_115 : memref<!tpu.dma_semaphore, #tpu.memory_space<semaphore_mem>>)
        %dma_wait3A_126 = arith.constant 0 : i32
        %dma_wait3A_127 = arith.constant 0 : i32
        %dma_wait3A_128 = tpu.memref_slice %arg9[%run_scoped3A, %dma_wait3A_126, %dma_wait3A_127] : memref<2x128x128xf32, #tpu.memory_space<vmem>> -> memref<1x128x128xf32, #tpu.memory_space<vmem>>
        %dma_wait3A_129 = tpu.memref_squeeze %dma_wait3A_128 : memref<1x128x128xf32, #tpu.memory_space<vmem>> -> memref<128x128xf32, #tpu.memory_space<vmem>>
        %dma_wait3A_130 = arith.constant 0 : i32
        %dma_wait3A_131 = tpu.memref_slice %arg7[%add3A_19, %dma_wait3A_130] : memref<40x128xi32, #tpu.memory_space<vmem>> -> memref<1x128xi32, #tpu.memory_space<vmem>>
        %dma_wait3A_132 = tpu.memref_squeeze %dma_wait3A_131 : memref<1x128xi32, #tpu.memory_space<vmem>> -> memref<128xi32, #tpu.memory_space<vmem>>
        %dma_wait3A_133 = arith.constant 0 : i32
        %dma_wait3A_134 = arith.constant 0 : i32
        %dma_wait3A_135 = tpu.memref_slice %arg2[%dma_wait3A_133, %dma_wait3A_134] : memref<10000x128xf32, #tpu.memory_space<hbm>> -> memref<10000x128xf32, #tpu.memory_space<hbm>>
        tpu.wait_indirect_dma semaphore(%run_scoped3A_115 : memref<!tpu.dma_semaphore, #tpu.memory_space<semaphore_mem>>) src(%dma_wait3A_135 : memref<10000x128xf32, #tpu.memory_space<hbm>>) dst(%dma_wait3A_129 : memref<128x128xf32, #tpu.memory_space<vmem>>)
        tpu.yield
      }) : () -> ()
      %dma_start3A = arith.constant 0 : i32
      %dma_start3A_20 = arith.constant 0 : i32
      %dma_start3A_21 = arith.constant 0 : i32
      %dma_start3A_22 = tpu.memref_slice %arg9[%dma_start3A, %dma_start3A_20, %dma_start3A_21] : memref<2x128x128xf32, #tpu.memory_space<vmem>> -> memref<1x128x128xf32, #tpu.memory_space<vmem>>
      %dma_start3A_23 = tpu.memref_squeeze %dma_start3A_22 : memref<1x128x128xf32, #tpu.memory_space<vmem>> -> memref<128x128xf32, #tpu.memory_space<vmem>>
      %dma_start3A_24 = arith.constant 0 : i32
      %dma_start3A_25 = tpu.memref_slice %arg8[%add3A_19, %dma_start3A_24] : memref<40x128xi32, #tpu.memory_space<vmem>> -> memref<1x128xi32, #tpu.memory_space<vmem>>
      %dma_start3A_26 = tpu.memref_squeeze %dma_start3A_25 : memref<1x128xi32, #tpu.memory_space<vmem>> -> memref<128xi32, #tpu.memory_space<vmem>>
      %dma_start3A_27 = arith.constant 0 : i32
      %dma_start3A_28 = arith.constant 0 : i32
      %dma_start3A_29 = tpu.memref_slice %arg10[%dma_start3A_27, %dma_start3A_28] : memref<10112x128xf32, #tpu.memory_space<vmem_shared>> -> memref<10112x128xf32, #tpu.memory_space<vmem_shared>>
      tpu.enqueue_indirect_dma source(%dma_start3A_23 : memref<128x128xf32, #tpu.memory_space<vmem>>) target(%dma_start3A_29 : memref<10112x128xf32, #tpu.memory_space<vmem_shared>>) offsets(%dma_start3A_26 : memref<128xi32, #tpu.memory_space<vmem>>) semaphore(%arg11 : memref<!tpu.dma_semaphore, #tpu.memory_space<semaphore_mem>>) {add = true}
      %add3A_30 = arith.constant 1 : i32
      %add3A_31 = arith.addi %mul3A_17, %add3A_30 : i32
      %run_scoped3A_32 = arith.constant 1 : i32
      "tpu.region"() ({
        %run_scoped3A_115 = tpu.sem_alloc : memref<!tpu.dma_semaphore, #tpu.memory_space<semaphore_mem>>
        %dma_start3A_116 = arith.constant 0 : i32
        %dma_start3A_117 = arith.constant 0 : i32
        %dma_start3A_118 = tpu.memref_slice %arg9[%run_scoped3A_32, %dma_start3A_116, %dma_start3A_117] : memref<2x128x128xf32, #tpu.memory_space<vmem>> -> memref<1x128x128xf32, #tpu.memory_space<vmem>>
        %dma_start3A_119 = tpu.memref_squeeze %dma_start3A_118 : memref<1x128x128xf32, #tpu.memory_space<vmem>> -> memref<128x128xf32, #tpu.memory_space<vmem>>
        %dma_start3A_120 = arith.constant 0 : i32
        %dma_start3A_121 = tpu.memref_slice %arg7[%add3A_31, %dma_start3A_120] : memref<40x128xi32, #tpu.memory_space<vmem>> -> memref<1x128xi32, #tpu.memory_space<vmem>>
        %dma_start3A_122 = tpu.memref_squeeze %dma_start3A_121 : memref<1x128xi32, #tpu.memory_space<vmem>> -> memref<128xi32, #tpu.memory_space<vmem>>
        %dma_start3A_123 = arith.constant 0 : i32
        %dma_start3A_124 = arith.constant 0 : i32
        %dma_start3A_125 = tpu.memref_slice %arg2[%dma_start3A_123, %dma_start3A_124] : memref<10000x128xf32, #tpu.memory_space<hbm>> -> memref<10000x128xf32, #tpu.memory_space<hbm>>
        tpu.enqueue_indirect_dma source(%dma_start3A_125 : memref<10000x128xf32, #tpu.memory_space<hbm>>) target(%dma_start3A_119 : memref<128x128xf32, #tpu.memory_space<vmem>>) offsets(%dma_start3A_122 : memref<128xi32, #tpu.memory_space<vmem>>) semaphore(%run_scoped3A_115 : memref<!tpu.dma_semaphore, #tpu.memory_space<semaphore_mem>>)
        %dma_wait3A_126 = arith.constant 0 : i32
        %dma_wait3A_127 = arith.constant 0 : i32
        %dma_wait3A_128 = tpu.memref_slice %arg9[%run_scoped3A_32, %dma_wait3A_126, %dma_wait3A_127] : memref<2x128x128xf32, #tpu.memory_space<vmem>> -> memref<1x128x128xf32, #tpu.memory_space<vmem>>
        %dma_wait3A_129 = tpu.memref_squeeze %dma_wait3A_128 : memref<1x128x128xf32, #tpu.memory_space<vmem>> -> memref<128x128xf32, #tpu.memory_space<vmem>>
        %dma_wait3A_130 = arith.constant 0 : i32
        %dma_wait3A_131 = tpu.memref_slice %arg7[%add3A_31, %dma_wait3A_130] : memref<40x128xi32, #tpu.memory_space<vmem>> -> memref<1x128xi32, #tpu.memory_space<vmem>>
        %dma_wait3A_132 = tpu.memref_squeeze %dma_wait3A_131 : memref<1x128xi32, #tpu.memory_space<vmem>> -> memref<128xi32, #tpu.memory_space<vmem>>
        %dma_wait3A_133 = arith.constant 0 : i32
        %dma_wait3A_134 = arith.constant 0 : i32
        %dma_wait3A_135 = tpu.memref_slice %arg2[%dma_wait3A_133, %dma_wait3A_134] : memref<10000x128xf32, #tpu.memory_space<hbm>> -> memref<10000x128xf32, #tpu.memory_space<hbm>>
        tpu.wait_indirect_dma semaphore(%run_scoped3A_115 : memref<!tpu.dma_semaphore, #tpu.memory_space<semaphore_mem>>) src(%dma_wait3A_135 : memref<10000x128xf32, #tpu.memory_space<hbm>>) dst(%dma_wait3A_129 : memref<128x128xf32, #tpu.memory_space<vmem>>)
        tpu.yield
      }) : () -> ()
      %dma_start3A_33 = arith.constant 1 : i32
      %dma_start3A_34 = arith.constant 0 : i32
      %dma_start3A_35 = arith.constant 0 : i32
      %dma_start3A_36 = tpu.memref_slice %arg9[%dma_start3A_33, %dma_start3A_34, %dma_start3A_35] : memref<2x128x128xf32, #tpu.memory_space<vmem>> -> memref<1x128x128xf32, #tpu.memory_space<vmem>>
      %dma_start3A_37 = tpu.memref_squeeze %dma_start3A_36 : memref<1x128x128xf32, #tpu.memory_space<vmem>> -> memref<128x128xf32, #tpu.memory_space<vmem>>
      %dma_start3A_38 = arith.constant 0 : i32
      %dma_start3A_39 = tpu.memref_slice %arg8[%add3A_31, %dma_start3A_38] : memref<40x128xi32, #tpu.memory_space<vmem>> -> memref<1x128xi32, #tpu.memory_space<vmem>>
      %dma_start3A_40 = tpu.memref_squeeze %dma_start3A_39 : memref<1x128xi32, #tpu.memory_space<vmem>> -> memref<128xi32, #tpu.memory_space<vmem>>
      %dma_start3A_41 = arith.constant 0 : i32
      %dma_start3A_42 = arith.constant 0 : i32
      %dma_start3A_43 = tpu.memref_slice %arg10[%dma_start3A_41, %dma_start3A_42] : memref<10112x128xf32, #tpu.memory_space<vmem_shared>> -> memref<10112x128xf32, #tpu.memory_space<vmem_shared>>
      tpu.enqueue_indirect_dma source(%dma_start3A_37 : memref<128x128xf32, #tpu.memory_space<vmem>>) target(%dma_start3A_43 : memref<10112x128xf32, #tpu.memory_space<vmem_shared>>) offsets(%dma_start3A_40 : memref<128xi32, #tpu.memory_space<vmem>>) semaphore(%arg12 : memref<!tpu.dma_semaphore, #tpu.memory_space<semaphore_mem>>) {add = true}
      %dma_wait3A = arith.constant 0 : i32
      %dma_wait3A_44 = arith.constant 0 : i32
      %dma_wait3A_45 = arith.constant 0 : i32
      %dma_wait3A_46 = tpu.memref_slice %arg9[%dma_wait3A, %dma_wait3A_44, %dma_wait3A_45] : memref<2x128x128xf32, #tpu.memory_space<vmem>> -> memref<1x128x128xf32, #tpu.memory_space<vmem>>
      %dma_wait3A_47 = tpu.memref_squeeze %dma_wait3A_46 : memref<1x128x128xf32, #tpu.memory_space<vmem>> -> memref<128x128xf32, #tpu.memory_space<vmem>>
      %dma_wait3A_48 = arith.constant 0 : i32
      %dma_wait3A_49 = tpu.memref_slice %arg8[%add3A_19, %dma_wait3A_48] : memref<40x128xi32, #tpu.memory_space<vmem>> -> memref<1x128xi32, #tpu.memory_space<vmem>>
      %dma_wait3A_50 = tpu.memref_squeeze %dma_wait3A_49 : memref<1x128xi32, #tpu.memory_space<vmem>> -> memref<128xi32, #tpu.memory_space<vmem>>
      %dma_wait3A_51 = arith.constant 0 : i32
      %dma_wait3A_52 = arith.constant 0 : i32
      %dma_wait3A_53 = tpu.memref_slice %arg10[%dma_wait3A_51, %dma_wait3A_52] : memref<10112x128xf32, #tpu.memory_space<vmem_shared>> -> memref<10112x128xf32, #tpu.memory_space<vmem_shared>>
      tpu.wait_indirect_dma semaphore(%arg11 : memref<!tpu.dma_semaphore, #tpu.memory_space<semaphore_mem>>) src(%dma_wait3A_47 : memref<128x128xf32, #tpu.memory_space<vmem>>) dst(%dma_wait3A_53 : memref<10112x128xf32, #tpu.memory_space<vmem_shared>>)
      %add3A_54 = arith.constant 2 : i32
      %add3A_55 = arith.addi %mul3A_17, %add3A_54 : i32
      %run_scoped3A_56 = arith.constant 0 : i32
      "tpu.region"() ({
        %run_scoped3A_115 = tpu.sem_alloc : memref<!tpu.dma_semaphore, #tpu.memory_space<semaphore_mem>>
        %dma_start3A_116 = arith.constant 0 : i32
        %dma_start3A_117 = arith.constant 0 : i32
        %dma_start3A_118 = tpu.memref_slice %arg9[%run_scoped3A_56, %dma_start3A_116, %dma_start3A_117] : memref<2x128x128xf32, #tpu.memory_space<vmem>> -> memref<1x128x128xf32, #tpu.memory_space<vmem>>
        %dma_start3A_119 = tpu.memref_squeeze %dma_start3A_118 : memref<1x128x128xf32, #tpu.memory_space<vmem>> -> memref<128x128xf32, #tpu.memory_space<vmem>>
        %dma_start3A_120 = arith.constant 0 : i32
        %dma_start3A_121 = tpu.memref_slice %arg7[%add3A_55, %dma_start3A_120] : memref<40x128xi32, #tpu.memory_space<vmem>> -> memref<1x128xi32, #tpu.memory_space<vmem>>
        %dma_start3A_122 = tpu.memref_squeeze %dma_start3A_121 : memref<1x128xi32, #tpu.memory_space<vmem>> -> memref<128xi32, #tpu.memory_space<vmem>>
        %dma_start3A_123 = arith.constant 0 : i32
        %dma_start3A_124 = arith.constant 0 : i32
        %dma_start3A_125 = tpu.memref_slice %arg2[%dma_start3A_123, %dma_start3A_124] : memref<10000x128xf32, #tpu.memory_space<hbm>> -> memref<10000x128xf32, #tpu.memory_space<hbm>>
        tpu.enqueue_indirect_dma source(%dma_start3A_125 : memref<10000x128xf32, #tpu.memory_space<hbm>>) target(%dma_start3A_119 : memref<128x128xf32, #tpu.memory_space<vmem>>) offsets(%dma_start3A_122 : memref<128xi32, #tpu.memory_space<vmem>>) semaphore(%run_scoped3A_115 : memref<!tpu.dma_semaphore, #tpu.memory_space<semaphore_mem>>)
        %dma_wait3A_126 = arith.constant 0 : i32
        %dma_wait3A_127 = arith.constant 0 : i32
        %dma_wait3A_128 = tpu.memref_slice %arg9[%run_scoped3A_56, %dma_wait3A_126, %dma_wait3A_127] : memref<2x128x128xf32, #tpu.memory_space<vmem>> -> memref<1x128x128xf32, #tpu.memory_space<vmem>>
        %dma_wait3A_129 = tpu.memref_squeeze %dma_wait3A_128 : memref<1x128x128xf32, #tpu.memory_space<vmem>> -> memref<128x128xf32, #tpu.memory_space<vmem>>
        %dma_wait3A_130 = arith.constant 0 : i32
        %dma_wait3A_131 = tpu.memref_slice %arg7[%add3A_55, %dma_wait3A_130] : memref<40x128xi32, #tpu.memory_space<vmem>> -> memref<1x128xi32, #tpu.memory_space<vmem>>
        %dma_wait3A_132 = tpu.memref_squeeze %dma_wait3A_131 : memref<1x128xi32, #tpu.memory_space<vmem>> -> memref<128xi32, #tpu.memory_space<vmem>>
        %dma_wait3A_133 = arith.constant 0 : i32
        %dma_wait3A_134 = arith.constant 0 : i32
        %dma_wait3A_135 = tpu.memref_slice %arg2[%dma_wait3A_133, %dma_wait3A_134] : memref<10000x128xf32, #tpu.memory_space<hbm>> -> memref<10000x128xf32, #tpu.memory_space<hbm>>
        tpu.wait_indirect_dma semaphore(%run_scoped3A_115 : memref<!tpu.dma_semaphore, #tpu.memory_space<semaphore_mem>>) src(%dma_wait3A_135 : memref<10000x128xf32, #tpu.memory_space<hbm>>) dst(%dma_wait3A_129 : memref<128x128xf32, #tpu.memory_space<vmem>>)
        tpu.yield
      }) : () -> ()
      %dma_start3A_57 = arith.constant 0 : i32
      %dma_start3A_58 = arith.constant 0 : i32
      %dma_start3A_59 = arith.constant 0 : i32
      %dma_start3A_60 = tpu.memref_slice %arg9[%dma_start3A_57, %dma_start3A_58, %dma_start3A_59] : memref<2x128x128xf32, #tpu.memory_space<vmem>> -> memref<1x128x128xf32, #tpu.memory_space<vmem>>
      %dma_start3A_61 = tpu.memref_squeeze %dma_start3A_60 : memref<1x128x128xf32, #tpu.memory_space<vmem>> -> memref<128x128xf32, #tpu.memory_space<vmem>>
      %dma_start3A_62 = arith.constant 0 : i32
      %dma_start3A_63 = tpu.memref_slice %arg8[%add3A_55, %dma_start3A_62] : memref<40x128xi32, #tpu.memory_space<vmem>> -> memref<1x128xi32, #tpu.memory_space<vmem>>
      %dma_start3A_64 = tpu.memref_squeeze %dma_start3A_63 : memref<1x128xi32, #tpu.memory_space<vmem>> -> memref<128xi32, #tpu.memory_space<vmem>>
      %dma_start3A_65 = arith.constant 0 : i32
      %dma_start3A_66 = arith.constant 0 : i32
      %dma_start3A_67 = tpu.memref_slice %arg10[%dma_start3A_65, %dma_start3A_66] : memref<10112x128xf32, #tpu.memory_space<vmem_shared>> -> memref<10112x128xf32, #tpu.memory_space<vmem_shared>>
      tpu.enqueue_indirect_dma source(%dma_start3A_61 : memref<128x128xf32, #tpu.memory_space<vmem>>) target(%dma_start3A_67 : memref<10112x128xf32, #tpu.memory_space<vmem_shared>>) offsets(%dma_start3A_64 : memref<128xi32, #tpu.memory_space<vmem>>) semaphore(%arg11 : memref<!tpu.dma_semaphore, #tpu.memory_space<semaphore_mem>>) {add = true}
      %dma_wait3A_68 = arith.constant 1 : i32
      %dma_wait3A_69 = arith.constant 0 : i32
      %dma_wait3A_70 = arith.constant 0 : i32
      %dma_wait3A_71 = tpu.memref_slice %arg9[%dma_wait3A_68, %dma_wait3A_69, %dma_wait3A_70] : memref<2x128x128xf32, #tpu.memory_space<vmem>> -> memref<1x128x128xf32, #tpu.memory_space<vmem>>
      %dma_wait3A_72 = tpu.memref_squeeze %dma_wait3A_71 : memref<1x128x128xf32, #tpu.memory_space<vmem>> -> memref<128x128xf32, #tpu.memory_space<vmem>>
      %dma_wait3A_73 = arith.constant 0 : i32
      %dma_wait3A_74 = tpu.memref_slice %arg8[%add3A_31, %dma_wait3A_73] : memref<40x128xi32, #tpu.memory_space<vmem>> -> memref<1x128xi32, #tpu.memory_space<vmem>>
      %dma_wait3A_75 = tpu.memref_squeeze %dma_wait3A_74 : memref<1x128xi32, #tpu.memory_space<vmem>> -> memref<128xi32, #tpu.memory_space<vmem>>
      %dma_wait3A_76 = arith.constant 0 : i32
      %dma_wait3A_77 = arith.constant 0 : i32
      %dma_wait3A_78 = tpu.memref_slice %arg10[%dma_wait3A_76, %dma_wait3A_77] : memref<10112x128xf32, #tpu.memory_space<vmem_shared>> -> memref<10112x128xf32, #tpu.memory_space<vmem_shared>>
      tpu.wait_indirect_dma semaphore(%arg12 : memref<!tpu.dma_semaphore, #tpu.memory_space<semaphore_mem>>) src(%dma_wait3A_72 : memref<128x128xf32, #tpu.memory_space<vmem>>) dst(%dma_wait3A_78 : memref<10112x128xf32, #tpu.memory_space<vmem_shared>>)
      %add3A_79 = arith.constant 3 : i32
      %add3A_80 = arith.addi %mul3A_17, %add3A_79 : i32
      %run_scoped3A_81 = arith.constant 1 : i32
      "tpu.region"() ({
        %run_scoped3A_115 = tpu.sem_alloc : memref<!tpu.dma_semaphore, #tpu.memory_space<semaphore_mem>>
        %dma_start3A_116 = arith.constant 0 : i32
        %dma_start3A_117 = arith.constant 0 : i32
        %dma_start3A_118 = tpu.memref_slice %arg9[%run_scoped3A_81, %dma_start3A_116, %dma_start3A_117] : memref<2x128x128xf32, #tpu.memory_space<vmem>> -> memref<1x128x128xf32, #tpu.memory_space<vmem>>
        %dma_start3A_119 = tpu.memref_squeeze %dma_start3A_118 : memref<1x128x128xf32, #tpu.memory_space<vmem>> -> memref<128x128xf32, #tpu.memory_space<vmem>>
        %dma_start3A_120 = arith.constant 0 : i32
        %dma_start3A_121 = tpu.memref_slice %arg7[%add3A_80, %dma_start3A_120] : memref<40x128xi32, #tpu.memory_space<vmem>> -> memref<1x128xi32, #tpu.memory_space<vmem>>
        %dma_start3A_122 = tpu.memref_squeeze %dma_start3A_121 : memref<1x128xi32, #tpu.memory_space<vmem>> -> memref<128xi32, #tpu.memory_space<vmem>>
        %dma_start3A_123 = arith.constant 0 : i32
        %dma_start3A_124 = arith.constant 0 : i32
        %dma_start3A_125 = tpu.memref_slice %arg2[%dma_start3A_123, %dma_start3A_124] : memref<10000x128xf32, #tpu.memory_space<hbm>> -> memref<10000x128xf32, #tpu.memory_space<hbm>>
        tpu.enqueue_indirect_dma source(%dma_start3A_125 : memref<10000x128xf32, #tpu.memory_space<hbm>>) target(%dma_start3A_119 : memref<128x128xf32, #tpu.memory_space<vmem>>) offsets(%dma_start3A_122 : memref<128xi32, #tpu.memory_space<vmem>>) semaphore(%run_scoped3A_115 : memref<!tpu.dma_semaphore, #tpu.memory_space<semaphore_mem>>)
        %dma_wait3A_126 = arith.constant 0 : i32
        %dma_wait3A_127 = arith.constant 0 : i32
        %dma_wait3A_128 = tpu.memref_slice %arg9[%run_scoped3A_81, %dma_wait3A_126, %dma_wait3A_127] : memref<2x128x128xf32, #tpu.memory_space<vmem>> -> memref<1x128x128xf32, #tpu.memory_space<vmem>>
        %dma_wait3A_129 = tpu.memref_squeeze %dma_wait3A_128 : memref<1x128x128xf32, #tpu.memory_space<vmem>> -> memref<128x128xf32, #tpu.memory_space<vmem>>
        %dma_wait3A_130 = arith.constant 0 : i32
        %dma_wait3A_131 = tpu.memref_slice %arg7[%add3A_80, %dma_wait3A_130] : memref<40x128xi32, #tpu.memory_space<vmem>> -> memref<1x128xi32, #tpu.memory_space<vmem>>
        %dma_wait3A_132 = tpu.memref_squeeze %dma_wait3A_131 : memref<1x128xi32, #tpu.memory_space<vmem>> -> memref<128xi32, #tpu.memory_space<vmem>>
        %dma_wait3A_133 = arith.constant 0 : i32
        %dma_wait3A_134 = arith.constant 0 : i32
        %dma_wait3A_135 = tpu.memref_slice %arg2[%dma_wait3A_133, %dma_wait3A_134] : memref<10000x128xf32, #tpu.memory_space<hbm>> -> memref<10000x128xf32, #tpu.memory_space<hbm>>
        tpu.wait_indirect_dma semaphore(%run_scoped3A_115 : memref<!tpu.dma_semaphore, #tpu.memory_space<semaphore_mem>>) src(%dma_wait3A_135 : memref<10000x128xf32, #tpu.memory_space<hbm>>) dst(%dma_wait3A_129 : memref<128x128xf32, #tpu.memory_space<vmem>>)
        tpu.yield
      }) : () -> ()
      %dma_start3A_82 = arith.constant 1 : i32
      %dma_start3A_83 = arith.constant 0 : i32
      %dma_start3A_84 = arith.constant 0 : i32
      %dma_start3A_85 = tpu.memref_slice %arg9[%dma_start3A_82, %dma_start3A_83, %dma_start3A_84] : memref<2x128x128xf32, #tpu.memory_space<vmem>> -> memref<1x128x128xf32, #tpu.memory_space<vmem>>
      %dma_start3A_86 = tpu.memref_squeeze %dma_start3A_85 : memref<1x128x128xf32, #tpu.memory_space<vmem>> -> memref<128x128xf32, #tpu.memory_space<vmem>>
      %dma_start3A_87 = arith.constant 0 : i32
      %dma_start3A_88 = tpu.memref_slice %arg8[%add3A_80, %dma_start3A_87] : memref<40x128xi32, #tpu.memory_space<vmem>> -> memref<1x128xi32, #tpu.memory_space<vmem>>
      %dma_start3A_89 = tpu.memref_squeeze %dma_start3A_88 : memref<1x128xi32, #tpu.memory_space<vmem>> -> memref<128xi32, #tpu.memory_space<vmem>>
      %dma_start3A_90 = arith.constant 0 : i32
      %dma_start3A_91 = arith.constant 0 : i32
      %dma_start3A_92 = tpu.memref_slice %arg10[%dma_start3A_90, %dma_start3A_91] : memref<10112x128xf32, #tpu.memory_space<vmem_shared>> -> memref<10112x128xf32, #tpu.memory_space<vmem_shared>>
      tpu.enqueue_indirect_dma source(%dma_start3A_86 : memref<128x128xf32, #tpu.memory_space<vmem>>) target(%dma_start3A_92 : memref<10112x128xf32, #tpu.memory_space<vmem_shared>>) offsets(%dma_start3A_89 : memref<128xi32, #tpu.memory_space<vmem>>) semaphore(%arg12 : memref<!tpu.dma_semaphore, #tpu.memory_space<semaphore_mem>>) {add = true}
      %dma_wait3A_93 = arith.constant 0 : i32
      %dma_wait3A_94 = arith.constant 0 : i32
      %dma_wait3A_95 = arith.constant 0 : i32
      %dma_wait3A_96 = tpu.memref_slice %arg9[%dma_wait3A_93, %dma_wait3A_94, %dma_wait3A_95] : memref<2x128x128xf32, #tpu.memory_space<vmem>> -> memref<1x128x128xf32, #tpu.memory_space<vmem>>
      %dma_wait3A_97 = tpu.memref_squeeze %dma_wait3A_96 : memref<1x128x128xf32, #tpu.memory_space<vmem>> -> memref<128x128xf32, #tpu.memory_space<vmem>>
      %dma_wait3A_98 = arith.constant 0 : i32
      %dma_wait3A_99 = tpu.memref_slice %arg8[%add3A_55, %dma_wait3A_98] : memref<40x128xi32, #tpu.memory_space<vmem>> -> memref<1x128xi32, #tpu.memory_space<vmem>>
      %dma_wait3A_100 = tpu.memref_squeeze %dma_wait3A_99 : memref<1x128xi32, #tpu.memory_space<vmem>> -> memref<128xi32, #tpu.memory_space<vmem>>
      %dma_wait3A_101 = arith.constant 0 : i32
      %dma_wait3A_102 = arith.constant 0 : i32
      %dma_wait3A_103 = tpu.memref_slice %arg10[%dma_wait3A_101, %dma_wait3A_102] : memref<10112x128xf32, #tpu.memory_space<vmem_shared>> -> memref<10112x128xf32, #tpu.memory_space<vmem_shared>>
      tpu.wait_indirect_dma semaphore(%arg11 : memref<!tpu.dma_semaphore, #tpu.memory_space<semaphore_mem>>) src(%dma_wait3A_97 : memref<128x128xf32, #tpu.memory_space<vmem>>) dst(%dma_wait3A_103 : memref<10112x128xf32, #tpu.memory_space<vmem_shared>>)
      %dma_wait3A_104 = arith.constant 1 : i32
      %dma_wait3A_105 = arith.constant 0 : i32
      %dma_wait3A_106 = arith.constant 0 : i32
      %dma_wait3A_107 = tpu.memref_slice %arg9[%dma_wait3A_104, %dma_wait3A_105, %dma_wait3A_106] : memref<2x128x128xf32, #tpu.memory_space<vmem>> -> memref<1x128x128xf32, #tpu.memory_space<vmem>>
      %dma_wait3A_108 = tpu.memref_squeeze %dma_wait3A_107 : memref<1x128x128xf32, #tpu.memory_space<vmem>> -> memref<128x128xf32, #tpu.memory_space<vmem>>
      %dma_wait3A_109 = arith.constant 0 : i32
      %dma_wait3A_110 = tpu.memref_slice %arg8[%add3A_80, %dma_wait3A_109] : memref<40x128xi32, #tpu.memory_space<vmem>> -> memref<1x128xi32, #tpu.memory_space<vmem>>
      %dma_wait3A_111 = tpu.memref_squeeze %dma_wait3A_110 : memref<1x128xi32, #tpu.memory_space<vmem>> -> memref<128xi32, #tpu.memory_space<vmem>>
      %dma_wait3A_112 = arith.constant 0 : i32
      %dma_wait3A_113 = arith.constant 0 : i32
      %dma_wait3A_114 = tpu.memref_slice %arg10[%dma_wait3A_112, %dma_wait3A_113] : memref<10112x128xf32, #tpu.memory_space<vmem_shared>> -> memref<10112x128xf32, #tpu.memory_space<vmem_shared>>
      tpu.wait_indirect_dma semaphore(%arg12 : memref<!tpu.dma_semaphore, #tpu.memory_space<semaphore_mem>>) src(%dma_wait3A_108 : memref<128x128xf32, #tpu.memory_space<vmem>>) dst(%dma_wait3A_114 : memref<10112x128xf32, #tpu.memory_space<vmem_shared>>)
    }
    %scan3A_7 = arith.constant 10 : i32
    "tpu.region"() ({
      %run_scoped3A = tpu.sem_alloc : memref<!tpu.dma_semaphore, #tpu.memory_space<semaphore_mem>>
      %dma_start3A = arith.constant 40 : i32
      %dma_start3A_15 = arith.constant 0 : i32
      %dma_start3A_16 = tpu.memref_slice %arg3[%add3A, %dma_start3A, %dma_start3A_15] : memref<32x80x128xi32, #tpu.memory_space<hbm>> -> memref<1x40x128xi32, #tpu.memory_space<hbm>>
      %dma_start3A_17 = tpu.memref_squeeze %dma_start3A_16 : memref<1x40x128xi32, #tpu.memory_space<hbm>> -> memref<40x128xi32, #tpu.memory_space<hbm>>
      %dma_start3A_18 = arith.constant 40 : i32
      %dma_start3A_19 = arith.constant 0 : i32
      %dma_start3A_20 = tpu.memref_slice %arg3[%add3A, %dma_start3A_18, %dma_start3A_19] : memref<32x80x128xi32, #tpu.memory_space<hbm>> -> memref<1x40x128xi32, #tpu.memory_space<hbm>>
      %dma_start3A_21 = tpu.memref_squeeze %dma_start3A_20 : memref<1x40x128xi32, #tpu.memory_space<hbm>> -> memref<40x128xi32, #tpu.memory_space<hbm>>
      tpu.enqueue_dma source(%dma_start3A_21 : memref<40x128xi32, #tpu.memory_space<hbm>>) target(%arg7 : memref<40x128xi32, #tpu.memory_space<vmem>>) target_semaphore(%run_scoped3A : memref<!tpu.dma_semaphore, #tpu.memory_space<semaphore_mem>>)
      %dma_wait3A = arith.constant 40 : i32
      %dma_wait3A_22 = arith.constant 0 : i32
      %dma_wait3A_23 = tpu.memref_slice %arg3[%add3A, %dma_wait3A, %dma_wait3A_22] : memref<32x80x128xi32, #tpu.memory_space<hbm>> -> memref<1x40x128xi32, #tpu.memory_space<hbm>>
      %dma_wait3A_24 = tpu.memref_squeeze %dma_wait3A_23 : memref<1x40x128xi32, #tpu.memory_space<hbm>> -> memref<40x128xi32, #tpu.memory_space<hbm>>
      %dma_wait3A_25 = arith.constant 40 : i32
      %dma_wait3A_26 = arith.constant 0 : i32
      %dma_wait3A_27 = tpu.memref_slice %arg3[%add3A, %dma_wait3A_25, %dma_wait3A_26] : memref<32x80x128xi32, #tpu.memory_space<hbm>> -> memref<1x40x128xi32, #tpu.memory_space<hbm>>
      %dma_wait3A_28 = tpu.memref_squeeze %dma_wait3A_27 : memref<1x40x128xi32, #tpu.memory_space<hbm>> -> memref<40x128xi32, #tpu.memory_space<hbm>>
      tpu.wait_dma2 semaphore(%run_scoped3A : memref<!tpu.dma_semaphore, #tpu.memory_space<semaphore_mem>>) src(%dma_wait3A_28 : memref<40x128xi32, #tpu.memory_space<hbm>>) dst(%arg7 : memref<40x128xi32, #tpu.memory_space<vmem>>)
      tpu.yield
    }) : () -> ()
    "tpu.region"() ({
      %run_scoped3A = tpu.sem_alloc : memref<!tpu.dma_semaphore, #tpu.memory_space<semaphore_mem>>
      %dma_start3A = arith.constant 40 : i32
      %dma_start3A_15 = arith.constant 0 : i32
      %dma_start3A_16 = tpu.memref_slice %arg4[%add3A, %dma_start3A, %dma_start3A_15] : memref<32x80x128xi32, #tpu.memory_space<hbm>> -> memref<1x40x128xi32, #tpu.memory_space<hbm>>
      %dma_start3A_17 = tpu.memref_squeeze %dma_start3A_16 : memref<1x40x128xi32, #tpu.memory_space<hbm>> -> memref<40x128xi32, #tpu.memory_space<hbm>>
      %dma_start3A_18 = arith.constant 40 : i32
      %dma_start3A_19 = arith.constant 0 : i32
      %dma_start3A_20 = tpu.memref_slice %arg4[%add3A, %dma_start3A_18, %dma_start3A_19] : memref<32x80x128xi32, #tpu.memory_space<hbm>> -> memref<1x40x128xi32, #tpu.memory_space<hbm>>
      %dma_start3A_21 = tpu.memref_squeeze %dma_start3A_20 : memref<1x40x128xi32, #tpu.memory_space<hbm>> -> memref<40x128xi32, #tpu.memory_space<hbm>>
      tpu.enqueue_dma source(%dma_start3A_21 : memref<40x128xi32, #tpu.memory_space<hbm>>) target(%arg8 : memref<40x128xi32, #tpu.memory_space<vmem>>) target_semaphore(%run_scoped3A : memref<!tpu.dma_semaphore, #tpu.memory_space<semaphore_mem>>)
      %dma_wait3A = arith.constant 40 : i32
      %dma_wait3A_22 = arith.constant 0 : i32
      %dma_wait3A_23 = tpu.memref_slice %arg4[%add3A, %dma_wait3A, %dma_wait3A_22] : memref<32x80x128xi32, #tpu.memory_space<hbm>> -> memref<1x40x128xi32, #tpu.memory_space<hbm>>
      %dma_wait3A_24 = tpu.memref_squeeze %dma_wait3A_23 : memref<1x40x128xi32, #tpu.memory_space<hbm>> -> memref<40x128xi32, #tpu.memory_space<hbm>>
      %dma_wait3A_25 = arith.constant 40 : i32
      %dma_wait3A_26 = arith.constant 0 : i32
      %dma_wait3A_27 = tpu.memref_slice %arg4[%add3A, %dma_wait3A_25, %dma_wait3A_26] : memref<32x80x128xi32, #tpu.memory_space<hbm>> -> memref<1x40x128xi32, #tpu.memory_space<hbm>>
      %dma_wait3A_28 = tpu.memref_squeeze %dma_wait3A_27 : memref<1x40x128xi32, #tpu.memory_space<hbm>> -> memref<40x128xi32, #tpu.memory_space<hbm>>
      tpu.wait_dma2 semaphore(%run_scoped3A : memref<!tpu.dma_semaphore, #tpu.memory_space<semaphore_mem>>) src(%dma_wait3A_28 : memref<40x128xi32, #tpu.memory_space<hbm>>) dst(%arg8 : memref<40x128xi32, #tpu.memory_space<vmem>>)
      tpu.yield
    }) : () -> ()
    %scan3A_8 = arith.constant 0 : i32
    %scan3A_9 = arith.constant 0 : i32
    %scan3A_10 = arith.constant 10 : i32
    %scan3A_11 = arith.addi %scan3A_9, %scan3A_10 : i32
    %scan3A_12 = arith.constant 1 : i32
    scf.for %scan3A_15 = %scan3A_9 to %scan3A_11 step %scan3A_12  : i32 {
      %mul3A_16 = arith.constant 4 : i32
      %mul3A_17 = arith.muli %scan3A_15, %mul3A_16 : i32
      %add3A_18 = arith.constant 0 : i32
      %add3A_19 = arith.addi %mul3A_17, %add3A_18 : i32
      %run_scoped3A = arith.constant 0 : i32
      "tpu.region"() ({
        %run_scoped3A_115 = tpu.sem_alloc : memref<!tpu.dma_semaphore, #tpu.memory_space<semaphore_mem>>
        %dma_start3A_116 = arith.constant 0 : i32
        %dma_start3A_117 = arith.constant 0 : i32
        %dma_start3A_118 = tpu.memref_slice %arg9[%run_scoped3A, %dma_start3A_116, %dma_start3A_117] : memref<2x128x128xf32, #tpu.memory_space<vmem>> -> memref<1x128x128xf32, #tpu.memory_space<vmem>>
        %dma_start3A_119 = tpu.memref_squeeze %dma_start3A_118 : memref<1x128x128xf32, #tpu.memory_space<vmem>> -> memref<128x128xf32, #tpu.memory_space<vmem>>
        %dma_start3A_120 = arith.constant 0 : i32
        %dma_start3A_121 = tpu.memref_slice %arg7[%add3A_19, %dma_start3A_120] : memref<40x128xi32, #tpu.memory_space<vmem>> -> memref<1x128xi32, #tpu.memory_space<vmem>>
        %dma_start3A_122 = tpu.memref_squeeze %dma_start3A_121 : memref<1x128xi32, #tpu.memory_space<vmem>> -> memref<128xi32, #tpu.memory_space<vmem>>
        %dma_start3A_123 = arith.constant 0 : i32
        %dma_start3A_124 = arith.constant 0 : i32
        %dma_start3A_125 = tpu.memref_slice %arg2[%dma_start3A_123, %dma_start3A_124] : memref<10000x128xf32, #tpu.memory_space<hbm>> -> memref<10000x128xf32, #tpu.memory_space<hbm>>
        tpu.enqueue_indirect_dma source(%dma_start3A_125 : memref<10000x128xf32, #tpu.memory_space<hbm>>) target(%dma_start3A_119 : memref<128x128xf32, #tpu.memory_space<vmem>>) offsets(%dma_start3A_122 : memref<128xi32, #tpu.memory_space<vmem>>) semaphore(%run_scoped3A_115 : memref<!tpu.dma_semaphore, #tpu.memory_space<semaphore_mem>>)
        %dma_wait3A_126 = arith.constant 0 : i32
        %dma_wait3A_127 = arith.constant 0 : i32
        %dma_wait3A_128 = tpu.memref_slice %arg9[%run_scoped3A, %dma_wait3A_126, %dma_wait3A_127] : memref<2x128x128xf32, #tpu.memory_space<vmem>> -> memref<1x128x128xf32, #tpu.memory_space<vmem>>
        %dma_wait3A_129 = tpu.memref_squeeze %dma_wait3A_128 : memref<1x128x128xf32, #tpu.memory_space<vmem>> -> memref<128x128xf32, #tpu.memory_space<vmem>>
        %dma_wait3A_130 = arith.constant 0 : i32
        %dma_wait3A_131 = tpu.memref_slice %arg7[%add3A_19, %dma_wait3A_130] : memref<40x128xi32, #tpu.memory_space<vmem>> -> memref<1x128xi32, #tpu.memory_space<vmem>>
        %dma_wait3A_132 = tpu.memref_squeeze %dma_wait3A_131 : memref<1x128xi32, #tpu.memory_space<vmem>> -> memref<128xi32, #tpu.memory_space<vmem>>
        %dma_wait3A_133 = arith.constant 0 : i32
        %dma_wait3A_134 = arith.constant 0 : i32
        %dma_wait3A_135 = tpu.memref_slice %arg2[%dma_wait3A_133, %dma_wait3A_134] : memref<10000x128xf32, #tpu.memory_space<hbm>> -> memref<10000x128xf32, #tpu.memory_space<hbm>>
        tpu.wait_indirect_dma semaphore(%run_scoped3A_115 : memref<!tpu.dma_semaphore, #tpu.memory_space<semaphore_mem>>) src(%dma_wait3A_135 : memref<10000x128xf32, #tpu.memory_space<hbm>>) dst(%dma_wait3A_129 : memref<128x128xf32, #tpu.memory_space<vmem>>)
        tpu.yield
      }) : () -> ()
      %dma_start3A = arith.constant 0 : i32
      %dma_start3A_20 = arith.constant 0 : i32
      %dma_start3A_21 = arith.constant 0 : i32
      %dma_start3A_22 = tpu.memref_slice %arg9[%dma_start3A, %dma_start3A_20, %dma_start3A_21] : memref<2x128x128xf32, #tpu.memory_space<vmem>> -> memref<1x128x128xf32, #tpu.memory_space<vmem>>
      %dma_start3A_23 = tpu.memref_squeeze %dma_start3A_22 : memref<1x128x128xf32, #tpu.memory_space<vmem>> -> memref<128x128xf32, #tpu.memory_space<vmem>>
      %dma_start3A_24 = arith.constant 0 : i32
      %dma_start3A_25 = tpu.memref_slice %arg8[%add3A_19, %dma_start3A_24] : memref<40x128xi32, #tpu.memory_space<vmem>> -> memref<1x128xi32, #tpu.memory_space<vmem>>
      %dma_start3A_26 = tpu.memref_squeeze %dma_start3A_25 : memref<1x128xi32, #tpu.memory_space<vmem>> -> memref<128xi32, #tpu.memory_space<vmem>>
      %dma_start3A_27 = arith.constant 0 : i32
      %dma_start3A_28 = arith.constant 0 : i32
      %dma_start3A_29 = tpu.memref_slice %arg10[%dma_start3A_27, %dma_start3A_28] : memref<10112x128xf32, #tpu.memory_space<vmem_shared>> -> memref<10112x128xf32, #tpu.memory_space<vmem_shared>>
      tpu.enqueue_indirect_dma source(%dma_start3A_23 : memref<128x128xf32, #tpu.memory_space<vmem>>) target(%dma_start3A_29 : memref<10112x128xf32, #tpu.memory_space<vmem_shared>>) offsets(%dma_start3A_26 : memref<128xi32, #tpu.memory_space<vmem>>) semaphore(%arg11 : memref<!tpu.dma_semaphore, #tpu.memory_space<semaphore_mem>>) {add = true}
      %add3A_30 = arith.constant 1 : i32
      %add3A_31 = arith.addi %mul3A_17, %add3A_30 : i32
      %run_scoped3A_32 = arith.constant 1 : i32
      "tpu.region"() ({
        %run_scoped3A_115 = tpu.sem_alloc : memref<!tpu.dma_semaphore, #tpu.memory_space<semaphore_mem>>
        %dma_start3A_116 = arith.constant 0 : i32
        %dma_start3A_117 = arith.constant 0 : i32
        %dma_start3A_118 = tpu.memref_slice %arg9[%run_scoped3A_32, %dma_start3A_116, %dma_start3A_117] : memref<2x128x128xf32, #tpu.memory_space<vmem>> -> memref<1x128x128xf32, #tpu.memory_space<vmem>>
        %dma_start3A_119 = tpu.memref_squeeze %dma_start3A_118 : memref<1x128x128xf32, #tpu.memory_space<vmem>> -> memref<128x128xf32, #tpu.memory_space<vmem>>
        %dma_start3A_120 = arith.constant 0 : i32
        %dma_start3A_121 = tpu.memref_slice %arg7[%add3A_31, %dma_start3A_120] : memref<40x128xi32, #tpu.memory_space<vmem>> -> memref<1x128xi32, #tpu.memory_space<vmem>>
        %dma_start3A_122 = tpu.memref_squeeze %dma_start3A_121 : memref<1x128xi32, #tpu.memory_space<vmem>> -> memref<128xi32, #tpu.memory_space<vmem>>
        %dma_start3A_123 = arith.constant 0 : i32
        %dma_start3A_124 = arith.constant 0 : i32
        %dma_start3A_125 = tpu.memref_slice %arg2[%dma_start3A_123, %dma_start3A_124] : memref<10000x128xf32, #tpu.memory_space<hbm>> -> memref<10000x128xf32, #tpu.memory_space<hbm>>
        tpu.enqueue_indirect_dma source(%dma_start3A_125 : memref<10000x128xf32, #tpu.memory_space<hbm>>) target(%dma_start3A_119 : memref<128x128xf32, #tpu.memory_space<vmem>>) offsets(%dma_start3A_122 : memref<128xi32, #tpu.memory_space<vmem>>) semaphore(%run_scoped3A_115 : memref<!tpu.dma_semaphore, #tpu.memory_space<semaphore_mem>>)
        %dma_wait3A_126 = arith.constant 0 : i32
        %dma_wait3A_127 = arith.constant 0 : i32
        %dma_wait3A_128 = tpu.memref_slice %arg9[%run_scoped3A_32, %dma_wait3A_126, %dma_wait3A_127] : memref<2x128x128xf32, #tpu.memory_space<vmem>> -> memref<1x128x128xf32, #tpu.memory_space<vmem>>
        %dma_wait3A_129 = tpu.memref_squeeze %dma_wait3A_128 : memref<1x128x128xf32, #tpu.memory_space<vmem>> -> memref<128x128xf32, #tpu.memory_space<vmem>>
        %dma_wait3A_130 = arith.constant 0 : i32
        %dma_wait3A_131 = tpu.memref_slice %arg7[%add3A_31, %dma_wait3A_130] : memref<40x128xi32, #tpu.memory_space<vmem>> -> memref<1x128xi32, #tpu.memory_space<vmem>>
        %dma_wait3A_132 = tpu.memref_squeeze %dma_wait3A_131 : memref<1x128xi32, #tpu.memory_space<vmem>> -> memref<128xi32, #tpu.memory_space<vmem>>
        %dma_wait3A_133 = arith.constant 0 : i32
        %dma_wait3A_134 = arith.constant 0 : i32
        %dma_wait3A_135 = tpu.memref_slice %arg2[%dma_wait3A_133, %dma_wait3A_134] : memref<10000x128xf32, #tpu.memory_space<hbm>> -> memref<10000x128xf32, #tpu.memory_space<hbm>>
        tpu.wait_indirect_dma semaphore(%run_scoped3A_115 : memref<!tpu.dma_semaphore, #tpu.memory_space<semaphore_mem>>) src(%dma_wait3A_135 : memref<10000x128xf32, #tpu.memory_space<hbm>>) dst(%dma_wait3A_129 : memref<128x128xf32, #tpu.memory_space<vmem>>)
        tpu.yield
      }) : () -> ()
      %dma_start3A_33 = arith.constant 1 : i32
      %dma_start3A_34 = arith.constant 0 : i32
      %dma_start3A_35 = arith.constant 0 : i32
      %dma_start3A_36 = tpu.memref_slice %arg9[%dma_start3A_33, %dma_start3A_34, %dma_start3A_35] : memref<2x128x128xf32, #tpu.memory_space<vmem>> -> memref<1x128x128xf32, #tpu.memory_space<vmem>>
      %dma_start3A_37 = tpu.memref_squeeze %dma_start3A_36 : memref<1x128x128xf32, #tpu.memory_space<vmem>> -> memref<128x128xf32, #tpu.memory_space<vmem>>
      %dma_start3A_38 = arith.constant 0 : i32
      %dma_start3A_39 = tpu.memref_slice %arg8[%add3A_31, %dma_start3A_38] : memref<40x128xi32, #tpu.memory_space<vmem>> -> memref<1x128xi32, #tpu.memory_space<vmem>>
      %dma_start3A_40 = tpu.memref_squeeze %dma_start3A_39 : memref<1x128xi32, #tpu.memory_space<vmem>> -> memref<128xi32, #tpu.memory_space<vmem>>
      %dma_start3A_41 = arith.constant 0 : i32
      %dma_start3A_42 = arith.constant 0 : i32
      %dma_start3A_43 = tpu.memref_slice %arg10[%dma_start3A_41, %dma_start3A_42] : memref<10112x128xf32, #tpu.memory_space<vmem_shared>> -> memref<10112x128xf32, #tpu.memory_space<vmem_shared>>
      tpu.enqueue_indirect_dma source(%dma_start3A_37 : memref<128x128xf32, #tpu.memory_space<vmem>>) target(%dma_start3A_43 : memref<10112x128xf32, #tpu.memory_space<vmem_shared>>) offsets(%dma_start3A_40 : memref<128xi32, #tpu.memory_space<vmem>>) semaphore(%arg12 : memref<!tpu.dma_semaphore, #tpu.memory_space<semaphore_mem>>) {add = true}
      %dma_wait3A = arith.constant 0 : i32
      %dma_wait3A_44 = arith.constant 0 : i32
      %dma_wait3A_45 = arith.constant 0 : i32
      %dma_wait3A_46 = tpu.memref_slice %arg9[%dma_wait3A, %dma_wait3A_44, %dma_wait3A_45] : memref<2x128x128xf32, #tpu.memory_space<vmem>> -> memref<1x128x128xf32, #tpu.memory_space<vmem>>
      %dma_wait3A_47 = tpu.memref_squeeze %dma_wait3A_46 : memref<1x128x128xf32, #tpu.memory_space<vmem>> -> memref<128x128xf32, #tpu.memory_space<vmem>>
      %dma_wait3A_48 = arith.constant 0 : i32
      %dma_wait3A_49 = tpu.memref_slice %arg8[%add3A_19, %dma_wait3A_48] : memref<40x128xi32, #tpu.memory_space<vmem>> -> memref<1x128xi32, #tpu.memory_space<vmem>>
      %dma_wait3A_50 = tpu.memref_squeeze %dma_wait3A_49 : memref<1x128xi32, #tpu.memory_space<vmem>> -> memref<128xi32, #tpu.memory_space<vmem>>
      %dma_wait3A_51 = arith.constant 0 : i32
      %dma_wait3A_52 = arith.constant 0 : i32
      %dma_wait3A_53 = tpu.memref_slice %arg10[%dma_wait3A_51, %dma_wait3A_52] : memref<10112x128xf32, #tpu.memory_space<vmem_shared>> -> memref<10112x128xf32, #tpu.memory_space<vmem_shared>>
      tpu.wait_indirect_dma semaphore(%arg11 : memref<!tpu.dma_semaphore, #tpu.memory_space<semaphore_mem>>) src(%dma_wait3A_47 : memref<128x128xf32, #tpu.memory_space<vmem>>) dst(%dma_wait3A_53 : memref<10112x128xf32, #tpu.memory_space<vmem_shared>>)
      %add3A_54 = arith.constant 2 : i32
      %add3A_55 = arith.addi %mul3A_17, %add3A_54 : i32
      %run_scoped3A_56 = arith.constant 0 : i32
      "tpu.region"() ({
        %run_scoped3A_115 = tpu.sem_alloc : memref<!tpu.dma_semaphore, #tpu.memory_space<semaphore_mem>>
        %dma_start3A_116 = arith.constant 0 : i32
        %dma_start3A_117 = arith.constant 0 : i32
        %dma_start3A_118 = tpu.memref_slice %arg9[%run_scoped3A_56, %dma_start3A_116, %dma_start3A_117] : memref<2x128x128xf32, #tpu.memory_space<vmem>> -> memref<1x128x128xf32, #tpu.memory_space<vmem>>
        %dma_start3A_119 = tpu.memref_squeeze %dma_start3A_118 : memref<1x128x128xf32, #tpu.memory_space<vmem>> -> memref<128x128xf32, #tpu.memory_space<vmem>>
        %dma_start3A_120 = arith.constant 0 : i32
        %dma_start3A_121 = tpu.memref_slice %arg7[%add3A_55, %dma_start3A_120] : memref<40x128xi32, #tpu.memory_space<vmem>> -> memref<1x128xi32, #tpu.memory_space<vmem>>
        %dma_start3A_122 = tpu.memref_squeeze %dma_start3A_121 : memref<1x128xi32, #tpu.memory_space<vmem>> -> memref<128xi32, #tpu.memory_space<vmem>>
        %dma_start3A_123 = arith.constant 0 : i32
        %dma_start3A_124 = arith.constant 0 : i32
        %dma_start3A_125 = tpu.memref_slice %arg2[%dma_start3A_123, %dma_start3A_124] : memref<10000x128xf32, #tpu.memory_space<hbm>> -> memref<10000x128xf32, #tpu.memory_space<hbm>>
        tpu.enqueue_indirect_dma source(%dma_start3A_125 : memref<10000x128xf32, #tpu.memory_space<hbm>>) target(%dma_start3A_119 : memref<128x128xf32, #tpu.memory_space<vmem>>) offsets(%dma_start3A_122 : memref<128xi32, #tpu.memory_space<vmem>>) semaphore(%run_scoped3A_115 : memref<!tpu.dma_semaphore, #tpu.memory_space<semaphore_mem>>)
        %dma_wait3A_126 = arith.constant 0 : i32
        %dma_wait3A_127 = arith.constant 0 : i32
        %dma_wait3A_128 = tpu.memref_slice %arg9[%run_scoped3A_56, %dma_wait3A_126, %dma_wait3A_127] : memref<2x128x128xf32, #tpu.memory_space<vmem>> -> memref<1x128x128xf32, #tpu.memory_space<vmem>>
        %dma_wait3A_129 = tpu.memref_squeeze %dma_wait3A_128 : memref<1x128x128xf32, #tpu.memory_space<vmem>> -> memref<128x128xf32, #tpu.memory_space<vmem>>
        %dma_wait3A_130 = arith.constant 0 : i32
        %dma_wait3A_131 = tpu.memref_slice %arg7[%add3A_55, %dma_wait3A_130] : memref<40x128xi32, #tpu.memory_space<vmem>> -> memref<1x128xi32, #tpu.memory_space<vmem>>
        %dma_wait3A_132 = tpu.memref_squeeze %dma_wait3A_131 : memref<1x128xi32, #tpu.memory_space<vmem>> -> memref<128xi32, #tpu.memory_space<vmem>>
        %dma_wait3A_133 = arith.constant 0 : i32
        %dma_wait3A_134 = arith.constant 0 : i32
        %dma_wait3A_135 = tpu.memref_slice %arg2[%dma_wait3A_133, %dma_wait3A_134] : memref<10000x128xf32, #tpu.memory_space<hbm>> -> memref<10000x128xf32, #tpu.memory_space<hbm>>
        tpu.wait_indirect_dma semaphore(%run_scoped3A_115 : memref<!tpu.dma_semaphore, #tpu.memory_space<semaphore_mem>>) src(%dma_wait3A_135 : memref<10000x128xf32, #tpu.memory_space<hbm>>) dst(%dma_wait3A_129 : memref<128x128xf32, #tpu.memory_space<vmem>>)
        tpu.yield
      }) : () -> ()
      %dma_start3A_57 = arith.constant 0 : i32
      %dma_start3A_58 = arith.constant 0 : i32
      %dma_start3A_59 = arith.constant 0 : i32
      %dma_start3A_60 = tpu.memref_slice %arg9[%dma_start3A_57, %dma_start3A_58, %dma_start3A_59] : memref<2x128x128xf32, #tpu.memory_space<vmem>> -> memref<1x128x128xf32, #tpu.memory_space<vmem>>
      %dma_start3A_61 = tpu.memref_squeeze %dma_start3A_60 : memref<1x128x128xf32, #tpu.memory_space<vmem>> -> memref<128x128xf32, #tpu.memory_space<vmem>>
      %dma_start3A_62 = arith.constant 0 : i32
      %dma_start3A_63 = tpu.memref_slice %arg8[%add3A_55, %dma_start3A_62] : memref<40x128xi32, #tpu.memory_space<vmem>> -> memref<1x128xi32, #tpu.memory_space<vmem>>
      %dma_start3A_64 = tpu.memref_squeeze %dma_start3A_63 : memref<1x128xi32, #tpu.memory_space<vmem>> -> memref<128xi32, #tpu.memory_space<vmem>>
      %dma_start3A_65 = arith.constant 0 : i32
      %dma_start3A_66 = arith.constant 0 : i32
      %dma_start3A_67 = tpu.memref_slice %arg10[%dma_start3A_65, %dma_start3A_66] : memref<10112x128xf32, #tpu.memory_space<vmem_shared>> -> memref<10112x128xf32, #tpu.memory_space<vmem_shared>>
      tpu.enqueue_indirect_dma source(%dma_start3A_61 : memref<128x128xf32, #tpu.memory_space<vmem>>) target(%dma_start3A_67 : memref<10112x128xf32, #tpu.memory_space<vmem_shared>>) offsets(%dma_start3A_64 : memref<128xi32, #tpu.memory_space<vmem>>) semaphore(%arg11 : memref<!tpu.dma_semaphore, #tpu.memory_space<semaphore_mem>>) {add = true}
      %dma_wait3A_68 = arith.constant 1 : i32
      %dma_wait3A_69 = arith.constant 0 : i32
      %dma_wait3A_70 = arith.constant 0 : i32
      %dma_wait3A_71 = tpu.memref_slice %arg9[%dma_wait3A_68, %dma_wait3A_69, %dma_wait3A_70] : memref<2x128x128xf32, #tpu.memory_space<vmem>> -> memref<1x128x128xf32, #tpu.memory_space<vmem>>
      %dma_wait3A_72 = tpu.memref_squeeze %dma_wait3A_71 : memref<1x128x128xf32, #tpu.memory_space<vmem>> -> memref<128x128xf32, #tpu.memory_space<vmem>>
      %dma_wait3A_73 = arith.constant 0 : i32
      %dma_wait3A_74 = tpu.memref_slice %arg8[%add3A_31, %dma_wait3A_73] : memref<40x128xi32, #tpu.memory_space<vmem>> -> memref<1x128xi32, #tpu.memory_space<vmem>>
      %dma_wait3A_75 = tpu.memref_squeeze %dma_wait3A_74 : memref<1x128xi32, #tpu.memory_space<vmem>> -> memref<128xi32, #tpu.memory_space<vmem>>
      %dma_wait3A_76 = arith.constant 0 : i32
      %dma_wait3A_77 = arith.constant 0 : i32
      %dma_wait3A_78 = tpu.memref_slice %arg10[%dma_wait3A_76, %dma_wait3A_77] : memref<10112x128xf32, #tpu.memory_space<vmem_shared>> -> memref<10112x128xf32, #tpu.memory_space<vmem_shared>>
      tpu.wait_indirect_dma semaphore(%arg12 : memref<!tpu.dma_semaphore, #tpu.memory_space<semaphore_mem>>) src(%dma_wait3A_72 : memref<128x128xf32, #tpu.memory_space<vmem>>) dst(%dma_wait3A_78 : memref<10112x128xf32, #tpu.memory_space<vmem_shared>>)
      %add3A_79 = arith.constant 3 : i32
      %add3A_80 = arith.addi %mul3A_17, %add3A_79 : i32
      %run_scoped3A_81 = arith.constant 1 : i32
      "tpu.region"() ({
        %run_scoped3A_115 = tpu.sem_alloc : memref<!tpu.dma_semaphore, #tpu.memory_space<semaphore_mem>>
        %dma_start3A_116 = arith.constant 0 : i32
        %dma_start3A_117 = arith.constant 0 : i32
        %dma_start3A_118 = tpu.memref_slice %arg9[%run_scoped3A_81, %dma_start3A_116, %dma_start3A_117] : memref<2x128x128xf32, #tpu.memory_space<vmem>> -> memref<1x128x128xf32, #tpu.memory_space<vmem>>
        %dma_start3A_119 = tpu.memref_squeeze %dma_start3A_118 : memref<1x128x128xf32, #tpu.memory_space<vmem>> -> memref<128x128xf32, #tpu.memory_space<vmem>>
        %dma_start3A_120 = arith.constant 0 : i32
        %dma_start3A_121 = tpu.memref_slice %arg7[%add3A_80, %dma_start3A_120] : memref<40x128xi32, #tpu.memory_space<vmem>> -> memref<1x128xi32, #tpu.memory_space<vmem>>
        %dma_start3A_122 = tpu.memref_squeeze %dma_start3A_121 : memref<1x128xi32, #tpu.memory_space<vmem>> -> memref<128xi32, #tpu.memory_space<vmem>>
        %dma_start3A_123 = arith.constant 0 : i32
        %dma_start3A_124 = arith.constant 0 : i32
        %dma_start3A_125 = tpu.memref_slice %arg2[%dma_start3A_123, %dma_start3A_124] : memref<10000x128xf32, #tpu.memory_space<hbm>> -> memref<10000x128xf32, #tpu.memory_space<hbm>>
        tpu.enqueue_indirect_dma source(%dma_start3A_125 : memref<10000x128xf32, #tpu.memory_space<hbm>>) target(%dma_start3A_119 : memref<128x128xf32, #tpu.memory_space<vmem>>) offsets(%dma_start3A_122 : memref<128xi32, #tpu.memory_space<vmem>>) semaphore(%run_scoped3A_115 : memref<!tpu.dma_semaphore, #tpu.memory_space<semaphore_mem>>)
        %dma_wait3A_126 = arith.constant 0 : i32
        %dma_wait3A_127 = arith.constant 0 : i32
        %dma_wait3A_128 = tpu.memref_slice %arg9[%run_scoped3A_81, %dma_wait3A_126, %dma_wait3A_127] : memref<2x128x128xf32, #tpu.memory_space<vmem>> -> memref<1x128x128xf32, #tpu.memory_space<vmem>>
        %dma_wait3A_129 = tpu.memref_squeeze %dma_wait3A_128 : memref<1x128x128xf32, #tpu.memory_space<vmem>> -> memref<128x128xf32, #tpu.memory_space<vmem>>
        %dma_wait3A_130 = arith.constant 0 : i32
        %dma_wait3A_131 = tpu.memref_slice %arg7[%add3A_80, %dma_wait3A_130] : memref<40x128xi32, #tpu.memory_space<vmem>> -> memref<1x128xi32, #tpu.memory_space<vmem>>
        %dma_wait3A_132 = tpu.memref_squeeze %dma_wait3A_131 : memref<1x128xi32, #tpu.memory_space<vmem>> -> memref<128xi32, #tpu.memory_space<vmem>>
        %dma_wait3A_133 = arith.constant 0 : i32
        %dma_wait3A_134 = arith.constant 0 : i32
        %dma_wait3A_135 = tpu.memref_slice %arg2[%dma_wait3A_133, %dma_wait3A_134] : memref<10000x128xf32, #tpu.memory_space<hbm>> -> memref<10000x128xf32, #tpu.memory_space<hbm>>
        tpu.wait_indirect_dma semaphore(%run_scoped3A_115 : memref<!tpu.dma_semaphore, #tpu.memory_space<semaphore_mem>>) src(%dma_wait3A_135 : memref<10000x128xf32, #tpu.memory_space<hbm>>) dst(%dma_wait3A_129 : memref<128x128xf32, #tpu.memory_space<vmem>>)
        tpu.yield
      }) : () -> ()
      %dma_start3A_82 = arith.constant 1 : i32
      %dma_start3A_83 = arith.constant 0 : i32
      %dma_start3A_84 = arith.constant 0 : i32
      %dma_start3A_85 = tpu.memref_slice %arg9[%dma_start3A_82, %dma_start3A_83, %dma_start3A_84] : memref<2x128x128xf32, #tpu.memory_space<vmem>> -> memref<1x128x128xf32, #tpu.memory_space<vmem>>
      %dma_start3A_86 = tpu.memref_squeeze %dma_start3A_85 : memref<1x128x128xf32, #tpu.memory_space<vmem>> -> memref<128x128xf32, #tpu.memory_space<vmem>>
      %dma_start3A_87 = arith.constant 0 : i32
      %dma_start3A_88 = tpu.memref_slice %arg8[%add3A_80, %dma_start3A_87] : memref<40x128xi32, #tpu.memory_space<vmem>> -> memref<1x128xi32, #tpu.memory_space<vmem>>
      %dma_start3A_89 = tpu.memref_squeeze %dma_start3A_88 : memref<1x128xi32, #tpu.memory_space<vmem>> -> memref<128xi32, #tpu.memory_space<vmem>>
      %dma_start3A_90 = arith.constant 0 : i32
      %dma_start3A_91 = arith.constant 0 : i32
      %dma_start3A_92 = tpu.memref_slice %arg10[%dma_start3A_90, %dma_start3A_91] : memref<10112x128xf32, #tpu.memory_space<vmem_shared>> -> memref<10112x128xf32, #tpu.memory_space<vmem_shared>>
      tpu.enqueue_indirect_dma source(%dma_start3A_86 : memref<128x128xf32, #tpu.memory_space<vmem>>) target(%dma_start3A_92 : memref<10112x128xf32, #tpu.memory_space<vmem_shared>>) offsets(%dma_start3A_89 : memref<128xi32, #tpu.memory_space<vmem>>) semaphore(%arg12 : memref<!tpu.dma_semaphore, #tpu.memory_space<semaphore_mem>>) {add = true}
      %dma_wait3A_93 = arith.constant 0 : i32
      %dma_wait3A_94 = arith.constant 0 : i32
      %dma_wait3A_95 = arith.constant 0 : i32
      %dma_wait3A_96 = tpu.memref_slice %arg9[%dma_wait3A_93, %dma_wait3A_94, %dma_wait3A_95] : memref<2x128x128xf32, #tpu.memory_space<vmem>> -> memref<1x128x128xf32, #tpu.memory_space<vmem>>
      %dma_wait3A_97 = tpu.memref_squeeze %dma_wait3A_96 : memref<1x128x128xf32, #tpu.memory_space<vmem>> -> memref<128x128xf32, #tpu.memory_space<vmem>>
      %dma_wait3A_98 = arith.constant 0 : i32
      %dma_wait3A_99 = tpu.memref_slice %arg8[%add3A_55, %dma_wait3A_98] : memref<40x128xi32, #tpu.memory_space<vmem>> -> memref<1x128xi32, #tpu.memory_space<vmem>>
      %dma_wait3A_100 = tpu.memref_squeeze %dma_wait3A_99 : memref<1x128xi32, #tpu.memory_space<vmem>> -> memref<128xi32, #tpu.memory_space<vmem>>
      %dma_wait3A_101 = arith.constant 0 : i32
      %dma_wait3A_102 = arith.constant 0 : i32
      %dma_wait3A_103 = tpu.memref_slice %arg10[%dma_wait3A_101, %dma_wait3A_102] : memref<10112x128xf32, #tpu.memory_space<vmem_shared>> -> memref<10112x128xf32, #tpu.memory_space<vmem_shared>>
      tpu.wait_indirect_dma semaphore(%arg11 : memref<!tpu.dma_semaphore, #tpu.memory_space<semaphore_mem>>) src(%dma_wait3A_97 : memref<128x128xf32, #tpu.memory_space<vmem>>) dst(%dma_wait3A_103 : memref<10112x128xf32, #tpu.memory_space<vmem_shared>>)
      %dma_wait3A_104 = arith.constant 1 : i32
      %dma_wait3A_105 = arith.constant 0 : i32
      %dma_wait3A_106 = arith.constant 0 : i32
      %dma_wait3A_107 = tpu.memref_slice %arg9[%dma_wait3A_104, %dma_wait3A_105, %dma_wait3A_106] : memref<2x128x128xf32, #tpu.memory_space<vmem>> -> memref<1x128x128xf32, #tpu.memory_space<vmem>>
      %dma_wait3A_108 = tpu.memref_squeeze %dma_wait3A_107 : memref<1x128x128xf32, #tpu.memory_space<vmem>> -> memref<128x128xf32, #tpu.memory_space<vmem>>
      %dma_wait3A_109 = arith.constant 0 : i32
      %dma_wait3A_110 = tpu.memref_slice %arg8[%add3A_80, %dma_wait3A_109] : memref<40x128xi32, #tpu.memory_space<vmem>> -> memref<1x128xi32, #tpu.memory_space<vmem>>
      %dma_wait3A_111 = tpu.memref_squeeze %dma_wait3A_110 : memref<1x128xi32, #tpu.memory_space<vmem>> -> memref<128xi32, #tpu.memory_space<vmem>>
      %dma_wait3A_112 = arith.constant 0 : i32
      %dma_wait3A_113 = arith.constant 0 : i32
      %dma_wait3A_114 = tpu.memref_slice %arg10[%dma_wait3A_112, %dma_wait3A_113] : memref<10112x128xf32, #tpu.memory_space<vmem_shared>> -> memref<10112x128xf32, #tpu.memory_space<vmem_shared>>
      tpu.wait_indirect_dma semaphore(%arg12 : memref<!tpu.dma_semaphore, #tpu.memory_space<semaphore_mem>>) src(%dma_wait3A_108 : memref<128x128xf32, #tpu.memory_space<vmem>>) dst(%dma_wait3A_114 : memref<10112x128xf32, #tpu.memory_space<vmem_shared>>)
    }
    %scan3A_13 = arith.constant 10 : i32
    %barrier3A_14 = arith.constant 0 : index
    tpu.barrier barrier_id(%barrier3A_14)
    "tpu.region"() ({
      %run_scoped3A = tpu.sem_alloc : memref<!tpu.dma_semaphore, #tpu.memory_space<semaphore_mem>>
      %dma_start3A = arith.constant 0 : i32
      %dma_start3A_15 = tpu.memref_slice %arg6[%arg0, %mul3A_2, %dma_start3A] : memref<2x10112x128xf32, #tpu.memory_space<hbm>> -> memref<1x632x128xf32, #tpu.memory_space<hbm>>
      %dma_start3A_16 = tpu.memref_squeeze %dma_start3A_15 : memref<1x632x128xf32, #tpu.memory_space<hbm>> -> memref<632x128xf32, #tpu.memory_space<hbm>>
      %dma_start3A_17 = arith.constant 0 : i32
      %dma_start3A_18 = tpu.memref_slice %arg10[%mul3A_2, %dma_start3A_17] : memref<10112x128xf32, #tpu.memory_space<vmem_shared>> -> memref<632x128xf32, #tpu.memory_space<vmem_shared>>
      tpu.enqueue_dma source(%dma_start3A_18 : memref<632x128xf32, #tpu.memory_space<vmem_shared>>) target(%dma_start3A_16 : memref<632x128xf32, #tpu.memory_space<hbm>>) target_semaphore(%run_scoped3A : memref<!tpu.dma_semaphore, #tpu.memory_space<semaphore_mem>>)
      %dma_wait3A = arith.constant 0 : i32
      %dma_wait3A_19 = tpu.memref_slice %arg6[%arg0, %mul3A_2, %dma_wait3A] : memref<2x10112x128xf32, #tpu.memory_space<hbm>> -> memref<1x632x128xf32, #tpu.memory_space<hbm>>
      %dma_wait3A_20 = tpu.memref_squeeze %dma_wait3A_19 : memref<1x632x128xf32, #tpu.memory_space<hbm>> -> memref<632x128xf32, #tpu.memory_space<hbm>>
      %dma_wait3A_21 = arith.constant 0 : i32
      %dma_wait3A_22 = tpu.memref_slice %arg10[%mul3A_2, %dma_wait3A_21] : memref<10112x128xf32, #tpu.memory_space<vmem_shared>> -> memref<632x128xf32, #tpu.memory_space<vmem_shared>>
      tpu.wait_dma2 semaphore(%run_scoped3A : memref<!tpu.dma_semaphore, #tpu.memory_space<semaphore_mem>>) src(%dma_wait3A_22 : memref<632x128xf32, #tpu.memory_space<vmem_shared>>) dst(%dma_wait3A_20 : memref<632x128xf32, #tpu.memory_space<hbm>>)
      tpu.yield
    }) : () -> ()
    return
  }
}

#map = affine_map<(d0, d1) -> (0, 0)>
#map1 = affine_map<(d0, d1) -> (0, 0, 0)>
module attributes {stable_mosaic.version = 14 : i64} {
  func.func @k(%arg0: i32, %arg1: i32, %arg2: memref<10000x128xf32, #tpu.memory_space<hbm>>, %arg3: memref<32x80x128xi32, #tpu.memory_space<hbm>>, %arg4: memref<32x80x128xi32, #tpu.memory_space<hbm>>, %arg5: memref<10112x128xf32, #tpu.memory_space<hbm>>, %arg6: memref<2x10112x128xf32, #tpu.memory_space<hbm>>, %arg7: memref<40x128xi32, #tpu.memory_space<vmem>>, %arg8: memref<40x128xi32, #tpu.memory_space<vmem>>, %arg9: memref<2x128x128xf32, #tpu.memory_space<vmem>>, %arg10: memref<10112x128xf32, #tpu.memory_space<vmem_shared>>, %arg11: memref<!tpu.dma_semaphore, #tpu.memory_space<semaphore_mem>>, %arg12: memref<!tpu.dma_semaphore, #tpu.memory_space<semaphore_mem>>) attributes {dimension_semantics = [#tpu.dimension_semantics<core_parallel>, #tpu.dimension_semantics<subcore_parallel>], iteration_bounds = array<i64: 2, 16>, scalar_prefetch = 0 : i64, scratch_operands = 6 : i64, tpu.core_type = #tpu.core_type<sc_vector_subcore>, window_params = [{transform_indices = #map}, {transform_indices = #map1}, {transform_indices = #map1}, {transform_indices = #map}, {transform_indices = #map1}]} {
    %mul3A = arith.constant 2 : i32
    %mul3A_0 = arith.muli %arg1, %mul3A : i32
    %add3A = arith.addi %mul3A_0, %arg0 : i32
    %mul3A_1 = arith.constant 632 : i32
    %mul3A_2 = arith.muli %arg1, %mul3A_1 : i32
    "tpu.region"() ({
      %run_scoped3A = tpu.sem_alloc : memref<!tpu.dma_semaphore, #tpu.memory_space<semaphore_mem>>
      %dma_start3A = arith.constant 0 : i32
      %dma_start3A_15 = tpu.memref_slice %arg10[%mul3A_2, %dma_start3A] : memref<10112x128xf32, #tpu.memory_space<vmem_shared>> -> memref<632x128xf32, #tpu.memory_space<vmem_shared>>
      %dma_start3A_16 = arith.constant 0 : i32
      %dma_start3A_17 = tpu.memref_slice %arg5[%mul3A_2, %dma_start3A_16] : memref<10112x128xf32, #tpu.memory_space<hbm>> -> memref<632x128xf32, #tpu.memory_space<hbm>>
      tpu.enqueue_dma source(%dma_start3A_17 : memref<632x128xf32, #tpu.memory_space<hbm>>) target(%dma_start3A_15 : memref<632x128xf32, #tpu.memory_space<vmem_shared>>) target_semaphore(%run_scoped3A : memref<!tpu.dma_semaphore, #tpu.memory_space<semaphore_mem>>)
      %dma_wait3A = arith.constant 0 : i32
      %dma_wait3A_18 = tpu.memref_slice %arg10[%mul3A_2, %dma_wait3A] : memref<10112x128xf32, #tpu.memory_space<vmem_shared>> -> memref<632x128xf32, #tpu.memory_space<vmem_shared>>
      %dma_wait3A_19 = arith.constant 0 : i32
      %dma_wait3A_20 = tpu.memref_slice %arg5[%mul3A_2, %dma_wait3A_19] : memref<10112x128xf32, #tpu.memory_space<hbm>> -> memref<632x128xf32, #tpu.memory_space<hbm>>
      tpu.wait_dma2 semaphore(%run_scoped3A : memref<!tpu.dma_semaphore, #tpu.memory_space<semaphore_mem>>) src(%dma_wait3A_20 : memref<632x128xf32, #tpu.memory_space<hbm>>) dst(%dma_wait3A_18 : memref<632x128xf32, #tpu.memory_space<vmem_shared>>)
      tpu.yield
    }) : () -> ()
    %barrier3A = arith.constant 0 : index
    tpu.barrier barrier_id(%barrier3A)
    "tpu.region"() ({
      %run_scoped3A = tpu.sem_alloc : memref<!tpu.dma_semaphore, #tpu.memory_space<semaphore_mem>>
      %dma_start3A = arith.constant 0 : i32
      %dma_start3A_15 = arith.constant 0 : i32
      %dma_start3A_16 = tpu.memref_slice %arg3[%add3A, %dma_start3A, %dma_start3A_15] : memref<32x80x128xi32, #tpu.memory_space<hbm>> -> memref<1x40x128xi32, #tpu.memory_space<hbm>>
      %dma_start3A_17 = tpu.memref_squeeze %dma_start3A_16 : memref<1x40x128xi32, #tpu.memory_space<hbm>> -> memref<40x128xi32, #tpu.memory_space<hbm>>
      %dma_start3A_18 = arith.constant 0 : i32
      %dma_start3A_19 = arith.constant 0 : i32
      %dma_start3A_20 = tpu.memref_slice %arg3[%add3A, %dma_start3A_18, %dma_start3A_19] : memref<32x80x128xi32, #tpu.memory_space<hbm>> -> memref<1x40x128xi32, #tpu.memory_space<hbm>>
      %dma_start3A_21 = tpu.memref_squeeze %dma_start3A_20 : memref<1x40x128xi32, #tpu.memory_space<hbm>> -> memref<40x128xi32, #tpu.memory_space<hbm>>
      tpu.enqueue_dma source(%dma_start3A_21 : memref<40x128xi32, #tpu.memory_space<hbm>>) target(%arg7 : memref<40x128xi32, #tpu.memory_space<vmem>>) target_semaphore(%run_scoped3A : memref<!tpu.dma_semaphore, #tpu.memory_space<semaphore_mem>>)
      %dma_wait3A = arith.constant 0 : i32
      %dma_wait3A_22 = arith.constant 0 : i32
      %dma_wait3A_23 = tpu.memref_slice %arg3[%add3A, %dma_wait3A, %dma_wait3A_22] : memref<32x80x128xi32, #tpu.memory_space<hbm>> -> memref<1x40x128xi32, #tpu.memory_space<hbm>>
      %dma_wait3A_24 = tpu.memref_squeeze %dma_wait3A_23 : memref<1x40x128xi32, #tpu.memory_space<hbm>> -> memref<40x128xi32, #tpu.memory_space<hbm>>
      %dma_wait3A_25 = arith.constant 0 : i32
      %dma_wait3A_26 = arith.constant 0 : i32
      %dma_wait3A_27 = tpu.memref_slice %arg3[%add3A, %dma_wait3A_25, %dma_wait3A_26] : memref<32x80x128xi32, #tpu.memory_space<hbm>> -> memref<1x40x128xi32, #tpu.memory_space<hbm>>
      %dma_wait3A_28 = tpu.memref_squeeze %dma_wait3A_27 : memref<1x40x128xi32, #tpu.memory_space<hbm>> -> memref<40x128xi32, #tpu.memory_space<hbm>>
      tpu.wait_dma2 semaphore(%run_scoped3A : memref<!tpu.dma_semaphore, #tpu.memory_space<semaphore_mem>>) src(%dma_wait3A_28 : memref<40x128xi32, #tpu.memory_space<hbm>>) dst(%arg7 : memref<40x128xi32, #tpu.memory_space<vmem>>)
      tpu.yield
    }) : () -> ()
    "tpu.region"() ({
      %run_scoped3A = tpu.sem_alloc : memref<!tpu.dma_semaphore, #tpu.memory_space<semaphore_mem>>
      %dma_start3A = arith.constant 0 : i32
      %dma_start3A_15 = arith.constant 0 : i32
      %dma_start3A_16 = tpu.memref_slice %arg4[%add3A, %dma_start3A, %dma_start3A_15] : memref<32x80x128xi32, #tpu.memory_space<hbm>> -> memref<1x40x128xi32, #tpu.memory_space<hbm>>
      %dma_start3A_17 = tpu.memref_squeeze %dma_start3A_16 : memref<1x40x128xi32, #tpu.memory_space<hbm>> -> memref<40x128xi32, #tpu.memory_space<hbm>>
      %dma_start3A_18 = arith.constant 0 : i32
      %dma_start3A_19 = arith.constant 0 : i32
      %dma_start3A_20 = tpu.memref_slice %arg4[%add3A, %dma_start3A_18, %dma_start3A_19] : memref<32x80x128xi32, #tpu.memory_space<hbm>> -> memref<1x40x128xi32, #tpu.memory_space<hbm>>
      %dma_start3A_21 = tpu.memref_squeeze %dma_start3A_20 : memref<1x40x128xi32, #tpu.memory_space<hbm>> -> memref<40x128xi32, #tpu.memory_space<hbm>>
      tpu.enqueue_dma source(%dma_start3A_21 : memref<40x128xi32, #tpu.memory_space<hbm>>) target(%arg8 : memref<40x128xi32, #tpu.memory_space<vmem>>) target_semaphore(%run_scoped3A : memref<!tpu.dma_semaphore, #tpu.memory_space<semaphore_mem>>)
      %dma_wait3A = arith.constant 0 : i32
      %dma_wait3A_22 = arith.constant 0 : i32
      %dma_wait3A_23 = tpu.memref_slice %arg4[%add3A, %dma_wait3A, %dma_wait3A_22] : memref<32x80x128xi32, #tpu.memory_space<hbm>> -> memref<1x40x128xi32, #tpu.memory_space<hbm>>
      %dma_wait3A_24 = tpu.memref_squeeze %dma_wait3A_23 : memref<1x40x128xi32, #tpu.memory_space<hbm>> -> memref<40x128xi32, #tpu.memory_space<hbm>>
      %dma_wait3A_25 = arith.constant 0 : i32
      %dma_wait3A_26 = arith.constant 0 : i32
      %dma_wait3A_27 = tpu.memref_slice %arg4[%add3A, %dma_wait3A_25, %dma_wait3A_26] : memref<32x80x128xi32, #tpu.memory_space<hbm>> -> memref<1x40x128xi32, #tpu.memory_space<hbm>>
      %dma_wait3A_28 = tpu.memref_squeeze %dma_wait3A_27 : memref<1x40x128xi32, #tpu.memory_space<hbm>> -> memref<40x128xi32, #tpu.memory_space<hbm>>
      tpu.wait_dma2 semaphore(%run_scoped3A : memref<!tpu.dma_semaphore, #tpu.memory_space<semaphore_mem>>) src(%dma_wait3A_28 : memref<40x128xi32, #tpu.memory_space<hbm>>) dst(%arg8 : memref<40x128xi32, #tpu.memory_space<vmem>>)
      tpu.yield
    }) : () -> ()
    %scan3A = arith.constant 0 : i32
    %scan3A_3 = arith.constant 0 : i32
    %scan3A_4 = arith.constant 10 : i32
    %scan3A_5 = arith.addi %scan3A_3, %scan3A_4 : i32
    %scan3A_6 = arith.constant 1 : i32
    scf.for %scan3A_15 = %scan3A_3 to %scan3A_5 step %scan3A_6  : i32 {
      %mul3A_16 = arith.constant 4 : i32
      %mul3A_17 = arith.muli %scan3A_15, %mul3A_16 : i32
      %add3A_18 = arith.constant 0 : i32
      %add3A_19 = arith.addi %mul3A_17, %add3A_18 : i32
      %run_scoped3A = arith.constant 0 : i32
      "tpu.region"() ({
        %run_scoped3A_115 = tpu.sem_alloc : memref<!tpu.dma_semaphore, #tpu.memory_space<semaphore_mem>>
        %dma_start3A_116 = arith.constant 0 : i32
        %dma_start3A_117 = arith.constant 0 : i32
        %dma_start3A_118 = tpu.memref_slice %arg9[%run_scoped3A, %dma_start3A_116, %dma_start3A_117] : memref<2x128x128xf32, #tpu.memory_space<vmem>> -> memref<1x128x128xf32, #tpu.memory_space<vmem>>
        %dma_start3A_119 = tpu.memref_squeeze %dma_start3A_118 : memref<1x128x128xf32, #tpu.memory_space<vmem>> -> memref<128x128xf32, #tpu.memory_space<vmem>>
        %dma_start3A_120 = arith.constant 0 : i32
        %dma_start3A_121 = tpu.memref_slice %arg7[%add3A_19, %dma_start3A_120] : memref<40x128xi32, #tpu.memory_space<vmem>> -> memref<1x128xi32, #tpu.memory_space<vmem>>
        %dma_start3A_122 = tpu.memref_squeeze %dma_start3A_121 : memref<1x128xi32, #tpu.memory_space<vmem>> -> memref<128xi32, #tpu.memory_space<vmem>>
        %dma_start3A_123 = arith.constant 0 : i32
        %dma_start3A_124 = arith.constant 0 : i32
        %dma_start3A_125 = tpu.memref_slice %arg2[%dma_start3A_123, %dma_start3A_124] : memref<10000x128xf32, #tpu.memory_space<hbm>> -> memref<10000x128xf32, #tpu.memory_space<hbm>>
        tpu.enqueue_indirect_dma source(%dma_start3A_125 : memref<10000x128xf32, #tpu.memory_space<hbm>>) target(%dma_start3A_119 : memref<128x128xf32, #tpu.memory_space<vmem>>) offsets(%dma_start3A_122 : memref<128xi32, #tpu.memory_space<vmem>>) semaphore(%run_scoped3A_115 : memref<!tpu.dma_semaphore, #tpu.memory_space<semaphore_mem>>)
        %dma_wait3A_126 = arith.constant 0 : i32
        %dma_wait3A_127 = arith.constant 0 : i32
        %dma_wait3A_128 = tpu.memref_slice %arg9[%run_scoped3A, %dma_wait3A_126, %dma_wait3A_127] : memref<2x128x128xf32, #tpu.memory_space<vmem>> -> memref<1x128x128xf32, #tpu.memory_space<vmem>>
        %dma_wait3A_129 = tpu.memref_squeeze %dma_wait3A_128 : memref<1x128x128xf32, #tpu.memory_space<vmem>> -> memref<128x128xf32, #tpu.memory_space<vmem>>
        %dma_wait3A_130 = arith.constant 0 : i32
        %dma_wait3A_131 = tpu.memref_slice %arg7[%add3A_19, %dma_wait3A_130] : memref<40x128xi32, #tpu.memory_space<vmem>> -> memref<1x128xi32, #tpu.memory_space<vmem>>
        %dma_wait3A_132 = tpu.memref_squeeze %dma_wait3A_131 : memref<1x128xi32, #tpu.memory_space<vmem>> -> memref<128xi32, #tpu.memory_space<vmem>>
        %dma_wait3A_133 = arith.constant 0 : i32
        %dma_wait3A_134 = arith.constant 0 : i32
        %dma_wait3A_135 = tpu.memref_slice %arg2[%dma_wait3A_133, %dma_wait3A_134] : memref<10000x128xf32, #tpu.memory_space<hbm>> -> memref<10000x128xf32, #tpu.memory_space<hbm>>
        tpu.wait_indirect_dma semaphore(%run_scoped3A_115 : memref<!tpu.dma_semaphore, #tpu.memory_space<semaphore_mem>>) src(%dma_wait3A_135 : memref<10000x128xf32, #tpu.memory_space<hbm>>) dst(%dma_wait3A_129 : memref<128x128xf32, #tpu.memory_space<vmem>>)
        tpu.yield
      }) : () -> ()
      %dma_start3A = arith.constant 0 : i32
      %dma_start3A_20 = arith.constant 0 : i32
      %dma_start3A_21 = arith.constant 0 : i32
      %dma_start3A_22 = tpu.memref_slice %arg9[%dma_start3A, %dma_start3A_20, %dma_start3A_21] : memref<2x128x128xf32, #tpu.memory_space<vmem>> -> memref<1x128x128xf32, #tpu.memory_space<vmem>>
      %dma_start3A_23 = tpu.memref_squeeze %dma_start3A_22 : memref<1x128x128xf32, #tpu.memory_space<vmem>> -> memref<128x128xf32, #tpu.memory_space<vmem>>
      %dma_start3A_24 = arith.constant 0 : i32
      %dma_start3A_25 = tpu.memref_slice %arg8[%add3A_19, %dma_start3A_24] : memref<40x128xi32, #tpu.memory_space<vmem>> -> memref<1x128xi32, #tpu.memory_space<vmem>>
      %dma_start3A_26 = tpu.memref_squeeze %dma_start3A_25 : memref<1x128xi32, #tpu.memory_space<vmem>> -> memref<128xi32, #tpu.memory_space<vmem>>
      %dma_start3A_27 = arith.constant 0 : i32
      %dma_start3A_28 = arith.constant 0 : i32
      %dma_start3A_29 = tpu.memref_slice %arg10[%dma_start3A_27, %dma_start3A_28] : memref<10112x128xf32, #tpu.memory_space<vmem_shared>> -> memref<10112x128xf32, #tpu.memory_space<vmem_shared>>
      tpu.enqueue_indirect_dma source(%dma_start3A_23 : memref<128x128xf32, #tpu.memory_space<vmem>>) target(%dma_start3A_29 : memref<10112x128xf32, #tpu.memory_space<vmem_shared>>) offsets(%dma_start3A_26 : memref<128xi32, #tpu.memory_space<vmem>>) semaphore(%arg11 : memref<!tpu.dma_semaphore, #tpu.memory_space<semaphore_mem>>) {add = true}
      %add3A_30 = arith.constant 1 : i32
      %add3A_31 = arith.addi %mul3A_17, %add3A_30 : i32
      %run_scoped3A_32 = arith.constant 1 : i32
      "tpu.region"() ({
        %run_scoped3A_115 = tpu.sem_alloc : memref<!tpu.dma_semaphore, #tpu.memory_space<semaphore_mem>>
        %dma_start3A_116 = arith.constant 0 : i32
        %dma_start3A_117 = arith.constant 0 : i32
        %dma_start3A_118 = tpu.memref_slice %arg9[%run_scoped3A_32, %dma_start3A_116, %dma_start3A_117] : memref<2x128x128xf32, #tpu.memory_space<vmem>> -> memref<1x128x128xf32, #tpu.memory_space<vmem>>
        %dma_start3A_119 = tpu.memref_squeeze %dma_start3A_118 : memref<1x128x128xf32, #tpu.memory_space<vmem>> -> memref<128x128xf32, #tpu.memory_space<vmem>>
        %dma_start3A_120 = arith.constant 0 : i32
        %dma_start3A_121 = tpu.memref_slice %arg7[%add3A_31, %dma_start3A_120] : memref<40x128xi32, #tpu.memory_space<vmem>> -> memref<1x128xi32, #tpu.memory_space<vmem>>
        %dma_start3A_122 = tpu.memref_squeeze %dma_start3A_121 : memref<1x128xi32, #tpu.memory_space<vmem>> -> memref<128xi32, #tpu.memory_space<vmem>>
        %dma_start3A_123 = arith.constant 0 : i32
        %dma_start3A_124 = arith.constant 0 : i32
        %dma_start3A_125 = tpu.memref_slice %arg2[%dma_start3A_123, %dma_start3A_124] : memref<10000x128xf32, #tpu.memory_space<hbm>> -> memref<10000x128xf32, #tpu.memory_space<hbm>>
        tpu.enqueue_indirect_dma source(%dma_start3A_125 : memref<10000x128xf32, #tpu.memory_space<hbm>>) target(%dma_start3A_119 : memref<128x128xf32, #tpu.memory_space<vmem>>) offsets(%dma_start3A_122 : memref<128xi32, #tpu.memory_space<vmem>>) semaphore(%run_scoped3A_115 : memref<!tpu.dma_semaphore, #tpu.memory_space<semaphore_mem>>)
        %dma_wait3A_126 = arith.constant 0 : i32
        %dma_wait3A_127 = arith.constant 0 : i32
        %dma_wait3A_128 = tpu.memref_slice %arg9[%run_scoped3A_32, %dma_wait3A_126, %dma_wait3A_127] : memref<2x128x128xf32, #tpu.memory_space<vmem>> -> memref<1x128x128xf32, #tpu.memory_space<vmem>>
        %dma_wait3A_129 = tpu.memref_squeeze %dma_wait3A_128 : memref<1x128x128xf32, #tpu.memory_space<vmem>> -> memref<128x128xf32, #tpu.memory_space<vmem>>
        %dma_wait3A_130 = arith.constant 0 : i32
        %dma_wait3A_131 = tpu.memref_slice %arg7[%add3A_31, %dma_wait3A_130] : memref<40x128xi32, #tpu.memory_space<vmem>> -> memref<1x128xi32, #tpu.memory_space<vmem>>
        %dma_wait3A_132 = tpu.memref_squeeze %dma_wait3A_131 : memref<1x128xi32, #tpu.memory_space<vmem>> -> memref<128xi32, #tpu.memory_space<vmem>>
        %dma_wait3A_133 = arith.constant 0 : i32
        %dma_wait3A_134 = arith.constant 0 : i32
        %dma_wait3A_135 = tpu.memref_slice %arg2[%dma_wait3A_133, %dma_wait3A_134] : memref<10000x128xf32, #tpu.memory_space<hbm>> -> memref<10000x128xf32, #tpu.memory_space<hbm>>
        tpu.wait_indirect_dma semaphore(%run_scoped3A_115 : memref<!tpu.dma_semaphore, #tpu.memory_space<semaphore_mem>>) src(%dma_wait3A_135 : memref<10000x128xf32, #tpu.memory_space<hbm>>) dst(%dma_wait3A_129 : memref<128x128xf32, #tpu.memory_space<vmem>>)
        tpu.yield
      }) : () -> ()
      %dma_start3A_33 = arith.constant 1 : i32
      %dma_start3A_34 = arith.constant 0 : i32
      %dma_start3A_35 = arith.constant 0 : i32
      %dma_start3A_36 = tpu.memref_slice %arg9[%dma_start3A_33, %dma_start3A_34, %dma_start3A_35] : memref<2x128x128xf32, #tpu.memory_space<vmem>> -> memref<1x128x128xf32, #tpu.memory_space<vmem>>
      %dma_start3A_37 = tpu.memref_squeeze %dma_start3A_36 : memref<1x128x128xf32, #tpu.memory_space<vmem>> -> memref<128x128xf32, #tpu.memory_space<vmem>>
      %dma_start3A_38 = arith.constant 0 : i32
      %dma_start3A_39 = tpu.memref_slice %arg8[%add3A_31, %dma_start3A_38] : memref<40x128xi32, #tpu.memory_space<vmem>> -> memref<1x128xi32, #tpu.memory_space<vmem>>
      %dma_start3A_40 = tpu.memref_squeeze %dma_start3A_39 : memref<1x128xi32, #tpu.memory_space<vmem>> -> memref<128xi32, #tpu.memory_space<vmem>>
      %dma_start3A_41 = arith.constant 0 : i32
      %dma_start3A_42 = arith.constant 0 : i32
      %dma_start3A_43 = tpu.memref_slice %arg10[%dma_start3A_41, %dma_start3A_42] : memref<10112x128xf32, #tpu.memory_space<vmem_shared>> -> memref<10112x128xf32, #tpu.memory_space<vmem_shared>>
      tpu.enqueue_indirect_dma source(%dma_start3A_37 : memref<128x128xf32, #tpu.memory_space<vmem>>) target(%dma_start3A_43 : memref<10112x128xf32, #tpu.memory_space<vmem_shared>>) offsets(%dma_start3A_40 : memref<128xi32, #tpu.memory_space<vmem>>) semaphore(%arg12 : memref<!tpu.dma_semaphore, #tpu.memory_space<semaphore_mem>>) {add = true}
      %dma_wait3A = arith.constant 0 : i32
      %dma_wait3A_44 = arith.constant 0 : i32
      %dma_wait3A_45 = arith.constant 0 : i32
      %dma_wait3A_46 = tpu.memref_slice %arg9[%dma_wait3A, %dma_wait3A_44, %dma_wait3A_45] : memref<2x128x128xf32, #tpu.memory_space<vmem>> -> memref<1x128x128xf32, #tpu.memory_space<vmem>>
      %dma_wait3A_47 = tpu.memref_squeeze %dma_wait3A_46 : memref<1x128x128xf32, #tpu.memory_space<vmem>> -> memref<128x128xf32, #tpu.memory_space<vmem>>
      %dma_wait3A_48 = arith.constant 0 : i32
      %dma_wait3A_49 = tpu.memref_slice %arg8[%add3A_19, %dma_wait3A_48] : memref<40x128xi32, #tpu.memory_space<vmem>> -> memref<1x128xi32, #tpu.memory_space<vmem>>
      %dma_wait3A_50 = tpu.memref_squeeze %dma_wait3A_49 : memref<1x128xi32, #tpu.memory_space<vmem>> -> memref<128xi32, #tpu.memory_space<vmem>>
      %dma_wait3A_51 = arith.constant 0 : i32
      %dma_wait3A_52 = arith.constant 0 : i32
      %dma_wait3A_53 = tpu.memref_slice %arg10[%dma_wait3A_51, %dma_wait3A_52] : memref<10112x128xf32, #tpu.memory_space<vmem_shared>> -> memref<10112x128xf32, #tpu.memory_space<vmem_shared>>
      tpu.wait_indirect_dma semaphore(%arg11 : memref<!tpu.dma_semaphore, #tpu.memory_space<semaphore_mem>>) src(%dma_wait3A_47 : memref<128x128xf32, #tpu.memory_space<vmem>>) dst(%dma_wait3A_53 : memref<10112x128xf32, #tpu.memory_space<vmem_shared>>)
      %add3A_54 = arith.constant 2 : i32
      %add3A_55 = arith.addi %mul3A_17, %add3A_54 : i32
      %run_scoped3A_56 = arith.constant 0 : i32
      "tpu.region"() ({
        %run_scoped3A_115 = tpu.sem_alloc : memref<!tpu.dma_semaphore, #tpu.memory_space<semaphore_mem>>
        %dma_start3A_116 = arith.constant 0 : i32
        %dma_start3A_117 = arith.constant 0 : i32
        %dma_start3A_118 = tpu.memref_slice %arg9[%run_scoped3A_56, %dma_start3A_116, %dma_start3A_117] : memref<2x128x128xf32, #tpu.memory_space<vmem>> -> memref<1x128x128xf32, #tpu.memory_space<vmem>>
        %dma_start3A_119 = tpu.memref_squeeze %dma_start3A_118 : memref<1x128x128xf32, #tpu.memory_space<vmem>> -> memref<128x128xf32, #tpu.memory_space<vmem>>
        %dma_start3A_120 = arith.constant 0 : i32
        %dma_start3A_121 = tpu.memref_slice %arg7[%add3A_55, %dma_start3A_120] : memref<40x128xi32, #tpu.memory_space<vmem>> -> memref<1x128xi32, #tpu.memory_space<vmem>>
        %dma_start3A_122 = tpu.memref_squeeze %dma_start3A_121 : memref<1x128xi32, #tpu.memory_space<vmem>> -> memref<128xi32, #tpu.memory_space<vmem>>
        %dma_start3A_123 = arith.constant 0 : i32
        %dma_start3A_124 = arith.constant 0 : i32
        %dma_start3A_125 = tpu.memref_slice %arg2[%dma_start3A_123, %dma_start3A_124] : memref<10000x128xf32, #tpu.memory_space<hbm>> -> memref<10000x128xf32, #tpu.memory_space<hbm>>
        tpu.enqueue_indirect_dma source(%dma_start3A_125 : memref<10000x128xf32, #tpu.memory_space<hbm>>) target(%dma_start3A_119 : memref<128x128xf32, #tpu.memory_space<vmem>>) offsets(%dma_start3A_122 : memref<128xi32, #tpu.memory_space<vmem>>) semaphore(%run_scoped3A_115 : memref<!tpu.dma_semaphore, #tpu.memory_space<semaphore_mem>>)
        %dma_wait3A_126 = arith.constant 0 : i32
        %dma_wait3A_127 = arith.constant 0 : i32
        %dma_wait3A_128 = tpu.memref_slice %arg9[%run_scoped3A_56, %dma_wait3A_126, %dma_wait3A_127] : memref<2x128x128xf32, #tpu.memory_space<vmem>> -> memref<1x128x128xf32, #tpu.memory_space<vmem>>
        %dma_wait3A_129 = tpu.memref_squeeze %dma_wait3A_128 : memref<1x128x128xf32, #tpu.memory_space<vmem>> -> memref<128x128xf32, #tpu.memory_space<vmem>>
        %dma_wait3A_130 = arith.constant 0 : i32
        %dma_wait3A_131 = tpu.memref_slice %arg7[%add3A_55, %dma_wait3A_130] : memref<40x128xi32, #tpu.memory_space<vmem>> -> memref<1x128xi32, #tpu.memory_space<vmem>>
        %dma_wait3A_132 = tpu.memref_squeeze %dma_wait3A_131 : memref<1x128xi32, #tpu.memory_space<vmem>> -> memref<128xi32, #tpu.memory_space<vmem>>
        %dma_wait3A_133 = arith.constant 0 : i32
        %dma_wait3A_134 = arith.constant 0 : i32
        %dma_wait3A_135 = tpu.memref_slice %arg2[%dma_wait3A_133, %dma_wait3A_134] : memref<10000x128xf32, #tpu.memory_space<hbm>> -> memref<10000x128xf32, #tpu.memory_space<hbm>>
        tpu.wait_indirect_dma semaphore(%run_scoped3A_115 : memref<!tpu.dma_semaphore, #tpu.memory_space<semaphore_mem>>) src(%dma_wait3A_135 : memref<10000x128xf32, #tpu.memory_space<hbm>>) dst(%dma_wait3A_129 : memref<128x128xf32, #tpu.memory_space<vmem>>)
        tpu.yield
      }) : () -> ()
      %dma_start3A_57 = arith.constant 0 : i32
      %dma_start3A_58 = arith.constant 0 : i32
      %dma_start3A_59 = arith.constant 0 : i32
      %dma_start3A_60 = tpu.memref_slice %arg9[%dma_start3A_57, %dma_start3A_58, %dma_start3A_59] : memref<2x128x128xf32, #tpu.memory_space<vmem>> -> memref<1x128x128xf32, #tpu.memory_space<vmem>>
      %dma_start3A_61 = tpu.memref_squeeze %dma_start3A_60 : memref<1x128x128xf32, #tpu.memory_space<vmem>> -> memref<128x128xf32, #tpu.memory_space<vmem>>
      %dma_start3A_62 = arith.constant 0 : i32
      %dma_start3A_63 = tpu.memref_slice %arg8[%add3A_55, %dma_start3A_62] : memref<40x128xi32, #tpu.memory_space<vmem>> -> memref<1x128xi32, #tpu.memory_space<vmem>>
      %dma_start3A_64 = tpu.memref_squeeze %dma_start3A_63 : memref<1x128xi32, #tpu.memory_space<vmem>> -> memref<128xi32, #tpu.memory_space<vmem>>
      %dma_start3A_65 = arith.constant 0 : i32
      %dma_start3A_66 = arith.constant 0 : i32
      %dma_start3A_67 = tpu.memref_slice %arg10[%dma_start3A_65, %dma_start3A_66] : memref<10112x128xf32, #tpu.memory_space<vmem_shared>> -> memref<10112x128xf32, #tpu.memory_space<vmem_shared>>
      tpu.enqueue_indirect_dma source(%dma_start3A_61 : memref<128x128xf32, #tpu.memory_space<vmem>>) target(%dma_start3A_67 : memref<10112x128xf32, #tpu.memory_space<vmem_shared>>) offsets(%dma_start3A_64 : memref<128xi32, #tpu.memory_space<vmem>>) semaphore(%arg11 : memref<!tpu.dma_semaphore, #tpu.memory_space<semaphore_mem>>) {add = true}
      %dma_wait3A_68 = arith.constant 1 : i32
      %dma_wait3A_69 = arith.constant 0 : i32
      %dma_wait3A_70 = arith.constant 0 : i32
      %dma_wait3A_71 = tpu.memref_slice %arg9[%dma_wait3A_68, %dma_wait3A_69, %dma_wait3A_70] : memref<2x128x128xf32, #tpu.memory_space<vmem>> -> memref<1x128x128xf32, #tpu.memory_space<vmem>>
      %dma_wait3A_72 = tpu.memref_squeeze %dma_wait3A_71 : memref<1x128x128xf32, #tpu.memory_space<vmem>> -> memref<128x128xf32, #tpu.memory_space<vmem>>
      %dma_wait3A_73 = arith.constant 0 : i32
      %dma_wait3A_74 = tpu.memref_slice %arg8[%add3A_31, %dma_wait3A_73] : memref<40x128xi32, #tpu.memory_space<vmem>> -> memref<1x128xi32, #tpu.memory_space<vmem>>
      %dma_wait3A_75 = tpu.memref_squeeze %dma_wait3A_74 : memref<1x128xi32, #tpu.memory_space<vmem>> -> memref<128xi32, #tpu.memory_space<vmem>>
      %dma_wait3A_76 = arith.constant 0 : i32
      %dma_wait3A_77 = arith.constant 0 : i32
      %dma_wait3A_78 = tpu.memref_slice %arg10[%dma_wait3A_76, %dma_wait3A_77] : memref<10112x128xf32, #tpu.memory_space<vmem_shared>> -> memref<10112x128xf32, #tpu.memory_space<vmem_shared>>
      tpu.wait_indirect_dma semaphore(%arg12 : memref<!tpu.dma_semaphore, #tpu.memory_space<semaphore_mem>>) src(%dma_wait3A_72 : memref<128x128xf32, #tpu.memory_space<vmem>>) dst(%dma_wait3A_78 : memref<10112x128xf32, #tpu.memory_space<vmem_shared>>)
      %add3A_79 = arith.constant 3 : i32
      %add3A_80 = arith.addi %mul3A_17, %add3A_79 : i32
      %run_scoped3A_81 = arith.constant 1 : i32
      "tpu.region"() ({
        %run_scoped3A_115 = tpu.sem_alloc : memref<!tpu.dma_semaphore, #tpu.memory_space<semaphore_mem>>
        %dma_start3A_116 = arith.constant 0 : i32
        %dma_start3A_117 = arith.constant 0 : i32
        %dma_start3A_118 = tpu.memref_slice %arg9[%run_scoped3A_81, %dma_start3A_116, %dma_start3A_117] : memref<2x128x128xf32, #tpu.memory_space<vmem>> -> memref<1x128x128xf32, #tpu.memory_space<vmem>>
        %dma_start3A_119 = tpu.memref_squeeze %dma_start3A_118 : memref<1x128x128xf32, #tpu.memory_space<vmem>> -> memref<128x128xf32, #tpu.memory_space<vmem>>
        %dma_start3A_120 = arith.constant 0 : i32
        %dma_start3A_121 = tpu.memref_slice %arg7[%add3A_80, %dma_start3A_120] : memref<40x128xi32, #tpu.memory_space<vmem>> -> memref<1x128xi32, #tpu.memory_space<vmem>>
        %dma_start3A_122 = tpu.memref_squeeze %dma_start3A_121 : memref<1x128xi32, #tpu.memory_space<vmem>> -> memref<128xi32, #tpu.memory_space<vmem>>
        %dma_start3A_123 = arith.constant 0 : i32
        %dma_start3A_124 = arith.constant 0 : i32
        %dma_start3A_125 = tpu.memref_slice %arg2[%dma_start3A_123, %dma_start3A_124] : memref<10000x128xf32, #tpu.memory_space<hbm>> -> memref<10000x128xf32, #tpu.memory_space<hbm>>
        tpu.enqueue_indirect_dma source(%dma_start3A_125 : memref<10000x128xf32, #tpu.memory_space<hbm>>) target(%dma_start3A_119 : memref<128x128xf32, #tpu.memory_space<vmem>>) offsets(%dma_start3A_122 : memref<128xi32, #tpu.memory_space<vmem>>) semaphore(%run_scoped3A_115 : memref<!tpu.dma_semaphore, #tpu.memory_space<semaphore_mem>>)
        %dma_wait3A_126 = arith.constant 0 : i32
        %dma_wait3A_127 = arith.constant 0 : i32
        %dma_wait3A_128 = tpu.memref_slice %arg9[%run_scoped3A_81, %dma_wait3A_126, %dma_wait3A_127] : memref<2x128x128xf32, #tpu.memory_space<vmem>> -> memref<1x128x128xf32, #tpu.memory_space<vmem>>
        %dma_wait3A_129 = tpu.memref_squeeze %dma_wait3A_128 : memref<1x128x128xf32, #tpu.memory_space<vmem>> -> memref<128x128xf32, #tpu.memory_space<vmem>>
        %dma_wait3A_130 = arith.constant 0 : i32
        %dma_wait3A_131 = tpu.memref_slice %arg7[%add3A_80, %dma_wait3A_130] : memref<40x128xi32, #tpu.memory_space<vmem>> -> memref<1x128xi32, #tpu.memory_space<vmem>>
        %dma_wait3A_132 = tpu.memref_squeeze %dma_wait3A_131 : memref<1x128xi32, #tpu.memory_space<vmem>> -> memref<128xi32, #tpu.memory_space<vmem>>
        %dma_wait3A_133 = arith.constant 0 : i32
        %dma_wait3A_134 = arith.constant 0 : i32
        %dma_wait3A_135 = tpu.memref_slice %arg2[%dma_wait3A_133, %dma_wait3A_134] : memref<10000x128xf32, #tpu.memory_space<hbm>> -> memref<10000x128xf32, #tpu.memory_space<hbm>>
        tpu.wait_indirect_dma semaphore(%run_scoped3A_115 : memref<!tpu.dma_semaphore, #tpu.memory_space<semaphore_mem>>) src(%dma_wait3A_135 : memref<10000x128xf32, #tpu.memory_space<hbm>>) dst(%dma_wait3A_129 : memref<128x128xf32, #tpu.memory_space<vmem>>)
        tpu.yield
      }) : () -> ()
      %dma_start3A_82 = arith.constant 1 : i32
      %dma_start3A_83 = arith.constant 0 : i32
      %dma_start3A_84 = arith.constant 0 : i32
      %dma_start3A_85 = tpu.memref_slice %arg9[%dma_start3A_82, %dma_start3A_83, %dma_start3A_84] : memref<2x128x128xf32, #tpu.memory_space<vmem>> -> memref<1x128x128xf32, #tpu.memory_space<vmem>>
      %dma_start3A_86 = tpu.memref_squeeze %dma_start3A_85 : memref<1x128x128xf32, #tpu.memory_space<vmem>> -> memref<128x128xf32, #tpu.memory_space<vmem>>
      %dma_start3A_87 = arith.constant 0 : i32
      %dma_start3A_88 = tpu.memref_slice %arg8[%add3A_80, %dma_start3A_87] : memref<40x128xi32, #tpu.memory_space<vmem>> -> memref<1x128xi32, #tpu.memory_space<vmem>>
      %dma_start3A_89 = tpu.memref_squeeze %dma_start3A_88 : memref<1x128xi32, #tpu.memory_space<vmem>> -> memref<128xi32, #tpu.memory_space<vmem>>
      %dma_start3A_90 = arith.constant 0 : i32
      %dma_start3A_91 = arith.constant 0 : i32
      %dma_start3A_92 = tpu.memref_slice %arg10[%dma_start3A_90, %dma_start3A_91] : memref<10112x128xf32, #tpu.memory_space<vmem_shared>> -> memref<10112x128xf32, #tpu.memory_space<vmem_shared>>
      tpu.enqueue_indirect_dma source(%dma_start3A_86 : memref<128x128xf32, #tpu.memory_space<vmem>>) target(%dma_start3A_92 : memref<10112x128xf32, #tpu.memory_space<vmem_shared>>) offsets(%dma_start3A_89 : memref<128xi32, #tpu.memory_space<vmem>>) semaphore(%arg12 : memref<!tpu.dma_semaphore, #tpu.memory_space<semaphore_mem>>) {add = true}
      %dma_wait3A_93 = arith.constant 0 : i32
      %dma_wait3A_94 = arith.constant 0 : i32
      %dma_wait3A_95 = arith.constant 0 : i32
      %dma_wait3A_96 = tpu.memref_slice %arg9[%dma_wait3A_93, %dma_wait3A_94, %dma_wait3A_95] : memref<2x128x128xf32, #tpu.memory_space<vmem>> -> memref<1x128x128xf32, #tpu.memory_space<vmem>>
      %dma_wait3A_97 = tpu.memref_squeeze %dma_wait3A_96 : memref<1x128x128xf32, #tpu.memory_space<vmem>> -> memref<128x128xf32, #tpu.memory_space<vmem>>
      %dma_wait3A_98 = arith.constant 0 : i32
      %dma_wait3A_99 = tpu.memref_slice %arg8[%add3A_55, %dma_wait3A_98] : memref<40x128xi32, #tpu.memory_space<vmem>> -> memref<1x128xi32, #tpu.memory_space<vmem>>
      %dma_wait3A_100 = tpu.memref_squeeze %dma_wait3A_99 : memref<1x128xi32, #tpu.memory_space<vmem>> -> memref<128xi32, #tpu.memory_space<vmem>>
      %dma_wait3A_101 = arith.constant 0 : i32
      %dma_wait3A_102 = arith.constant 0 : i32
      %dma_wait3A_103 = tpu.memref_slice %arg10[%dma_wait3A_101, %dma_wait3A_102] : memref<10112x128xf32, #tpu.memory_space<vmem_shared>> -> memref<10112x128xf32, #tpu.memory_space<vmem_shared>>
      tpu.wait_indirect_dma semaphore(%arg11 : memref<!tpu.dma_semaphore, #tpu.memory_space<semaphore_mem>>) src(%dma_wait3A_97 : memref<128x128xf32, #tpu.memory_space<vmem>>) dst(%dma_wait3A_103 : memref<10112x128xf32, #tpu.memory_space<vmem_shared>>)
      %dma_wait3A_104 = arith.constant 1 : i32
      %dma_wait3A_105 = arith.constant 0 : i32
      %dma_wait3A_106 = arith.constant 0 : i32
      %dma_wait3A_107 = tpu.memref_slice %arg9[%dma_wait3A_104, %dma_wait3A_105, %dma_wait3A_106] : memref<2x128x128xf32, #tpu.memory_space<vmem>> -> memref<1x128x128xf32, #tpu.memory_space<vmem>>
      %dma_wait3A_108 = tpu.memref_squeeze %dma_wait3A_107 : memref<1x128x128xf32, #tpu.memory_space<vmem>> -> memref<128x128xf32, #tpu.memory_space<vmem>>
      %dma_wait3A_109 = arith.constant 0 : i32
      %dma_wait3A_110 = tpu.memref_slice %arg8[%add3A_80, %dma_wait3A_109] : memref<40x128xi32, #tpu.memory_space<vmem>> -> memref<1x128xi32, #tpu.memory_space<vmem>>
      %dma_wait3A_111 = tpu.memref_squeeze %dma_wait3A_110 : memref<1x128xi32, #tpu.memory_space<vmem>> -> memref<128xi32, #tpu.memory_space<vmem>>
      %dma_wait3A_112 = arith.constant 0 : i32
      %dma_wait3A_113 = arith.constant 0 : i32
      %dma_wait3A_114 = tpu.memref_slice %arg10[%dma_wait3A_112, %dma_wait3A_113] : memref<10112x128xf32, #tpu.memory_space<vmem_shared>> -> memref<10112x128xf32, #tpu.memory_space<vmem_shared>>
      tpu.wait_indirect_dma semaphore(%arg12 : memref<!tpu.dma_semaphore, #tpu.memory_space<semaphore_mem>>) src(%dma_wait3A_108 : memref<128x128xf32, #tpu.memory_space<vmem>>) dst(%dma_wait3A_114 : memref<10112x128xf32, #tpu.memory_space<vmem_shared>>)
    }
    %scan3A_7 = arith.constant 10 : i32
    "tpu.region"() ({
      %run_scoped3A = tpu.sem_alloc : memref<!tpu.dma_semaphore, #tpu.memory_space<semaphore_mem>>
      %dma_start3A = arith.constant 40 : i32
      %dma_start3A_15 = arith.constant 0 : i32
      %dma_start3A_16 = tpu.memref_slice %arg3[%add3A, %dma_start3A, %dma_start3A_15] : memref<32x80x128xi32, #tpu.memory_space<hbm>> -> memref<1x40x128xi32, #tpu.memory_space<hbm>>
      %dma_start3A_17 = tpu.memref_squeeze %dma_start3A_16 : memref<1x40x128xi32, #tpu.memory_space<hbm>> -> memref<40x128xi32, #tpu.memory_space<hbm>>
      %dma_start3A_18 = arith.constant 40 : i32
      %dma_start3A_19 = arith.constant 0 : i32
      %dma_start3A_20 = tpu.memref_slice %arg3[%add3A, %dma_start3A_18, %dma_start3A_19] : memref<32x80x128xi32, #tpu.memory_space<hbm>> -> memref<1x40x128xi32, #tpu.memory_space<hbm>>
      %dma_start3A_21 = tpu.memref_squeeze %dma_start3A_20 : memref<1x40x128xi32, #tpu.memory_space<hbm>> -> memref<40x128xi32, #tpu.memory_space<hbm>>
      tpu.enqueue_dma source(%dma_start3A_21 : memref<40x128xi32, #tpu.memory_space<hbm>>) target(%arg7 : memref<40x128xi32, #tpu.memory_space<vmem>>) target_semaphore(%run_scoped3A : memref<!tpu.dma_semaphore, #tpu.memory_space<semaphore_mem>>)
      %dma_wait3A = arith.constant 40 : i32
      %dma_wait3A_22 = arith.constant 0 : i32
      %dma_wait3A_23 = tpu.memref_slice %arg3[%add3A, %dma_wait3A, %dma_wait3A_22] : memref<32x80x128xi32, #tpu.memory_space<hbm>> -> memref<1x40x128xi32, #tpu.memory_space<hbm>>
      %dma_wait3A_24 = tpu.memref_squeeze %dma_wait3A_23 : memref<1x40x128xi32, #tpu.memory_space<hbm>> -> memref<40x128xi32, #tpu.memory_space<hbm>>
      %dma_wait3A_25 = arith.constant 40 : i32
      %dma_wait3A_26 = arith.constant 0 : i32
      %dma_wait3A_27 = tpu.memref_slice %arg3[%add3A, %dma_wait3A_25, %dma_wait3A_26] : memref<32x80x128xi32, #tpu.memory_space<hbm>> -> memref<1x40x128xi32, #tpu.memory_space<hbm>>
      %dma_wait3A_28 = tpu.memref_squeeze %dma_wait3A_27 : memref<1x40x128xi32, #tpu.memory_space<hbm>> -> memref<40x128xi32, #tpu.memory_space<hbm>>
      tpu.wait_dma2 semaphore(%run_scoped3A : memref<!tpu.dma_semaphore, #tpu.memory_space<semaphore_mem>>) src(%dma_wait3A_28 : memref<40x128xi32, #tpu.memory_space<hbm>>) dst(%arg7 : memref<40x128xi32, #tpu.memory_space<vmem>>)
      tpu.yield
    }) : () -> ()
    "tpu.region"() ({
      %run_scoped3A = tpu.sem_alloc : memref<!tpu.dma_semaphore, #tpu.memory_space<semaphore_mem>>
      %dma_start3A = arith.constant 40 : i32
      %dma_start3A_15 = arith.constant 0 : i32
      %dma_start3A_16 = tpu.memref_slice %arg4[%add3A, %dma_start3A, %dma_start3A_15] : memref<32x80x128xi32, #tpu.memory_space<hbm>> -> memref<1x40x128xi32, #tpu.memory_space<hbm>>
      %dma_start3A_17 = tpu.memref_squeeze %dma_start3A_16 : memref<1x40x128xi32, #tpu.memory_space<hbm>> -> memref<40x128xi32, #tpu.memory_space<hbm>>
      %dma_start3A_18 = arith.constant 40 : i32
      %dma_start3A_19 = arith.constant 0 : i32
      %dma_start3A_20 = tpu.memref_slice %arg4[%add3A, %dma_start3A_18, %dma_start3A_19] : memref<32x80x128xi32, #tpu.memory_space<hbm>> -> memref<1x40x128xi32, #tpu.memory_space<hbm>>
      %dma_start3A_21 = tpu.memref_squeeze %dma_start3A_20 : memref<1x40x128xi32, #tpu.memory_space<hbm>> -> memref<40x128xi32, #tpu.memory_space<hbm>>
      tpu.enqueue_dma source(%dma_start3A_21 : memref<40x128xi32, #tpu.memory_space<hbm>>) target(%arg8 : memref<40x128xi32, #tpu.memory_space<vmem>>) target_semaphore(%run_scoped3A : memref<!tpu.dma_semaphore, #tpu.memory_space<semaphore_mem>>)
      %dma_wait3A = arith.constant 40 : i32
      %dma_wait3A_22 = arith.constant 0 : i32
      %dma_wait3A_23 = tpu.memref_slice %arg4[%add3A, %dma_wait3A, %dma_wait3A_22] : memref<32x80x128xi32, #tpu.memory_space<hbm>> -> memref<1x40x128xi32, #tpu.memory_space<hbm>>
      %dma_wait3A_24 = tpu.memref_squeeze %dma_wait3A_23 : memref<1x40x128xi32, #tpu.memory_space<hbm>> -> memref<40x128xi32, #tpu.memory_space<hbm>>
      %dma_wait3A_25 = arith.constant 40 : i32
      %dma_wait3A_26 = arith.constant 0 : i32
      %dma_wait3A_27 = tpu.memref_slice %arg4[%add3A, %dma_wait3A_25, %dma_wait3A_26] : memref<32x80x128xi32, #tpu.memory_space<hbm>> -> memref<1x40x128xi32, #tpu.memory_space<hbm>>
      %dma_wait3A_28 = tpu.memref_squeeze %dma_wait3A_27 : memref<1x40x128xi32, #tpu.memory_space<hbm>> -> memref<40x128xi32, #tpu.memory_space<hbm>>
      tpu.wait_dma2 semaphore(%run_scoped3A : memref<!tpu.dma_semaphore, #tpu.memory_space<semaphore_mem>>) src(%dma_wait3A_28 : memref<40x128xi32, #tpu.memory_space<hbm>>) dst(%arg8 : memref<40x128xi32, #tpu.memory_space<vmem>>)
      tpu.yield
    }) : () -> ()
    %scan3A_8 = arith.constant 0 : i32
    %scan3A_9 = arith.constant 0 : i32
    %scan3A_10 = arith.constant 10 : i32
    %scan3A_11 = arith.addi %scan3A_9, %scan3A_10 : i32
    %scan3A_12 = arith.constant 1 : i32
    scf.for %scan3A_15 = %scan3A_9 to %scan3A_11 step %scan3A_12  : i32 {
      %mul3A_16 = arith.constant 4 : i32
      %mul3A_17 = arith.muli %scan3A_15, %mul3A_16 : i32
      %add3A_18 = arith.constant 0 : i32
      %add3A_19 = arith.addi %mul3A_17, %add3A_18 : i32
      %run_scoped3A = arith.constant 0 : i32
      "tpu.region"() ({
        %run_scoped3A_115 = tpu.sem_alloc : memref<!tpu.dma_semaphore, #tpu.memory_space<semaphore_mem>>
        %dma_start3A_116 = arith.constant 0 : i32
        %dma_start3A_117 = arith.constant 0 : i32
        %dma_start3A_118 = tpu.memref_slice %arg9[%run_scoped3A, %dma_start3A_116, %dma_start3A_117] : memref<2x128x128xf32, #tpu.memory_space<vmem>> -> memref<1x128x128xf32, #tpu.memory_space<vmem>>
        %dma_start3A_119 = tpu.memref_squeeze %dma_start3A_118 : memref<1x128x128xf32, #tpu.memory_space<vmem>> -> memref<128x128xf32, #tpu.memory_space<vmem>>
        %dma_start3A_120 = arith.constant 0 : i32
        %dma_start3A_121 = tpu.memref_slice %arg7[%add3A_19, %dma_start3A_120] : memref<40x128xi32, #tpu.memory_space<vmem>> -> memref<1x128xi32, #tpu.memory_space<vmem>>
        %dma_start3A_122 = tpu.memref_squeeze %dma_start3A_121 : memref<1x128xi32, #tpu.memory_space<vmem>> -> memref<128xi32, #tpu.memory_space<vmem>>
        %dma_start3A_123 = arith.constant 0 : i32
        %dma_start3A_124 = arith.constant 0 : i32
        %dma_start3A_125 = tpu.memref_slice %arg2[%dma_start3A_123, %dma_start3A_124] : memref<10000x128xf32, #tpu.memory_space<hbm>> -> memref<10000x128xf32, #tpu.memory_space<hbm>>
        tpu.enqueue_indirect_dma source(%dma_start3A_125 : memref<10000x128xf32, #tpu.memory_space<hbm>>) target(%dma_start3A_119 : memref<128x128xf32, #tpu.memory_space<vmem>>) offsets(%dma_start3A_122 : memref<128xi32, #tpu.memory_space<vmem>>) semaphore(%run_scoped3A_115 : memref<!tpu.dma_semaphore, #tpu.memory_space<semaphore_mem>>)
        %dma_wait3A_126 = arith.constant 0 : i32
        %dma_wait3A_127 = arith.constant 0 : i32
        %dma_wait3A_128 = tpu.memref_slice %arg9[%run_scoped3A, %dma_wait3A_126, %dma_wait3A_127] : memref<2x128x128xf32, #tpu.memory_space<vmem>> -> memref<1x128x128xf32, #tpu.memory_space<vmem>>
        %dma_wait3A_129 = tpu.memref_squeeze %dma_wait3A_128 : memref<1x128x128xf32, #tpu.memory_space<vmem>> -> memref<128x128xf32, #tpu.memory_space<vmem>>
        %dma_wait3A_130 = arith.constant 0 : i32
        %dma_wait3A_131 = tpu.memref_slice %arg7[%add3A_19, %dma_wait3A_130] : memref<40x128xi32, #tpu.memory_space<vmem>> -> memref<1x128xi32, #tpu.memory_space<vmem>>
        %dma_wait3A_132 = tpu.memref_squeeze %dma_wait3A_131 : memref<1x128xi32, #tpu.memory_space<vmem>> -> memref<128xi32, #tpu.memory_space<vmem>>
        %dma_wait3A_133 = arith.constant 0 : i32
        %dma_wait3A_134 = arith.constant 0 : i32
        %dma_wait3A_135 = tpu.memref_slice %arg2[%dma_wait3A_133, %dma_wait3A_134] : memref<10000x128xf32, #tpu.memory_space<hbm>> -> memref<10000x128xf32, #tpu.memory_space<hbm>>
        tpu.wait_indirect_dma semaphore(%run_scoped3A_115 : memref<!tpu.dma_semaphore, #tpu.memory_space<semaphore_mem>>) src(%dma_wait3A_135 : memref<10000x128xf32, #tpu.memory_space<hbm>>) dst(%dma_wait3A_129 : memref<128x128xf32, #tpu.memory_space<vmem>>)
        tpu.yield
      }) : () -> ()
      %dma_start3A = arith.constant 0 : i32
      %dma_start3A_20 = arith.constant 0 : i32
      %dma_start3A_21 = arith.constant 0 : i32
      %dma_start3A_22 = tpu.memref_slice %arg9[%dma_start3A, %dma_start3A_20, %dma_start3A_21] : memref<2x128x128xf32, #tpu.memory_space<vmem>> -> memref<1x128x128xf32, #tpu.memory_space<vmem>>
      %dma_start3A_23 = tpu.memref_squeeze %dma_start3A_22 : memref<1x128x128xf32, #tpu.memory_space<vmem>> -> memref<128x128xf32, #tpu.memory_space<vmem>>
      %dma_start3A_24 = arith.constant 0 : i32
      %dma_start3A_25 = tpu.memref_slice %arg8[%add3A_19, %dma_start3A_24] : memref<40x128xi32, #tpu.memory_space<vmem>> -> memref<1x128xi32, #tpu.memory_space<vmem>>
      %dma_start3A_26 = tpu.memref_squeeze %dma_start3A_25 : memref<1x128xi32, #tpu.memory_space<vmem>> -> memref<128xi32, #tpu.memory_space<vmem>>
      %dma_start3A_27 = arith.constant 0 : i32
      %dma_start3A_28 = arith.constant 0 : i32
      %dma_start3A_29 = tpu.memref_slice %arg10[%dma_start3A_27, %dma_start3A_28] : memref<10112x128xf32, #tpu.memory_space<vmem_shared>> -> memref<10112x128xf32, #tpu.memory_space<vmem_shared>>
      tpu.enqueue_indirect_dma source(%dma_start3A_23 : memref<128x128xf32, #tpu.memory_space<vmem>>) target(%dma_start3A_29 : memref<10112x128xf32, #tpu.memory_space<vmem_shared>>) offsets(%dma_start3A_26 : memref<128xi32, #tpu.memory_space<vmem>>) semaphore(%arg11 : memref<!tpu.dma_semaphore, #tpu.memory_space<semaphore_mem>>) {add = true}
      %add3A_30 = arith.constant 1 : i32
      %add3A_31 = arith.addi %mul3A_17, %add3A_30 : i32
      %run_scoped3A_32 = arith.constant 1 : i32
      "tpu.region"() ({
        %run_scoped3A_115 = tpu.sem_alloc : memref<!tpu.dma_semaphore, #tpu.memory_space<semaphore_mem>>
        %dma_start3A_116 = arith.constant 0 : i32
        %dma_start3A_117 = arith.constant 0 : i32
        %dma_start3A_118 = tpu.memref_slice %arg9[%run_scoped3A_32, %dma_start3A_116, %dma_start3A_117] : memref<2x128x128xf32, #tpu.memory_space<vmem>> -> memref<1x128x128xf32, #tpu.memory_space<vmem>>
        %dma_start3A_119 = tpu.memref_squeeze %dma_start3A_118 : memref<1x128x128xf32, #tpu.memory_space<vmem>> -> memref<128x128xf32, #tpu.memory_space<vmem>>
        %dma_start3A_120 = arith.constant 0 : i32
        %dma_start3A_121 = tpu.memref_slice %arg7[%add3A_31, %dma_start3A_120] : memref<40x128xi32, #tpu.memory_space<vmem>> -> memref<1x128xi32, #tpu.memory_space<vmem>>
        %dma_start3A_122 = tpu.memref_squeeze %dma_start3A_121 : memref<1x128xi32, #tpu.memory_space<vmem>> -> memref<128xi32, #tpu.memory_space<vmem>>
        %dma_start3A_123 = arith.constant 0 : i32
        %dma_start3A_124 = arith.constant 0 : i32
        %dma_start3A_125 = tpu.memref_slice %arg2[%dma_start3A_123, %dma_start3A_124] : memref<10000x128xf32, #tpu.memory_space<hbm>> -> memref<10000x128xf32, #tpu.memory_space<hbm>>
        tpu.enqueue_indirect_dma source(%dma_start3A_125 : memref<10000x128xf32, #tpu.memory_space<hbm>>) target(%dma_start3A_119 : memref<128x128xf32, #tpu.memory_space<vmem>>) offsets(%dma_start3A_122 : memref<128xi32, #tpu.memory_space<vmem>>) semaphore(%run_scoped3A_115 : memref<!tpu.dma_semaphore, #tpu.memory_space<semaphore_mem>>)
        %dma_wait3A_126 = arith.constant 0 : i32
        %dma_wait3A_127 = arith.constant 0 : i32
        %dma_wait3A_128 = tpu.memref_slice %arg9[%run_scoped3A_32, %dma_wait3A_126, %dma_wait3A_127] : memref<2x128x128xf32, #tpu.memory_space<vmem>> -> memref<1x128x128xf32, #tpu.memory_space<vmem>>
        %dma_wait3A_129 = tpu.memref_squeeze %dma_wait3A_128 : memref<1x128x128xf32, #tpu.memory_space<vmem>> -> memref<128x128xf32, #tpu.memory_space<vmem>>
        %dma_wait3A_130 = arith.constant 0 : i32
        %dma_wait3A_131 = tpu.memref_slice %arg7[%add3A_31, %dma_wait3A_130] : memref<40x128xi32, #tpu.memory_space<vmem>> -> memref<1x128xi32, #tpu.memory_space<vmem>>
        %dma_wait3A_132 = tpu.memref_squeeze %dma_wait3A_131 : memref<1x128xi32, #tpu.memory_space<vmem>> -> memref<128xi32, #tpu.memory_space<vmem>>
        %dma_wait3A_133 = arith.constant 0 : i32
        %dma_wait3A_134 = arith.constant 0 : i32
        %dma_wait3A_135 = tpu.memref_slice %arg2[%dma_wait3A_133, %dma_wait3A_134] : memref<10000x128xf32, #tpu.memory_space<hbm>> -> memref<10000x128xf32, #tpu.memory_space<hbm>>
        tpu.wait_indirect_dma semaphore(%run_scoped3A_115 : memref<!tpu.dma_semaphore, #tpu.memory_space<semaphore_mem>>) src(%dma_wait3A_135 : memref<10000x128xf32, #tpu.memory_space<hbm>>) dst(%dma_wait3A_129 : memref<128x128xf32, #tpu.memory_space<vmem>>)
        tpu.yield
      }) : () -> ()
      %dma_start3A_33 = arith.constant 1 : i32
      %dma_start3A_34 = arith.constant 0 : i32
      %dma_start3A_35 = arith.constant 0 : i32
      %dma_start3A_36 = tpu.memref_slice %arg9[%dma_start3A_33, %dma_start3A_34, %dma_start3A_35] : memref<2x128x128xf32, #tpu.memory_space<vmem>> -> memref<1x128x128xf32, #tpu.memory_space<vmem>>
      %dma_start3A_37 = tpu.memref_squeeze %dma_start3A_36 : memref<1x128x128xf32, #tpu.memory_space<vmem>> -> memref<128x128xf32, #tpu.memory_space<vmem>>
      %dma_start3A_38 = arith.constant 0 : i32
      %dma_start3A_39 = tpu.memref_slice %arg8[%add3A_31, %dma_start3A_38] : memref<40x128xi32, #tpu.memory_space<vmem>> -> memref<1x128xi32, #tpu.memory_space<vmem>>
      %dma_start3A_40 = tpu.memref_squeeze %dma_start3A_39 : memref<1x128xi32, #tpu.memory_space<vmem>> -> memref<128xi32, #tpu.memory_space<vmem>>
      %dma_start3A_41 = arith.constant 0 : i32
      %dma_start3A_42 = arith.constant 0 : i32
      %dma_start3A_43 = tpu.memref_slice %arg10[%dma_start3A_41, %dma_start3A_42] : memref<10112x128xf32, #tpu.memory_space<vmem_shared>> -> memref<10112x128xf32, #tpu.memory_space<vmem_shared>>
      tpu.enqueue_indirect_dma source(%dma_start3A_37 : memref<128x128xf32, #tpu.memory_space<vmem>>) target(%dma_start3A_43 : memref<10112x128xf32, #tpu.memory_space<vmem_shared>>) offsets(%dma_start3A_40 : memref<128xi32, #tpu.memory_space<vmem>>) semaphore(%arg12 : memref<!tpu.dma_semaphore, #tpu.memory_space<semaphore_mem>>) {add = true}
      %dma_wait3A = arith.constant 0 : i32
      %dma_wait3A_44 = arith.constant 0 : i32
      %dma_wait3A_45 = arith.constant 0 : i32
      %dma_wait3A_46 = tpu.memref_slice %arg9[%dma_wait3A, %dma_wait3A_44, %dma_wait3A_45] : memref<2x128x128xf32, #tpu.memory_space<vmem>> -> memref<1x128x128xf32, #tpu.memory_space<vmem>>
      %dma_wait3A_47 = tpu.memref_squeeze %dma_wait3A_46 : memref<1x128x128xf32, #tpu.memory_space<vmem>> -> memref<128x128xf32, #tpu.memory_space<vmem>>
      %dma_wait3A_48 = arith.constant 0 : i32
      %dma_wait3A_49 = tpu.memref_slice %arg8[%add3A_19, %dma_wait3A_48] : memref<40x128xi32, #tpu.memory_space<vmem>> -> memref<1x128xi32, #tpu.memory_space<vmem>>
      %dma_wait3A_50 = tpu.memref_squeeze %dma_wait3A_49 : memref<1x128xi32, #tpu.memory_space<vmem>> -> memref<128xi32, #tpu.memory_space<vmem>>
      %dma_wait3A_51 = arith.constant 0 : i32
      %dma_wait3A_52 = arith.constant 0 : i32
      %dma_wait3A_53 = tpu.memref_slice %arg10[%dma_wait3A_51, %dma_wait3A_52] : memref<10112x128xf32, #tpu.memory_space<vmem_shared>> -> memref<10112x128xf32, #tpu.memory_space<vmem_shared>>
      tpu.wait_indirect_dma semaphore(%arg11 : memref<!tpu.dma_semaphore, #tpu.memory_space<semaphore_mem>>) src(%dma_wait3A_47 : memref<128x128xf32, #tpu.memory_space<vmem>>) dst(%dma_wait3A_53 : memref<10112x128xf32, #tpu.memory_space<vmem_shared>>)
      %add3A_54 = arith.constant 2 : i32
      %add3A_55 = arith.addi %mul3A_17, %add3A_54 : i32
      %run_scoped3A_56 = arith.constant 0 : i32
      "tpu.region"() ({
        %run_scoped3A_115 = tpu.sem_alloc : memref<!tpu.dma_semaphore, #tpu.memory_space<semaphore_mem>>
        %dma_start3A_116 = arith.constant 0 : i32
        %dma_start3A_117 = arith.constant 0 : i32
        %dma_start3A_118 = tpu.memref_slice %arg9[%run_scoped3A_56, %dma_start3A_116, %dma_start3A_117] : memref<2x128x128xf32, #tpu.memory_space<vmem>> -> memref<1x128x128xf32, #tpu.memory_space<vmem>>
        %dma_start3A_119 = tpu.memref_squeeze %dma_start3A_118 : memref<1x128x128xf32, #tpu.memory_space<vmem>> -> memref<128x128xf32, #tpu.memory_space<vmem>>
        %dma_start3A_120 = arith.constant 0 : i32
        %dma_start3A_121 = tpu.memref_slice %arg7[%add3A_55, %dma_start3A_120] : memref<40x128xi32, #tpu.memory_space<vmem>> -> memref<1x128xi32, #tpu.memory_space<vmem>>
        %dma_start3A_122 = tpu.memref_squeeze %dma_start3A_121 : memref<1x128xi32, #tpu.memory_space<vmem>> -> memref<128xi32, #tpu.memory_space<vmem>>
        %dma_start3A_123 = arith.constant 0 : i32
        %dma_start3A_124 = arith.constant 0 : i32
        %dma_start3A_125 = tpu.memref_slice %arg2[%dma_start3A_123, %dma_start3A_124] : memref<10000x128xf32, #tpu.memory_space<hbm>> -> memref<10000x128xf32, #tpu.memory_space<hbm>>
        tpu.enqueue_indirect_dma source(%dma_start3A_125 : memref<10000x128xf32, #tpu.memory_space<hbm>>) target(%dma_start3A_119 : memref<128x128xf32, #tpu.memory_space<vmem>>) offsets(%dma_start3A_122 : memref<128xi32, #tpu.memory_space<vmem>>) semaphore(%run_scoped3A_115 : memref<!tpu.dma_semaphore, #tpu.memory_space<semaphore_mem>>)
        %dma_wait3A_126 = arith.constant 0 : i32
        %dma_wait3A_127 = arith.constant 0 : i32
        %dma_wait3A_128 = tpu.memref_slice %arg9[%run_scoped3A_56, %dma_wait3A_126, %dma_wait3A_127] : memref<2x128x128xf32, #tpu.memory_space<vmem>> -> memref<1x128x128xf32, #tpu.memory_space<vmem>>
        %dma_wait3A_129 = tpu.memref_squeeze %dma_wait3A_128 : memref<1x128x128xf32, #tpu.memory_space<vmem>> -> memref<128x128xf32, #tpu.memory_space<vmem>>
        %dma_wait3A_130 = arith.constant 0 : i32
        %dma_wait3A_131 = tpu.memref_slice %arg7[%add3A_55, %dma_wait3A_130] : memref<40x128xi32, #tpu.memory_space<vmem>> -> memref<1x128xi32, #tpu.memory_space<vmem>>
        %dma_wait3A_132 = tpu.memref_squeeze %dma_wait3A_131 : memref<1x128xi32, #tpu.memory_space<vmem>> -> memref<128xi32, #tpu.memory_space<vmem>>
        %dma_wait3A_133 = arith.constant 0 : i32
        %dma_wait3A_134 = arith.constant 0 : i32
        %dma_wait3A_135 = tpu.memref_slice %arg2[%dma_wait3A_133, %dma_wait3A_134] : memref<10000x128xf32, #tpu.memory_space<hbm>> -> memref<10000x128xf32, #tpu.memory_space<hbm>>
        tpu.wait_indirect_dma semaphore(%run_scoped3A_115 : memref<!tpu.dma_semaphore, #tpu.memory_space<semaphore_mem>>) src(%dma_wait3A_135 : memref<10000x128xf32, #tpu.memory_space<hbm>>) dst(%dma_wait3A_129 : memref<128x128xf32, #tpu.memory_space<vmem>>)
        tpu.yield
      }) : () -> ()
      %dma_start3A_57 = arith.constant 0 : i32
      %dma_start3A_58 = arith.constant 0 : i32
      %dma_start3A_59 = arith.constant 0 : i32
      %dma_start3A_60 = tpu.memref_slice %arg9[%dma_start3A_57, %dma_start3A_58, %dma_start3A_59] : memref<2x128x128xf32, #tpu.memory_space<vmem>> -> memref<1x128x128xf32, #tpu.memory_space<vmem>>
      %dma_start3A_61 = tpu.memref_squeeze %dma_start3A_60 : memref<1x128x128xf32, #tpu.memory_space<vmem>> -> memref<128x128xf32, #tpu.memory_space<vmem>>
      %dma_start3A_62 = arith.constant 0 : i32
      %dma_start3A_63 = tpu.memref_slice %arg8[%add3A_55, %dma_start3A_62] : memref<40x128xi32, #tpu.memory_space<vmem>> -> memref<1x128xi32, #tpu.memory_space<vmem>>
      %dma_start3A_64 = tpu.memref_squeeze %dma_start3A_63 : memref<1x128xi32, #tpu.memory_space<vmem>> -> memref<128xi32, #tpu.memory_space<vmem>>
      %dma_start3A_65 = arith.constant 0 : i32
      %dma_start3A_66 = arith.constant 0 : i32
      %dma_start3A_67 = tpu.memref_slice %arg10[%dma_start3A_65, %dma_start3A_66] : memref<10112x128xf32, #tpu.memory_space<vmem_shared>> -> memref<10112x128xf32, #tpu.memory_space<vmem_shared>>
      tpu.enqueue_indirect_dma source(%dma_start3A_61 : memref<128x128xf32, #tpu.memory_space<vmem>>) target(%dma_start3A_67 : memref<10112x128xf32, #tpu.memory_space<vmem_shared>>) offsets(%dma_start3A_64 : memref<128xi32, #tpu.memory_space<vmem>>) semaphore(%arg11 : memref<!tpu.dma_semaphore, #tpu.memory_space<semaphore_mem>>) {add = true}
      %dma_wait3A_68 = arith.constant 1 : i32
      %dma_wait3A_69 = arith.constant 0 : i32
      %dma_wait3A_70 = arith.constant 0 : i32
      %dma_wait3A_71 = tpu.memref_slice %arg9[%dma_wait3A_68, %dma_wait3A_69, %dma_wait3A_70] : memref<2x128x128xf32, #tpu.memory_space<vmem>> -> memref<1x128x128xf32, #tpu.memory_space<vmem>>
      %dma_wait3A_72 = tpu.memref_squeeze %dma_wait3A_71 : memref<1x128x128xf32, #tpu.memory_space<vmem>> -> memref<128x128xf32, #tpu.memory_space<vmem>>
      %dma_wait3A_73 = arith.constant 0 : i32
      %dma_wait3A_74 = tpu.memref_slice %arg8[%add3A_31, %dma_wait3A_73] : memref<40x128xi32, #tpu.memory_space<vmem>> -> memref<1x128xi32, #tpu.memory_space<vmem>>
      %dma_wait3A_75 = tpu.memref_squeeze %dma_wait3A_74 : memref<1x128xi32, #tpu.memory_space<vmem>> -> memref<128xi32, #tpu.memory_space<vmem>>
      %dma_wait3A_76 = arith.constant 0 : i32
      %dma_wait3A_77 = arith.constant 0 : i32
      %dma_wait3A_78 = tpu.memref_slice %arg10[%dma_wait3A_76, %dma_wait3A_77] : memref<10112x128xf32, #tpu.memory_space<vmem_shared>> -> memref<10112x128xf32, #tpu.memory_space<vmem_shared>>
      tpu.wait_indirect_dma semaphore(%arg12 : memref<!tpu.dma_semaphore, #tpu.memory_space<semaphore_mem>>) src(%dma_wait3A_72 : memref<128x128xf32, #tpu.memory_space<vmem>>) dst(%dma_wait3A_78 : memref<10112x128xf32, #tpu.memory_space<vmem_shared>>)
      %add3A_79 = arith.constant 3 : i32
      %add3A_80 = arith.addi %mul3A_17, %add3A_79 : i32
      %run_scoped3A_81 = arith.constant 1 : i32
      "tpu.region"() ({
        %run_scoped3A_115 = tpu.sem_alloc : memref<!tpu.dma_semaphore, #tpu.memory_space<semaphore_mem>>
        %dma_start3A_116 = arith.constant 0 : i32
        %dma_start3A_117 = arith.constant 0 : i32
        %dma_start3A_118 = tpu.memref_slice %arg9[%run_scoped3A_81, %dma_start3A_116, %dma_start3A_117] : memref<2x128x128xf32, #tpu.memory_space<vmem>> -> memref<1x128x128xf32, #tpu.memory_space<vmem>>
        %dma_start3A_119 = tpu.memref_squeeze %dma_start3A_118 : memref<1x128x128xf32, #tpu.memory_space<vmem>> -> memref<128x128xf32, #tpu.memory_space<vmem>>
        %dma_start3A_120 = arith.constant 0 : i32
        %dma_start3A_121 = tpu.memref_slice %arg7[%add3A_80, %dma_start3A_120] : memref<40x128xi32, #tpu.memory_space<vmem>> -> memref<1x128xi32, #tpu.memory_space<vmem>>
        %dma_start3A_122 = tpu.memref_squeeze %dma_start3A_121 : memref<1x128xi32, #tpu.memory_space<vmem>> -> memref<128xi32, #tpu.memory_space<vmem>>
        %dma_start3A_123 = arith.constant 0 : i32
        %dma_start3A_124 = arith.constant 0 : i32
        %dma_start3A_125 = tpu.memref_slice %arg2[%dma_start3A_123, %dma_start3A_124] : memref<10000x128xf32, #tpu.memory_space<hbm>> -> memref<10000x128xf32, #tpu.memory_space<hbm>>
        tpu.enqueue_indirect_dma source(%dma_start3A_125 : memref<10000x128xf32, #tpu.memory_space<hbm>>) target(%dma_start3A_119 : memref<128x128xf32, #tpu.memory_space<vmem>>) offsets(%dma_start3A_122 : memref<128xi32, #tpu.memory_space<vmem>>) semaphore(%run_scoped3A_115 : memref<!tpu.dma_semaphore, #tpu.memory_space<semaphore_mem>>)
        %dma_wait3A_126 = arith.constant 0 : i32
        %dma_wait3A_127 = arith.constant 0 : i32
        %dma_wait3A_128 = tpu.memref_slice %arg9[%run_scoped3A_81, %dma_wait3A_126, %dma_wait3A_127] : memref<2x128x128xf32, #tpu.memory_space<vmem>> -> memref<1x128x128xf32, #tpu.memory_space<vmem>>
        %dma_wait3A_129 = tpu.memref_squeeze %dma_wait3A_128 : memref<1x128x128xf32, #tpu.memory_space<vmem>> -> memref<128x128xf32, #tpu.memory_space<vmem>>
        %dma_wait3A_130 = arith.constant 0 : i32
        %dma_wait3A_131 = tpu.memref_slice %arg7[%add3A_80, %dma_wait3A_130] : memref<40x128xi32, #tpu.memory_space<vmem>> -> memref<1x128xi32, #tpu.memory_space<vmem>>
        %dma_wait3A_132 = tpu.memref_squeeze %dma_wait3A_131 : memref<1x128xi32, #tpu.memory_space<vmem>> -> memref<128xi32, #tpu.memory_space<vmem>>
        %dma_wait3A_133 = arith.constant 0 : i32
        %dma_wait3A_134 = arith.constant 0 : i32
        %dma_wait3A_135 = tpu.memref_slice %arg2[%dma_wait3A_133, %dma_wait3A_134] : memref<10000x128xf32, #tpu.memory_space<hbm>> -> memref<10000x128xf32, #tpu.memory_space<hbm>>
        tpu.wait_indirect_dma semaphore(%run_scoped3A_115 : memref<!tpu.dma_semaphore, #tpu.memory_space<semaphore_mem>>) src(%dma_wait3A_135 : memref<10000x128xf32, #tpu.memory_space<hbm>>) dst(%dma_wait3A_129 : memref<128x128xf32, #tpu.memory_space<vmem>>)
        tpu.yield
      }) : () -> ()
      %dma_start3A_82 = arith.constant 1 : i32
      %dma_start3A_83 = arith.constant 0 : i32
      %dma_start3A_84 = arith.constant 0 : i32
      %dma_start3A_85 = tpu.memref_slice %arg9[%dma_start3A_82, %dma_start3A_83, %dma_start3A_84] : memref<2x128x128xf32, #tpu.memory_space<vmem>> -> memref<1x128x128xf32, #tpu.memory_space<vmem>>
      %dma_start3A_86 = tpu.memref_squeeze %dma_start3A_85 : memref<1x128x128xf32, #tpu.memory_space<vmem>> -> memref<128x128xf32, #tpu.memory_space<vmem>>
      %dma_start3A_87 = arith.constant 0 : i32
      %dma_start3A_88 = tpu.memref_slice %arg8[%add3A_80, %dma_start3A_87] : memref<40x128xi32, #tpu.memory_space<vmem>> -> memref<1x128xi32, #tpu.memory_space<vmem>>
      %dma_start3A_89 = tpu.memref_squeeze %dma_start3A_88 : memref<1x128xi32, #tpu.memory_space<vmem>> -> memref<128xi32, #tpu.memory_space<vmem>>
      %dma_start3A_90 = arith.constant 0 : i32
      %dma_start3A_91 = arith.constant 0 : i32
      %dma_start3A_92 = tpu.memref_slice %arg10[%dma_start3A_90, %dma_start3A_91] : memref<10112x128xf32, #tpu.memory_space<vmem_shared>> -> memref<10112x128xf32, #tpu.memory_space<vmem_shared>>
      tpu.enqueue_indirect_dma source(%dma_start3A_86 : memref<128x128xf32, #tpu.memory_space<vmem>>) target(%dma_start3A_92 : memref<10112x128xf32, #tpu.memory_space<vmem_shared>>) offsets(%dma_start3A_89 : memref<128xi32, #tpu.memory_space<vmem>>) semaphore(%arg12 : memref<!tpu.dma_semaphore, #tpu.memory_space<semaphore_mem>>) {add = true}
      %dma_wait3A_93 = arith.constant 0 : i32
      %dma_wait3A_94 = arith.constant 0 : i32
      %dma_wait3A_95 = arith.constant 0 : i32
      %dma_wait3A_96 = tpu.memref_slice %arg9[%dma_wait3A_93, %dma_wait3A_94, %dma_wait3A_95] : memref<2x128x128xf32, #tpu.memory_space<vmem>> -> memref<1x128x128xf32, #tpu.memory_space<vmem>>
      %dma_wait3A_97 = tpu.memref_squeeze %dma_wait3A_96 : memref<1x128x128xf32, #tpu.memory_space<vmem>> -> memref<128x128xf32, #tpu.memory_space<vmem>>
      %dma_wait3A_98 = arith.constant 0 : i32
      %dma_wait3A_99 = tpu.memref_slice %arg8[%add3A_55, %dma_wait3A_98] : memref<40x128xi32, #tpu.memory_space<vmem>> -> memref<1x128xi32, #tpu.memory_space<vmem>>
      %dma_wait3A_100 = tpu.memref_squeeze %dma_wait3A_99 : memref<1x128xi32, #tpu.memory_space<vmem>> -> memref<128xi32, #tpu.memory_space<vmem>>
      %dma_wait3A_101 = arith.constant 0 : i32
      %dma_wait3A_102 = arith.constant 0 : i32
      %dma_wait3A_103 = tpu.memref_slice %arg10[%dma_wait3A_101, %dma_wait3A_102] : memref<10112x128xf32, #tpu.memory_space<vmem_shared>> -> memref<10112x128xf32, #tpu.memory_space<vmem_shared>>
      tpu.wait_indirect_dma semaphore(%arg11 : memref<!tpu.dma_semaphore, #tpu.memory_space<semaphore_mem>>) src(%dma_wait3A_97 : memref<128x128xf32, #tpu.memory_space<vmem>>) dst(%dma_wait3A_103 : memref<10112x128xf32, #tpu.memory_space<vmem_shared>>)
      %dma_wait3A_104 = arith.constant 1 : i32
      %dma_wait3A_105 = arith.constant 0 : i32
      %dma_wait3A_106 = arith.constant 0 : i32
      %dma_wait3A_107 = tpu.memref_slice %arg9[%dma_wait3A_104, %dma_wait3A_105, %dma_wait3A_106] : memref<2x128x128xf32, #tpu.memory_space<vmem>> -> memref<1x128x128xf32, #tpu.memory_space<vmem>>
      %dma_wait3A_108 = tpu.memref_squeeze %dma_wait3A_107 : memref<1x128x128xf32, #tpu.memory_space<vmem>> -> memref<128x128xf32, #tpu.memory_space<vmem>>
      %dma_wait3A_109 = arith.constant 0 : i32
      %dma_wait3A_110 = tpu.memref_slice %arg8[%add3A_80, %dma_wait3A_109] : memref<40x128xi32, #tpu.memory_space<vmem>> -> memref<1x128xi32, #tpu.memory_space<vmem>>
      %dma_wait3A_111 = tpu.memref_squeeze %dma_wait3A_110 : memref<1x128xi32, #tpu.memory_space<vmem>> -> memref<128xi32, #tpu.memory_space<vmem>>
      %dma_wait3A_112 = arith.constant 0 : i32
      %dma_wait3A_113 = arith.constant 0 : i32
      %dma_wait3A_114 = tpu.memref_slice %arg10[%dma_wait3A_112, %dma_wait3A_113] : memref<10112x128xf32, #tpu.memory_space<vmem_shared>> -> memref<10112x128xf32, #tpu.memory_space<vmem_shared>>
      tpu.wait_indirect_dma semaphore(%arg12 : memref<!tpu.dma_semaphore, #tpu.memory_space<semaphore_mem>>) src(%dma_wait3A_108 : memref<128x128xf32, #tpu.memory_space<vmem>>) dst(%dma_wait3A_114 : memref<10112x128xf32, #tpu.memory_space<vmem_shared>>)
    }
    %scan3A_13 = arith.constant 10 : i32
    %barrier3A_14 = arith.constant 0 : index
    tpu.barrier barrier_id(%barrier3A_14)
    "tpu.region"() ({
      %run_scoped3A = tpu.sem_alloc : memref<!tpu.dma_semaphore, #tpu.memory_space<semaphore_mem>>
      %dma_start3A = arith.constant 0 : i32
      %dma_start3A_15 = tpu.memref_slice %arg6[%arg0, %mul3A_2, %dma_start3A] : memref<2x10112x128xf32, #tpu.memory_space<hbm>> -> memref<1x632x128xf32, #tpu.memory_space<hbm>>
      %dma_start3A_16 = tpu.memref_squeeze %dma_start3A_15 : memref<1x632x128xf32, #tpu.memory_space<hbm>> -> memref<632x128xf32, #tpu.memory_space<hbm>>
      %dma_start3A_17 = arith.constant 0 : i32
      %dma_start3A_18 = tpu.memref_slice %arg10[%mul3A_2, %dma_start3A_17] : memref<10112x128xf32, #tpu.memory_space<vmem_shared>> -> memref<632x128xf32, #tpu.memory_space<vmem_shared>>
      tpu.enqueue_dma source(%dma_start3A_18 : memref<632x128xf32, #tpu.memory_space<vmem_shared>>) target(%dma_start3A_16 : memref<632x128xf32, #tpu.memory_space<hbm>>) target_semaphore(%run_scoped3A : memref<!tpu.dma_semaphore, #tpu.memory_space<semaphore_mem>>)
      %dma_wait3A = arith.constant 0 : i32
      %dma_wait3A_19 = tpu.memref_slice %arg6[%arg0, %mul3A_2, %dma_wait3A] : memref<2x10112x128xf32, #tpu.memory_space<hbm>> -> memref<1x632x128xf32, #tpu.memory_space<hbm>>
      %dma_wait3A_20 = tpu.memref_squeeze %dma_wait3A_19 : memref<1x632x128xf32, #tpu.memory_space<hbm>> -> memref<632x128xf32, #tpu.memory_space<hbm>>
      %dma_wait3A_21 = arith.constant 0 : i32
      %dma_wait3A_22 = tpu.memref_slice %arg10[%mul3A_2, %dma_wait3A_21] : memref<10112x128xf32, #tpu.memory_space<vmem_shared>> -> memref<632x128xf32, #tpu.memory_space<vmem_shared>>
      tpu.wait_dma2 semaphore(%run_scoped3A : memref<!tpu.dma_semaphore, #tpu.memory_space<semaphore_mem>>) src(%dma_wait3A_22 : memref<632x128xf32, #tpu.memory_space<vmem_shared>>) dst(%dma_wait3A_20 : memref<632x128xf32, #tpu.memory_space<hbm>>)
      tpu.yield
    }) : () -> ()
    return
  }
}

module attributes {stable_mosaic.version = 14 : i64} {
  func.func @_t1_body(%arg0: i32, %arg1: memref<1000x128xf32, #tpu.memory_space<vmem>>, %arg2: memref<128x128xf32, #tpu.memory_space<vmem>>, %arg3: memref<1000x128xf32, #tpu.memory_space<vmem>>) attributes {dimension_semantics = [#tpu.dimension_semantics<arbitrary>], iteration_bounds = array<i64: 10>, scalar_prefetch = 0 : i64, scratch_operands = 0 : i64, tpu.core_type = #tpu.core_type<tc>, window_params = [{transform_indices = @transform_0, window_bounds = array<i64: 1000, 128>}, {pipeline_mode = #tpu.pipeline_mode<synchronous>, transform_indices = @transform_1, window_bounds = array<i64: 128, 128>}, {transform_indices = @transform_2, window_bounds = array<i64: 1000, 128>}]} {
    %get3A = arith.constant 0 : index
    %get3A_0 = arith.constant 0 : index
    %get3A_1 = vector.load %arg1[%get3A, %get3A_0] : memref<1000x128xf32, #tpu.memory_space<vmem>>, vector<1000x128xf32>
    %get3A_2 = arith.constant 0 : index
    %get3A_3 = arith.constant 0 : index
    %get3A_4 = vector.load %arg2[%get3A_2, %get3A_3] : memref<128x128xf32, #tpu.memory_space<vmem>>, vector<128x128xf32>
    %dot_general3A = arith.constant dense<0.000000e+00> : vector<1000x128xf32>
    %dot_general3A_5 = tpu.matmul %get3A_1, %get3A_4, %dot_general3A {dimension_numbers = #tpu.dot_dimension_numbers<[1], [0], [0], [1], [0, 0, 1, 1], [], []>, transpose_lhs_hint = false} : vector<1000x128xf32>, vector<128x128xf32>, vector<1000x128xf32> -> vector<1000x128xf32>
    %swap3A = arith.constant 0 : index
    %swap3A_6 = arith.constant 0 : index
    %swap3A_7 = vector.load %arg3[%swap3A, %swap3A_6] : memref<1000x128xf32, #tpu.memory_space<vmem>>, vector<1000x128xf32>
    tpu.vector_store %arg3[%swap3A, %swap3A_6], %dot_general3A_5 {strides = array<i32>} : memref<1000x128xf32, #tpu.memory_space<vmem>>, vector<1000x128xf32>,
    return
  }
  func.func @transform_0(%arg0: i32) -> (i32, i32) {
    %c0_i32 = arith.constant 0 : i32
    %c0_i32_0 = arith.constant 0 : i32
    return %arg0, %c0_i32 : i32, i32
  }
  func.func @transform_1(%arg0: i32) -> (i32, i32) {
    %c0_i32 = arith.constant 0 : i32
    %c0_i32_0 = arith.constant 0 : i32
    %c0_i32_1 = arith.constant 0 : i32
    return %c0_i32, %c0_i32_0 : i32, i32
  }
  func.func @transform_2(%arg0: i32) -> (i32, i32) {
    %c0_i32 = arith.constant 0 : i32
    %c0_i32_0 = arith.constant 0 : i32
    return %arg0, %c0_i32 : i32, i32
  }
}

module attributes {stable_mosaic.version = 14 : i64} {
  func.func @_t1b_body(%arg0: i32, %arg1: memref<2x1000x16xf32, #tpu.memory_space<vmem>>, %arg2: memref<1000x128xf32, #tpu.memory_space<vmem>>, %arg3: memref<1000x128xf32, #tpu.memory_space<vmem>>) attributes {dimension_semantics = [#tpu.dimension_semantics<arbitrary>], iteration_bounds = array<i64: 10>, scalar_prefetch = 0 : i64, scratch_operands = 0 : i64, tpu.core_type = #tpu.core_type<tc>, window_params = [{transform_indices = @transform_0, window_bounds = array<i64: 2, 1000, 16>}, {transform_indices = @transform_1, window_bounds = array<i64: 1000, 128>}, {transform_indices = @transform_2, window_bounds = array<i64: 1000, 128>}]} {
    %get3A = arith.constant 0 : index
    %get3A_0 = arith.constant 0 : index
    %get3A_1 = arith.constant 0 : index
    %get3A_2 = vector.load %arg1[%get3A, %get3A_0, %get3A_1] : memref<2x1000x16xf32, #tpu.memory_space<vmem>>, vector<1x1000x1xf32>
    %get3A_3 = vector.shape_cast %get3A_2 : vector<1x1000x1xf32> to vector<1000x1xf32>
    %get3A_4 = arith.constant 1 : index
    %get3A_5 = arith.constant 0 : index
    %get3A_6 = arith.constant 0 : index
    %get3A_7 = vector.load %arg1[%get3A_4, %get3A_5, %get3A_6] : memref<2x1000x16xf32, #tpu.memory_space<vmem>>, vector<1x1000x1xf32>
    %get3A_8 = vector.shape_cast %get3A_7 : vector<1x1000x1xf32> to vector<1000x1xf32>
    %add3A = arith.addf %get3A_3, %get3A_8 : vector<1000x1xf32>
    %add3A_9 = arith.constant 1.000000e+00 : f32
    %add3A_10 = vector.broadcast %add3A_9 : f32 to vector<1000x1xf32>
    %add3A_11 = arith.addf %add3A, %add3A_10 : vector<1000x1xf32>
    %rsqrt3A = math.rsqrt %add3A_11 : vector<1000x1xf32>
    %get3A_12 = arith.constant 0 : index
    %get3A_13 = arith.constant 0 : index
    %get3A_14 = vector.load %arg2[%get3A_12, %get3A_13] : memref<1000x128xf32, #tpu.memory_space<vmem>>, vector<1000x128xf32>
    %mul3A = vector.broadcast %rsqrt3A : vector<1000x1xf32> to vector<1000x128xf32>
    %mul3A_15 = arith.mulf %mul3A, %get3A_14 : vector<1000x128xf32>
    %swap3A = arith.constant 0 : index
    %swap3A_16 = arith.constant 0 : index
    %swap3A_17 = vector.load %arg3[%swap3A, %swap3A_16] : memref<1000x128xf32, #tpu.memory_space<vmem>>, vector<1000x128xf32>
    tpu.vector_store %arg3[%swap3A, %swap3A_16], %mul3A_15 {strides = array<i32>} : memref<1000x128xf32, #tpu.memory_space<vmem>>, vector<1000x128xf32>,
    return
  }
  func.func @transform_0(%arg0: i32) -> (i32, i32, i32) {
    %c0_i32 = arith.constant 0 : i32
    %c0_i32_0 = arith.constant 0 : i32
    %c0_i32_1 = arith.constant 0 : i32
    return %c0_i32, %arg0, %c0_i32_0 : i32, i32, i32
  }
  func.func @transform_1(%arg0: i32) -> (i32, i32) {
    %c0_i32 = arith.constant 0 : i32
    %c0_i32_0 = arith.constant 0 : i32
    return %arg0, %c0_i32 : i32, i32
  }
  func.func @transform_2(%arg0: i32) -> (i32, i32) {
    %c0_i32 = arith.constant 0 : i32
    %c0_i32_0 = arith.constant 0 : i32
    return %arg0, %c0_i32 : i32, i32
  }
}

module attributes {stable_mosaic.version = 14 : i64} {
  func.func @_t2_body(%arg0: i32, %arg1: memref<2x1000x16xf32, #tpu.memory_space<vmem>>, %arg2: memref<2x1000x128xf32, #tpu.memory_space<vmem>>, %arg3: memref<1000x128xf32, #tpu.memory_space<vmem>>, %arg4: memref<128x128xf32, #tpu.memory_space<vmem>>, %arg5: memref<1x128xf32, #tpu.memory_space<vmem>>, %arg6: memref<1000x128xf32, #tpu.memory_space<vmem>>) attributes {dimension_semantics = [#tpu.dimension_semantics<arbitrary>], iteration_bounds = array<i64: 10>, scalar_prefetch = 0 : i64, scratch_operands = 0 : i64, tpu.core_type = #tpu.core_type<tc>, window_params = [{transform_indices = @transform_0, window_bounds = array<i64: 2, 1000, 16>}, {transform_indices = @transform_1, window_bounds = array<i64: 2, 1000, 128>}, {transform_indices = @transform_2, window_bounds = array<i64: 1000, 128>}, {pipeline_mode = #tpu.pipeline_mode<synchronous>, transform_indices = @transform_3, window_bounds = array<i64: 128, 128>}, {pipeline_mode = #tpu.pipeline_mode<synchronous>, transform_indices = @transform_4, window_bounds = array<i64: 1, 128>}, {transform_indices = @transform_5, window_bounds = array<i64: 1000, 128>}]} {
    %get3A = arith.constant 0 : index
    %get3A_0 = arith.constant 0 : index
    %get3A_1 = arith.constant 0 : index
    %get3A_2 = vector.load %arg1[%get3A, %get3A_0, %get3A_1] : memref<2x1000x16xf32, #tpu.memory_space<vmem>>, vector<1x1000x1xf32>
    %get3A_3 = vector.shape_cast %get3A_2 : vector<1x1000x1xf32> to vector<1000x1xf32>
    %get3A_4 = arith.constant 1 : index
    %get3A_5 = arith.constant 0 : index
    %get3A_6 = arith.constant 0 : index
    %get3A_7 = vector.load %arg1[%get3A_4, %get3A_5, %get3A_6] : memref<2x1000x16xf32, #tpu.memory_space<vmem>>, vector<1x1000x1xf32>
    %get3A_8 = vector.shape_cast %get3A_7 : vector<1x1000x1xf32> to vector<1000x1xf32>
    %add3A = arith.addf %get3A_3, %get3A_8 : vector<1000x1xf32>
    %add3A_9 = arith.constant 1.000000e+00 : f32
    %add3A_10 = vector.broadcast %add3A_9 : f32 to vector<1000x1xf32>
    %add3A_11 = arith.addf %add3A, %add3A_10 : vector<1000x1xf32>
    %rsqrt3A = math.rsqrt %add3A_11 : vector<1000x1xf32>
    %get3A_12 = arith.constant 0 : index
    %get3A_13 = arith.constant 0 : index
    %get3A_14 = arith.constant 0 : index
    %get3A_15 = vector.load %arg2[%get3A_12, %get3A_13, %get3A_14] : memref<2x1000x128xf32, #tpu.memory_space<vmem>>, vector<1x1000x128xf32>
    %get3A_16 = vector.shape_cast %get3A_15 : vector<1x1000x128xf32> to vector<1000x128xf32>
    %get3A_17 = arith.constant 1 : index
    %get3A_18 = arith.constant 0 : index
    %get3A_19 = arith.constant 0 : index
    %get3A_20 = vector.load %arg2[%get3A_17, %get3A_18, %get3A_19] : memref<2x1000x128xf32, #tpu.memory_space<vmem>>, vector<1x1000x128xf32>
    %get3A_21 = vector.shape_cast %get3A_20 : vector<1x1000x128xf32> to vector<1000x128xf32>
    %add3A_22 = arith.addf %get3A_16, %get3A_21 : vector<1000x128xf32>
    %get3A_23 = arith.constant 0 : index
    %get3A_24 = arith.constant 0 : index
    %get3A_25 = vector.load %arg3[%get3A_23, %get3A_24] : memref<1000x128xf32, #tpu.memory_space<vmem>>, vector<1000x128xf32>
    %add3A_26 = arith.addf %add3A_22, %get3A_25 : vector<1000x128xf32>
    %mul3A = vector.broadcast %rsqrt3A : vector<1000x1xf32> to vector<1000x128xf32>
    %mul3A_27 = arith.mulf %mul3A, %add3A_26 : vector<1000x128xf32>
    %get3A_28 = arith.constant 0 : index
    %get3A_29 = arith.constant 0 : index
    %get3A_30 = vector.load %arg5[%get3A_28, %get3A_29] : memref<1x128xf32, #tpu.memory_space<vmem>>, vector<1x128xf32>
    %add3A_31 = vector.broadcast %get3A_30 : vector<1x128xf32> to vector<1000x128xf32>
    %add3A_32 = arith.addf %mul3A_27, %add3A_31 : vector<1000x128xf32>
    %max3A = arith.constant 0.000000e+00 : f32
    %max3A_33 = vector.broadcast %max3A : f32 to vector<1000x128xf32>
    %max3A_34 = arith.maximumf %add3A_32, %max3A_33 : vector<1000x128xf32>
    %mul3A_35 = vector.broadcast %rsqrt3A : vector<1000x1xf32> to vector<1000x128xf32>
    %mul3A_36 = arith.mulf %mul3A_35, %max3A_34 : vector<1000x128xf32>
    %get3A_37 = arith.constant 0 : index
    %get3A_38 = arith.constant 0 : index
    %get3A_39 = vector.load %arg4[%get3A_37, %get3A_38] : memref<128x128xf32, #tpu.memory_space<vmem>>, vector<128x128xf32>
    %dot_general3A = arith.constant dense<0.000000e+00> : vector<1000x128xf32>
    %dot_general3A_40 = tpu.matmul %mul3A_36, %get3A_39, %dot_general3A {dimension_numbers = #tpu.dot_dimension_numbers<[1], [0], [0], [1], [0, 0, 1, 1], [], []>, transpose_lhs_hint = false} : vector<1000x128xf32>, vector<128x128xf32>, vector<1000x128xf32> -> vector<1000x128xf32>
    %swap3A = arith.constant 0 : index
    %swap3A_41 = arith.constant 0 : index
    %swap3A_42 = vector.load %arg6[%swap3A, %swap3A_41] : memref<1000x128xf32, #tpu.memory_space<vmem>>, vector<1000x128xf32>
    tpu.vector_store %arg6[%swap3A, %swap3A_41], %dot_general3A_40 {strides = array<i32>} : memref<1000x128xf32, #tpu.memory_space<vmem>>, vector<1000x128xf32>,
    return
  }
  func.func @transform_0(%arg0: i32) -> (i32, i32, i32) {
    %c0_i32 = arith.constant 0 : i32
    %c0_i32_0 = arith.constant 0 : i32
    %c0_i32_1 = arith.constant 0 : i32
    return %c0_i32, %arg0, %c0_i32_0 : i32, i32, i32
  }
  func.func @transform_1(%arg0: i32) -> (i32, i32, i32) {
    %c0_i32 = arith.constant 0 : i32
    %c0_i32_0 = arith.constant 0 : i32
    %c0_i32_1 = arith.constant 0 : i32
    return %c0_i32, %arg0, %c0_i32_0 : i32, i32, i32
  }
  func.func @transform_2(%arg0: i32) -> (i32, i32) {
    %c0_i32 = arith.constant 0 : i32
    %c0_i32_0 = arith.constant 0 : i32
    return %arg0, %c0_i32 : i32, i32
  }
  func.func @transform_3(%arg0: i32) -> (i32, i32) {
    %c0_i32 = arith.constant 0 : i32
    %c0_i32_0 = arith.constant 0 : i32
    %c0_i32_1 = arith.constant 0 : i32
    return %c0_i32, %c0_i32_0 : i32, i32
  }
  func.func @transform_4(%arg0: i32) -> (i32, i32) {
    %c0_i32 = arith.constant 0 : i32
    %c0_i32_0 = arith.constant 0 : i32
    %c0_i32_1 = arith.constant 0 : i32
    return %c0_i32, %c0_i32_0 : i32, i32
  }
  func.func @transform_5(%arg0: i32) -> (i32, i32) {
    %c0_i32 = arith.constant 0 : i32
    %c0_i32_0 = arith.constant 0 : i32
    return %arg0, %c0_i32 : i32, i32
  }
}

module attributes {stable_mosaic.version = 14 : i64} {
  func.func @_t3_body(%arg0: i32, %arg1: memref<2x1000x16xf32, #tpu.memory_space<vmem>>, %arg2: memref<2x1000x128xf32, #tpu.memory_space<vmem>>, %arg3: memref<1000x128xf32, #tpu.memory_space<vmem>>, %arg4: memref<1x1x1000xi32, #tpu.memory_space<vmem>>, %arg5: memref<1x128xf32, #tpu.memory_space<vmem>>, %arg6: memref<128x128xf32, #tpu.memory_space<vmem>>, %arg7: memref<1x128xf32, #tpu.memory_space<vmem>>, %arg8: memref<64x128xf32, #tpu.memory_space<vmem>>, %arg9: memref<64x128xf32, #tpu.memory_space<vmem>>, %arg10: memref<64x128xf32, #tpu.memory_space<vmem>>) attributes {dimension_semantics = [#tpu.dimension_semantics<arbitrary>], iteration_bounds = array<i64: 10>, scalar_prefetch = 0 : i64, scratch_operands = 2 : i64, tpu.core_type = #tpu.core_type<tc>, window_params = [{transform_indices = @transform_0, window_bounds = array<i64: 2, 1000, 16>}, {transform_indices = @transform_1, window_bounds = array<i64: 2, 1000, 128>}, {transform_indices = @transform_2, window_bounds = array<i64: 1000, 128>}, {transform_indices = @transform_3, window_bounds = array<i64: 1, 1, 1000>}, {pipeline_mode = #tpu.pipeline_mode<synchronous>, transform_indices = @transform_4, window_bounds = array<i64: 1, 128>}, {pipeline_mode = #tpu.pipeline_mode<synchronous>, transform_indices = @transform_5, window_bounds = array<i64: 128, 128>}, {pipeline_mode = #tpu.pipeline_mode<synchronous>, transform_indices = @transform_6, window_bounds = array<i64: 1, 128>}, {pipeline_mode = #tpu.pipeline_mode<synchronous>, transform_indices = @transform_7, window_bounds = array<i64: 64, 128>}]} {
    %eq3A = arith.constant 0 : i32
    %eq3A_0 = arith.cmpi eq, %arg0, %eq3A : i32
    %convert_element_type3A = arith.extui %eq3A_0 : i1 to i32
    %cond3A = arith.constant 0 : i32
    %cond3A_1 = arith.cmpi ne, %convert_element_type3A, %cond3A : i32
    scf.if %cond3A_1 {
      %broadcast_in_dim3A_65 = arith.constant 0.000000e+00 : f32
      %broadcast_in_dim3A_66 = vector.broadcast %broadcast_in_dim3A_65 : f32 to vector<64x128xf32>
      %swap3A_67 = arith.constant 0 : index
      %swap3A_68 = arith.constant 0 : index
      %swap3A_69 = vector.load %arg9[%swap3A_67, %swap3A_68] : memref<64x128xf32, #tpu.memory_space<vmem>>, vector<64x128xf32>
      tpu.vector_store %arg9[%swap3A_67, %swap3A_68], %broadcast_in_dim3A_66 {strides = array<i32>} : memref<64x128xf32, #tpu.memory_space<vmem>>, vector<64x128xf32>,
      %broadcast_in_dim3A_70 = arith.constant 0.000000e+00 : f32
      %broadcast_in_dim3A_71 = vector.broadcast %broadcast_in_dim3A_70 : f32 to vector<64x128xf32>
      %swap3A_72 = arith.constant 0 : index
      %swap3A_73 = arith.constant 0 : index
      %swap3A_74 = vector.load %arg10[%swap3A_72, %swap3A_73] : memref<64x128xf32, #tpu.memory_space<vmem>>, vector<64x128xf32>
      tpu.vector_store %arg10[%swap3A_72, %swap3A_73], %broadcast_in_dim3A_71 {strides = array<i32>} : memref<64x128xf32, #tpu.memory_space<vmem>>, vector<64x128xf32>,
    } else {
    }
    %get3A = arith.constant 0 : index
    %get3A_2 = arith.constant 0 : index
    %get3A_3 = arith.constant 0 : index
    %get3A_4 = vector.load %arg1[%get3A, %get3A_2, %get3A_3] : memref<2x1000x16xf32, #tpu.memory_space<vmem>>, vector<1x1000x1xf32>
    %get3A_5 = vector.shape_cast %get3A_4 : vector<1x1000x1xf32> to vector<1000x1xf32>
    %get3A_6 = arith.constant 1 : index
    %get3A_7 = arith.constant 0 : index
    %get3A_8 = arith.constant 0 : index
    %get3A_9 = vector.load %arg1[%get3A_6, %get3A_7, %get3A_8] : memref<2x1000x16xf32, #tpu.memory_space<vmem>>, vector<1x1000x1xf32>
    %get3A_10 = vector.shape_cast %get3A_9 : vector<1x1000x1xf32> to vector<1000x1xf32>
    %add3A = arith.addf %get3A_5, %get3A_10 : vector<1000x1xf32>
    %add3A_11 = arith.constant 1.000000e+00 : f32
    %add3A_12 = vector.broadcast %add3A_11 : f32 to vector<1000x1xf32>
    %add3A_13 = arith.addf %add3A, %add3A_12 : vector<1000x1xf32>
    %rsqrt3A = math.rsqrt %add3A_13 : vector<1000x1xf32>
    %get3A_14 = arith.constant 0 : index
    %get3A_15 = arith.constant 0 : index
    %get3A_16 = arith.constant 0 : index
    %get3A_17 = vector.load %arg2[%get3A_14, %get3A_15, %get3A_16] : memref<2x1000x128xf32, #tpu.memory_space<vmem>>, vector<1x1000x128xf32>
    %get3A_18 = vector.shape_cast %get3A_17 : vector<1x1000x128xf32> to vector<1000x128xf32>
    %get3A_19 = arith.constant 1 : index
    %get3A_20 = arith.constant 0 : index
    %get3A_21 = arith.constant 0 : index
    %get3A_22 = vector.load %arg2[%get3A_19, %get3A_20, %get3A_21] : memref<2x1000x128xf32, #tpu.memory_space<vmem>>, vector<1x1000x128xf32>
    %get3A_23 = vector.shape_cast %get3A_22 : vector<1x1000x128xf32> to vector<1000x128xf32>
    %add3A_24 = arith.addf %get3A_18, %get3A_23 : vector<1000x128xf32>
    %get3A_25 = arith.constant 0 : index
    %get3A_26 = arith.constant 0 : index
    %get3A_27 = vector.load %arg3[%get3A_25, %get3A_26] : memref<1000x128xf32, #tpu.memory_space<vmem>>, vector<1000x128xf32>
    %add3A_28 = arith.addf %add3A_24, %get3A_27 : vector<1000x128xf32>
    %mul3A = vector.broadcast %rsqrt3A : vector<1000x1xf32> to vector<1000x128xf32>
    %mul3A_29 = arith.mulf %mul3A, %add3A_28 : vector<1000x128xf32>
    %get3A_30 = arith.constant 0 : index
    %get3A_31 = arith.constant 0 : index
    %get3A_32 = vector.load %arg5[%get3A_30, %get3A_31] : memref<1x128xf32, #tpu.memory_space<vmem>>, vector<1x128xf32>
    %add3A_33 = vector.broadcast %get3A_32 : vector<1x128xf32> to vector<1000x128xf32>
    %add3A_34 = arith.addf %mul3A_29, %add3A_33 : vector<1000x128xf32>
    %get3A_35 = arith.constant 0 : index
    %get3A_36 = arith.constant 0 : index
    %get3A_37 = arith.constant 0 : index
    %get3A_38 = vector.load %arg4[%get3A_35, %get3A_36, %get3A_37] : memref<1x1x1000xi32, #tpu.memory_space<vmem>>, vector<1x1x1000xi32>
    %get3A_39 = vector.shape_cast %get3A_38 : vector<1x1x1000xi32> to vector<1x1000xi32>
    %iota3A = tpu.iota {dimensions = array<i32: 0>} : vector<64x1000xi32>
    %eq3A_40 = vector.broadcast %get3A_39 : vector<1x1000xi32> to vector<64x1000xi32>
    %eq3A_41 = arith.cmpi eq, %eq3A_40, %iota3A : vector<64x1000xi32>
    %convert_element_type3A_42 = arith.extui %eq3A_41 : vector<64x1000xi1> to vector<64x1000xi32>
    %convert_element_type3A_43 = arith.sitofp %convert_element_type3A_42 : vector<64x1000xi32> to vector<64x1000xf32>
    %get3A_44 = arith.constant 0 : index
    %get3A_45 = arith.constant 0 : index
    %get3A_46 = vector.load %arg9[%get3A_44, %get3A_45] : memref<64x128xf32, #tpu.memory_space<vmem>>, vector<64x128xf32>
    %dot_general3A = arith.constant dense<0.000000e+00> : vector<64x128xf32>
    %dot_general3A_47 = tpu.matmul %convert_element_type3A_43, %add3A_34, %dot_general3A {dimension_numbers = #tpu.dot_dimension_numbers<[1], [0], [0], [1], [0, 0, 1, 1], [], []>, transpose_lhs_hint = false} : vector<64x1000xf32>, vector<1000x128xf32>, vector<64x128xf32> -> vector<64x128xf32>
    %add3A_48 = arith.addf %get3A_46, %dot_general3A_47 : vector<64x128xf32>
    %swap3A = arith.constant 0 : index
    %swap3A_49 = arith.constant 0 : index
    %swap3A_50 = vector.load %arg9[%swap3A, %swap3A_49] : memref<64x128xf32, #tpu.memory_space<vmem>>, vector<64x128xf32>
    tpu.vector_store %arg9[%swap3A, %swap3A_49], %add3A_48 {strides = array<i32>} : memref<64x128xf32, #tpu.memory_space<vmem>>, vector<64x128xf32>,
    %get3A_51 = arith.constant 0 : index
    %get3A_52 = arith.constant 0 : index
    %get3A_53 = vector.load %arg10[%get3A_51, %get3A_52] : memref<64x128xf32, #tpu.memory_space<vmem>>, vector<64x128xf32>
    %reduce_sum3A = arith.constant dense<0.000000e+00> : vector<64xf32>
    %reduce_sum3A_54 = vector.multi_reduction <add>, %convert_element_type3A_43, %reduce_sum3A [1] : vector<64x1000xf32> to vector<64xf32>
    %broadcast_in_dim3A = vector.shape_cast %reduce_sum3A_54 : vector<64xf32> to vector<64x1xf32>
    %add3A_55 = vector.broadcast %broadcast_in_dim3A : vector<64x1xf32> to vector<64x128xf32>
    %add3A_56 = arith.addf %get3A_53, %add3A_55 : vector<64x128xf32>
    %swap3A_57 = arith.constant 0 : index
    %swap3A_58 = arith.constant 0 : index
    %swap3A_59 = vector.load %arg10[%swap3A_57, %swap3A_58] : memref<64x128xf32, #tpu.memory_space<vmem>>, vector<64x128xf32>
    tpu.vector_store %arg10[%swap3A_57, %swap3A_58], %add3A_56 {strides = array<i32>} : memref<64x128xf32, #tpu.memory_space<vmem>>, vector<64x128xf32>,
    %eq3A_60 = arith.constant 9 : i32
    %eq3A_61 = arith.cmpi eq, %arg0, %eq3A_60 : i32
    %convert_element_type3A_62 = arith.extui %eq3A_61 : i1 to i32
    %cond3A_63 = arith.constant 0 : i32
    %cond3A_64 = arith.cmpi ne, %convert_element_type3A_62, %cond3A_63 : i32
    scf.if %cond3A_64 {
      %get3A_65 = arith.constant 0 : index
      %get3A_66 = arith.constant 0 : index
      %get3A_67 = vector.load %arg9[%get3A_65, %get3A_66] : memref<64x128xf32, #tpu.memory_space<vmem>>, vector<64x128xf32>
      %get3A_68 = arith.constant 0 : index
      %get3A_69 = arith.constant 0 : index
      %get3A_70 = vector.load %arg10[%get3A_68, %get3A_69] : memref<64x128xf32, #tpu.memory_space<vmem>>, vector<64x128xf32>
      %max3A = arith.constant 1.000000e+00 : f32
      %max3A_71 = vector.broadcast %max3A : f32 to vector<64x128xf32>
      %max3A_72 = arith.maximumf %get3A_70, %max3A_71 : vector<64x128xf32>
      %div3A = arith.divf %get3A_67, %max3A_72 : vector<64x128xf32>
      %get3A_73 = arith.constant 0 : index
      %get3A_74 = arith.constant 0 : index
      %get3A_75 = vector.load %arg6[%get3A_73, %get3A_74] : memref<128x128xf32, #tpu.memory_space<vmem>>, vector<128x128xf32>
      %dot_general3A_76 = arith.constant dense<0.000000e+00> : vector<64x128xf32>
      %dot_general3A_77 = tpu.matmul %div3A, %get3A_75, %dot_general3A_76 {dimension_numbers = #tpu.dot_dimension_numbers<[1], [0], [0], [1], [0, 0, 1, 1], [], []>, transpose_lhs_hint = false} : vector<64x128xf32>, vector<128x128xf32>, vector<64x128xf32> -> vector<64x128xf32>
      %get3A_78 = arith.constant 0 : index
      %get3A_79 = arith.constant 0 : index
      %get3A_80 = vector.load %arg7[%get3A_78, %get3A_79] : memref<1x128xf32, #tpu.memory_space<vmem>>, vector<1x128xf32>
      %add3A_81 = vector.broadcast %get3A_80 : vector<1x128xf32> to vector<64x128xf32>
      %add3A_82 = arith.addf %dot_general3A_77, %add3A_81 : vector<64x128xf32>
      %swap3A_83 = arith.constant 0 : index
      %swap3A_84 = arith.constant 0 : index
      %swap3A_85 = vector.load %arg8[%swap3A_83, %swap3A_84] : memref<64x128xf32, #tpu.memory_space<vmem>>, vector<64x128xf32>
      tpu.vector_store %arg8[%swap3A_83, %swap3A_84], %add3A_82 {strides = array<i32>} : memref<64x128xf32, #tpu.memory_space<vmem>>, vector<64x128xf32>,
    } else {
    }
    return
  }
  func.func @transform_0(%arg0: i32) -> (i32, i32, i32) {
    %c0_i32 = arith.constant 0 : i32
    %c0_i32_0 = arith.constant 0 : i32
    %c0_i32_1 = arith.constant 0 : i32
    return %c0_i32, %arg0, %c0_i32_0 : i32, i32, i32
  }
  func.func @transform_1(%arg0: i32) -> (i32, i32, i32) {
    %c0_i32 = arith.constant 0 : i32
    %c0_i32_0 = arith.constant 0 : i32
    %c0_i32_1 = arith.constant 0 : i32
    return %c0_i32, %arg0, %c0_i32_0 : i32, i32, i32
  }
  func.func @transform_2(%arg0: i32) -> (i32, i32) {
    %c0_i32 = arith.constant 0 : i32
    %c0_i32_0 = arith.constant 0 : i32
    return %arg0, %c0_i32 : i32, i32
  }
  func.func @transform_3(%arg0: i32) -> (i32, i32, i32) {
    %c0_i32 = arith.constant 0 : i32
    %c0_i32_0 = arith.constant 0 : i32
    %c0_i32_1 = arith.constant 0 : i32
    return %arg0, %c0_i32, %c0_i32_0 : i32, i32, i32
  }
  func.func @transform_4(%arg0: i32) -> (i32, i32) {
    %c0_i32 = arith.constant 0 : i32
    %c0_i32_0 = arith.constant 0 : i32
    %c0_i32_1 = arith.constant 0 : i32
    return %c0_i32, %c0_i32_0 : i32, i32
  }
  func.func @transform_5(%arg0: i32) -> (i32, i32) {
    %c0_i32 = arith.constant 0 : i32
    %c0_i32_0 = arith.constant 0 : i32
    %c0_i32_1 = arith.constant 0 : i32
    return %c0_i32, %c0_i32_0 : i32, i32
  }
  func.func @transform_6(%arg0: i32) -> (i32, i32) {
    %c0_i32 = arith.constant 0 : i32
    %c0_i32_0 = arith.constant 0 : i32
    %c0_i32_1 = arith.constant 0 : i32
    return %c0_i32, %c0_i32_0 : i32, i32
  }
  func.func @transform_7(%arg0: i32) -> (i32, i32) {
    %c0_i32 = arith.constant 0 : i32
    %c0_i32_0 = arith.constant 0 : i32
    %c0_i32_1 = arith.constant 0 : i32
    return %c0_i32, %c0_i32_0 : i32, i32
  }
}

</mosaic_0001>

<sc_bundles>
// kernel: kernel.12.cloned.1.call-start
scs
__scs_entry_jumppad:
0x0: {  	(pc) =	sbr.rel $0x88, $3  }
0x1: {  	(tag) =	ssettag $0x0;
	lr =	simm.s32 $0x1  }
0x2: {  	[smem:$0x3F98] =	sst lr;
	_ =	strace $0xD0000000  }
0x3: {  	_ = 	snop  }
0x4: {  	_ = 	snop  }
0x5: {  	_ = 	snop  }
0x6: {  	_ = 	snop  }
0x7: {  	_ = 	snop  }
__scs_overlays_trampoline_lowered:
0x8: {  	[smem:$0x3FA7] =	sst s0  }
0x9: {  	[smem:$0x3FA8] =	sst s1  }
0xa: {  	[smem:$0x3FA9] =	sst s2  }
0xb: {  	[smem:$0x3FAA] =	sst s3  }
0xc: {  	[smem:$0x3FAB] =	sst s4  }
0xd: {  	[smem:$0x3FAC] =	sst s5  }
0xe: {  	[smem:$0x3FAD] =	sst s6  }
0xf: {  	[smem:$0x3FAE] =	sst s7  }
0x10: {  	[smem:$0x3FAF] =	sst s8  }
0x11: {  	[smem:$0x3FB0] =	sst s9;
	s0 =	simm.s32 @!p0 $0x0  }
0x12: {  	s1 =	sld [smem:$0x3F96];
	s0 =	simm.s32 @p0 $0x1  }
0x13: {  	[smem:$0x3FB1] =	sst s0;
	s0 =	simm.s32 @!p1 $0x0  }
0x14: {  	s2 =	sld [smem:$0x3F95];
	s0 =	simm.s32 @p1 $0x1  }
0x15: {  	[smem:$0x3FB2] =	sst s0;
	s0 =	simm.s32 @!p2 $0x0  }
0x16: {  	s3 =	sld [smem:$0x3FDB];
	s0 =	simm.s32 @p2 $0x1  }
0x17: {  	s4 =	simm.s32 $0x1BF5;
	[smem:$0x3FB4] =	sst s0  }
0x18: {  	s0 =	sld [smem:$0x3F97];
	_ =	swait.ge [sflag:s4], $0x0  }
0x19: {  	s7 =	sld [smem:$0x3F98]  }
0x1a: {  	s8 =	sadd.s32 $0xFFFFE003, lr  }
0x1b: {  	s9 =	sadd.s32 $0xFFFFFEF7, lr;
	s5 =	simm.s32 $0xFFFFFFFF;
	p2 =	slt.u32 s8, $0xFFFFF086  }
0x1c: {  	p1 =	slt.u32 s9, $0xF7A;
	s5 =	simm.s32 @!p2 $0x0  }
0x1d: {  	s5 =	simm.s32 @p1 $0x1;
	p0 =	seq.s32 s7, s2  }
0x1e: {  	s7 =	smul.u32 @!p0 $0xF7A, s2;
	p2 =	seq.s32 @!p0 s5, $0x0  }
0x1f: {  	s9 =	smul.u32 $0xF7A, s1;
	s8 =	simm.s32 @!p0 $0x1BF5;
	p2 =	por !p2, p0  }
0x20: {  	[sflag:s8] =	ssyncset.s32 @!p0 $0xFFFFF086;
	s6 =	sadd.s32 @!p0 s3, s7;
	s7 =	simm.s32 @!p0 $0x108  }
0x21: {  	s3 =	sadd.s32 s3, s9;
	s6 =	sadd.s32 @!p0 $0x88, s6;
	s7 =	simm.s32 @p2 $0x1082  }
0x22: {  	[simem:s7], [sflag:s8] =	dma.local @!p0 [hbm:s6], $0xF7A  }
0x23: {  	s9 =	sor.u32 $0xD0000000, s2;
	s6 =	simm.s32 $0x108;
	_ =	swait.ge @!p0 [sflag:s8], $0x0  }
0x24: {  	s3 =	sadd.s32 $0x88, s3;
	s6 =	simm.s32 @!p1 $0x1082;
	[sflag:s4] =	ssyncset.s32 $0xFFFFF086  }
0x25: {  	[simem:s6], [sflag:s4] =	dma.local [hbm:s3], $0xF7A  }
0x26: {  	[smem:$0x3F98] =	sst s1;
	(tag) =	ssettag s2;
	_ =	strace s9  }
0x27: {  	s1 =	sld [smem:$0x3FA8]  }
0x28: {  	s2 =	sld [smem:$0x3FA9]  }
0x29: {  	s4 =	sld [smem:$0x3FAB]  }
0x2a: {  	p0 =	seq.s32 s5, $0x0;
	s5 =	sld [smem:$0x3FAC]  }
0x2b: {  	s6 =	sld [smem:$0x3FAD]  }
0x2c: {  	s7 =	sld [smem:$0x3FAE]  }
0x2d: {  	s3 =	simm.s32 $0x108;
	s8 =	sld [smem:$0x3FAF]  }
0x2e: {  	s3 =	simm.s32 @!p0 $0x1082;
	s9 =	sld [smem:$0x3FB0]  }
0x2f: {  	lr =	sadd.s32 s0, s3;
	s0 =	sld [smem:$0x3FA7]  }
0x30: {  	s3 =	sld [smem:$0x3FAA]  }
0x31: {  	[smem:$0x3FB3] =	sst s10  }
0x32: {  	s10 =	sld [smem:$0x3FB1];
	_ =	sdelay $0x3  }
0x33: {  	p0 =	seq.s32 s10, $0x1;
	s10 =	sld [smem:$0x3FB3];
	_ =	sdelay $0x3  }
0x34: {  	[smem:$0x3FB3] =	sst s10  }
0x35: {  	s10 =	sld [smem:$0x3FB2];
	_ =	sdelay $0x3  }
0x36: {  	p1 =	seq.s32 s10, $0x1;
	s10 =	sld [smem:$0x3FB3];
	_ =	sdelay $0x3  }
0x37: {  	[smem:$0x3FB3] =	sst s10  }
0x38: {  	s10 =	sld [smem:$0x3FB4]  }
0x39: {  	_ = 	snop;
	(pc) =	sbr.ind lr, $3  }
0x3a: {  	_ = 	snop  }
0x3b: {  	_ = 	snop  }
0x3c: {  	p2 =	seq.s32 s10, $0x1;
	s10 =	sld [smem:$0x3FB3]  }
0x3d: {  	_ =	shalt  }
0x3e: {  	_ =	shalt  }
0x3f: {  	_ =	shalt  }
0x40: {  	_ =	shalt  }
0x41: {  	_ =	shalt  }
0x42: {  	_ =	shalt  }
0x43: {  	_ =	shalt  }
0x44: {  	_ =	shalt  }
0x45: {  	_ =	shalt  }
0x46: {  	_ =	shalt  }
0x47: {  	_ =	shalt  }
0x48: {  	_ =	shalt  }
0x49: {  	_ =	shalt  }
0x4a: {  	_ =	shalt  }
0x4b: {  	_ =	shalt  }
0x4c: {  	_ =	shalt  }
0x4d: {  	_ =	shalt  }
0x4e: {  	_ =	shalt  }
0x4f: {  	_ =	shalt  }
0x50: {  	_ =	shalt  }
0x51: {  	_ =	shalt  }
0x52: {  	_ =	shalt  }
0x53: {  	_ =	shalt  }
0x54: {  	_ =	shalt  }
0x55: {  	_ =	shalt  }
0x56: {  	_ =	shalt  }
0x57: {  	_ =	shalt  }
0x58: {  	_ =	shalt  }
0x59: {  	_ =	shalt  }
0x5a: {  	_ =	shalt  }
0x5b: {  	_ =	shalt  }
0x5c: {  	_ =	shalt  }
0x5d: {  	_ =	shalt  }
0x5e: {  	_ =	shalt  }
0x5f: {  	_ =	shalt  }
0x60: {  	_ =	shalt  }
0x61: {  	_ =	shalt  }
0x62: {  	_ =	shalt  }
0x63: {  	_ =	shalt  }
0x64: {  	_ =	shalt  }
0x65: {  	_ =	shalt  }
0x66: {  	_ =	shalt  }
0x67: {  	_ =	shalt  }
0x68: {  	_ =	shalt  }
0x69: {  	_ =	shalt  }
0x6a: {  	_ =	shalt  }
0x6b: {  	_ =	shalt  }
0x6c: {  	_ =	shalt  }
0x6d: {  	_ =	shalt  }
0x6e: {  	_ =	shalt  }
0x6f: {  	_ =	shalt  }
0x70: {  	_ =	shalt  }
0x71: {  	_ =	shalt  }
0x72: {  	_ =	shalt  }
0x73: {  	_ =	shalt  }
0x74: {  	_ =	shalt  }
0x75: {  	_ =	shalt  }
0x76: {  	_ =	shalt  }
0x77: {  	_ =	shalt  }
0x78: {  	_ =	shalt  }
0x79: {  	_ =	shalt  }
0x7a: {  	_ =	shalt  }
0x7b: {  	_ =	shalt  }
0x7c: {  	_ =	shalt  }
0x7d: {  	_ =	shalt  }
0x7e: {  	_ =	shalt  }
0x7f: {  	_ =	shalt  }
0x80: {  	_ =	shalt  }
0x81: {  	_ =	shalt  }
0x82: {  	_ =	shalt  }
0x83: {  	_ =	shalt  }
0x84: {  	_ =	shalt  }
0x85: {  	_ =	shalt  }
0x86: {  	_ =	shalt  }
0x87: {  	_ =	shalt  }
.Lfunc_end0:
.L_simem_size_0:
called_computation.1_lowered:
.L_overlay_start_0:
0x88: {  	s2 =	sld [smem:$0x3FD9]  }
0x89: {  	s3 =	sld [smem:$0x3FFE];
	_ =	sdelay $0x1  }
0x8a: {  	s1 =	srdreg.scid  }
0x8b: {  	s0 =	sand.u32 $0x1, s1  }
0x8c: {  	s16 =	sshll.u32 s0, $0xA;
	s2 =	sadd.s32 s3, s2  }
0x8d: {  	s2 =	sadd.s32 s2, s16  }
0x8e: {  	[smem:$0x3FBF] =	sst s2  }
0x8f: {  	_ = 	snop  }
0x90: {  	(tm) =	ssettm $0x1  }
0x91: {  	s17 =	sld [smem:$0x3FFB];
	_ =	sdelay $0x3  }
0x92: {  	_ =	strace s17  }
0x93: {  	s2 =	sld [smem:$0x3FFC];
	_ =	sdelay $0x3  }
0x94: {  	_ =	strace s2  }
0x95: {  	s2 =	sld [smem:$0x3FFD];
	_ =	sdelay $0x3  }
0x96: {  	_ =	strace s2  }
0x97: {  	_ =	strace $0x8FFFFFFF  }
0x98: {  	s18 =	sld [smem:$0x3FDB];
	_ =	sdelay $0x1  }
0x99: {  	s19 =	simm.s32 $_scs_section_size  }
0x9a: {  	s4 =	simm.s32 $_size__tile_overlayer_lowered;
	s5 =	simm.s32 $_tile_overlayer_lowered  }
0x9b: {  	s22 =	simm.s32 $0x1BFF;
	s21 =	sshll.u32 s5, $0x1;
	s2 =	sadd.s32 s19, s18  }
0x9c: {  	s6 =	simm.s32 $0x0;
	s20 =	sshll.u32 s4, $0x1;
	s4 =	sadd.s32 s21, s2  }
0x9d: {  	[timem:s6], [sflag:s22] =	dma.local [hbm:s4], s20  }
0x9e: {  	_ =	swait.ge [sflag:s22], s20  }
0x9f: {  	s3 =	ssub.s32 $0x0, s20;
	[sflag:s22] =	ssyncset.done $0x0  }
0xa0: {  	[sflag:s22] =	ssyncadd.s32 s3;
	_ =	sdelay $0x1  }
0xa1: {  	s23 =	simm.s32 $0x1B8B  }
0xa2: {  	_ =	swait.ge [sflag:s23], $0x1  }
0xa3: {  	[sflag:s23] =	ssyncset.done $0x0  }
0xa4: {  	s25 =	simm.s32 $0x1B8E;
	s24 =	sld [smem:$0x3FFE];
	[sflag:s23] =	ssyncadd.s32 $0xFFFFFFFF  }
0xa5: {  	s26 =	simm.s32 $execute0_lowered;
	[smem:$0x3FD2] =	sst s25  }
0xa6: {  	s4 =	sshll.u32 s26, $0x1;
	_ =	strace $0x80000049;
	[dreg:$0x1] =	wrdreg $0xFFFFFFFF  }
0xa7: {  	s28 =	simm.s32 $_size_execute0_lowered;
	s2 =	sadd.s32 s2, s4;
	[dreg:$0x0] =	wrdreg $0x0  }
0xa8: {  	s4 =	sshll.u32 s28, $0x1;
	[dreg:$0x2] =	wrdreg s2  }
0xa9: {  	[dreg:$0x3] =	wrdreg s4  }
0xaa: {  	[dreg:$0x4] =	wrdreg $0xC0  }
0xab: {  	_ =	task [dreg:s6], $0x5FFFF  }
0xac: {  	[dreg:$0x1] =	wrdreg $0xFFFFFFFF  }
0xad: {  	[dreg:$0x0] =	wrdreg $0x60  }
0xae: {  	[dreg:$0x2] =	wrdreg s24  }
0xaf: {  	[dreg:$0x3] =	wrdreg $0xA8000  }
0xb0: {  	[dreg:$0x4] =	wrdreg $0x9  }
0xb1: {  	_ =	task.clear_ibuf [dreg:s6], $0x5FFFF;
	_ =	strace $0x90000049  }
0xb2: {  	s29 =	simm.s32 $0x9;
	_ =	strace $0x8000004B  }
0xb3: {  	_ =	swait.ge [sflag:s29], $0x1  }
0xb4: {  	[sflag:s29] =	ssyncadd.s32 $0xFFFFFFFF  }
0xb5: {  	_ =	strace $0x9000004B  }
0xb6: {  	_ =	sfence  }
0xb7: {  	s30 =	sld [smem:$0x0];
	_ =	sdelay $0x2  }
0xb8: {  	s31 =	sshll.u32 s1, $0xD;
	s1 =	sshrl.u32 s1, $0x2  }
0xb9: {  	s3 =	sand.u32 $0x4000, s31;
	s1 =	sadd.s32 s1, s30  }
0xba: {  	s0 =	sor.u32 s3, s0;
	s1 =	sshll.u32 s1, $0x11  }
0xbb: {  	s0 =	sor.u32 s1, s0  }
0xbc: {  	s0 =	sadd.s32 $0x8F2B, s0  }
0xbd: {  	[sflag:s0] =	ssyncadd.remote.s32 $0x1  }
0xbe: {  	_ =	sfence.sel $0xFFFF  }
0xbf: {  	[dreg:$0x0] =	wrdreg $0xFFFFFFFF;
	(pc) =	sbr.abs _section_cstart, $3  }
0xc0: {  	[dreg:$0x1] =	wrdreg $0xFFFFFFFF  }
0xc1: {  	_ =	task.clear_ibuf [dreg:s6], $0x2FFFF;
	_ =	strace $0x9FFFFFFF  }
0xc2: {  	(tm) =	ssettm $0x7FFFFFFF  }
0xc3: {  	_ =	shalt  }
tec
execute0_lowered:
.L_overlay_start_1:
0x0: {  	(tag) =	ssettag $0x1  }
0x1: {  	s5 =	rddreg [dreg:$0x0]  }
0x2: {  	s2 =	rddreg [dreg:$0x1]  }
0x3: {  	s0 =	rddreg [dreg:$0x2]  }
0x4: {  	s3 =	simm.s32 $0x0;
	s1 =	stileid.u32;
	s4 =	srdreg.scid  }
0x5: {  	s15 =	simm.s32 $0x1400;
	s16 =	simm.s32 $0x80;
	s17 =	simm.s32 $0x2800  }
0x6: {  	s18 =	simm.s32 $0x6800;
	s19 =	simm.s32 $0x1;
	s20 =	simm.s32 $0x2  }
0x7: {  	s21 =	simm.s32 $0x0;
	[smem:$0x7FF] =	sst s3;
	s6 =	smul.u32 $0x13C00, s1  }
0x8: {  	s7 =	sand.u32 $0x1, s4;
	s4 =	sadd.s32 $0x16000, s5;
	s9 =	sadd.s32 $0xC000, s5  }
0x9: {  	s10 =	sadd.s32 $0x2000, s5;
	s25 =	sshll.u32 s1, $0x1;
	s13 =	smul.u32 $0x4F000, s1  }
0xa: {  	s29 =	sshll.u32 s1, $0x6;
	_ =	strace $0x8000004A;
	s8 =	smul.u32 $0x13C000, s7  }
0xb: {  	s12 =	ssub.s32 $0x2, s7;
	s7 =	sor.u32 s7, s25;
	s11 =	sshrl.u32 s6, $0x3  }
0xc: {  	s26 =	sshrl.u32 s12, $0x1;
	s7 =	smul.u32 $0x2800, s7;
	s28 =	sshrl.u32 s13, $0x2  }
0xd: {  	s11 =	sadd.s32 s11, s5;
	s6 =	sadd.s32 s6, s8;
	s12 =	ssub.s32 s12, s26  }
0xe: {  	s13 =	sadd.s32 s28, s2;
	s6 =	sshrl.u32 s6, $0x3;
	s30 =	sshrl.u32 s7, $0x3  }
0xf: {  	s12 =	smax.u32 s12, $0x1;
	s13 =	sshrl.u32 s13, $0x3;
	s14 =	sadd.s32 s6, s5  }
0x10: {  	s5 =	sadd.s32 $0x3D200, s11;
	s6 =	sor.u32 $0x1C03, s29;
	s31 =	sadd.s32 $0x280, s30  }
0x11: {  	s7 =	sadd.s32 s9, s30;
	s8 =	sadd.s32 s10, s30;
	s9 =	sadd.s32 s9, s31  }
0x12: {  	s10 =	sadd.s32 s10, s31;
	s11 =	sadd.s32 $0x64A00, s14;
	s14 =	simm.s32 $0x3  }
.LBB2_1:
0x13: {  	[spmem:s13], [sflag:s6] =	dma.local [hbm:s5], $0x2780  }
0x14: {  	_ =	swait.ge [sflag:s14], $0x2780  }
0x15: {  	[sflag:s14] =	ssyncset.done $0x0  }
0x16: {  	[sflag:s14] =	ssyncadd.s32 $0xFFFFD880  }
0x17: {  	[bflag:$0x0] =	sbarrier.arrive $0xFFFF  }
0x18: {  	[tilespmem:s3], [sflag:$0x3] =	stream.linear.gather [hbm4b:s7+s3], $0x1400, $0x38;
	[tilespmem:$0x1E400] =	vst v63  }
0x19: {  	_ =	swait.ge [sflag:s14], $0x1400  }
0x1a: {  	[sflag:s14] =	ssyncset.done $0x0  }
0x1b: {  	[sflag:s14] =	ssyncadd.s32 $0xFFFFEC00  }
0x1c: {  	[tilespmem:s15], [sflag:$0x3] =	stream.linear.gather [hbm4b:s8+s3], $0x1400, $0x38;
	[tilespmem:$0x1E400] =	vst v63  }
0x1d: {  	_ =	swait.ge [sflag:s14], $0x1400  }
0x1e: {  	[sflag:s14] =	ssyncset.done $0x0  }
0x1f: {  	s22 =	simm.s32 $0x0;
	[sflag:s14] =	ssyncadd.s32 $0xFFFFEC00  }
0x20: {  	[tilespmem:s17], [sflag:$0x3] =	stream.indirect.gather [hbm4b:s4+s16], $0x80, s22, s16, $0xb8;
	[tilespmem:$0x1E400] =	vst v63  }
0x21: {  	_ =	swait.ge [sflag:s14], $0x4000  }
0x22: {  	[sflag:s14] =	ssyncset.done $0x0  }
0x23: {  	s24 =	simm.s32 $0x1400;
	[sflag:s14] =	ssyncadd.s32 $0xFFFFC000  }
0x24: {  	[spmem:s2] =	stream.indirect.scatter.add.f32 [tilespmem:s17], [sflag:$0x1], $0x80, s24, s16, $0xb8;
	[tilespmem:$0x1E400] =	vst v63  }
0x25: {  	s25 =	simm.s32 $0x80  }
0x26: {  	[tilespmem:s18], [sflag:$0x3] =	stream.indirect.gather [hbm4b:s4+s16], $0x80, s25, s16, $0xb8;
	[tilespmem:$0x1E400] =	vst v63  }
0x27: {  	_ =	swait.ge [sflag:s14], $0x4000  }
0x28: {  	[sflag:s14] =	ssyncset.done $0x0  }
0x29: {  	s26 =	simm.s32 $0x1480;
	[sflag:s14] =	ssyncadd.s32 $0xFFFFC000  }
0x2a: {  	[spmem:s2] =	stream.indirect.scatter.add.f32 [tilespmem:s18], [sflag:$0x2], $0x80, s26, s16, $0xb8;
	[tilespmem:$0x1E400] =	vst v63  }
0x2b: {  	_ =	swait.ge [sflag:s19], $0x4000  }
0x2c: {  	[sflag:s19] =	ssyncset.done $0x0  }
0x2d: {  	s28 =	simm.s32 $0x100;
	[sflag:s19] =	ssyncadd.s32 $0xFFFFC000  }
0x2e: {  	[tilespmem:s17], [sflag:$0x3] =	stream.indirect.gather [hbm4b:s4+s16], $0x80, s28, s16, $0xb8;
	[tilespmem:$0x1E400] =	vst v63  }
0x2f: {  	_ =	swait.ge [sflag:s14], $0x4000  }
0x30: {  	[sflag:s14] =	ssyncset.done $0x0  }
0x31: {  	s29 =	simm.s32 $0x1500;
	[sflag:s14] =	ssyncadd.s32 $0xFFFFC000  }
0x32: {  	[spmem:s2] =	stream.indirect.scatter.add.f32 [tilespmem:s17], [sflag:$0x1], $0x80, s29, s16, $0xb8;
	[tilespmem:$0x1E400] =	vst v63  }
0x33: {  	_ =	swait.ge [sflag:s20], $0x4000  }
0x34: {  	[sflag:s20] =	ssyncset.done $0x0  }
0x35: {  	s30 =	simm.s32 $0x180;
	[sflag:s20] =	ssyncadd.s32 $0xFFFFC000  }
0x36: {  	[tilespmem:s18], [sflag:$0x3] =	stream.indirect.gather [hbm4b:s4+s16], $0x80, s30, s16, $0xb8;
	[tilespmem:$0x1E400] =	vst v63  }
0x37: {  	_ =	swait.ge [sflag:s14], $0x4000  }
0x38: {  	[sflag:s14] =	ssyncset.done $0x0  }
0x39: {  	s31 =	simm.s32 $0x1580;
	[sflag:s14] =	ssyncadd.s32 $0xFFFFC000  }
0x3a: {  	[spmem:s2] =	stream.indirect.scatter.add.f32 [tilespmem:s18], [sflag:$0x2], $0x80, s31, s16, $0xb8;
	[tilespmem:$0x1E400] =	vst v63  }
0x3b: {  	_ =	swait.ge [sflag:s19], $0x4000  }
0x3c: {  	[sflag:s19] =	ssyncset.done $0x0  }
0x3d: {  	[sflag:s19] =	ssyncadd.s32 $0xFFFFC000  }
0x3e: {  	_ =	swait.ge [sflag:s20], $0x4000  }
0x3f: {  	s22 =	simm.s32 $0x800;
	s24 =	simm.s32 $0x1000;
	[sflag:s20] =	ssyncset.done $0x0  }
.LBB2_2:
0x40: {  	s25 =	sshra.s32 s22, $0x2  }
0x41: {  	[sflag:s20] =	ssyncadd.s32 $0xFFFFC000;
	s22 =	smov.u32 s24;
	s23 =	sadd.s32 $0x800, s24  }
0x42: {  	[tilespmem:s17], [sflag:$0x3] =	stream.indirect.gather [hbm4b:s4+s16], $0x80, s25, s16, $0xb8;
	[tilespmem:$0x1E400] =	vst v63  }
0x43: {  	p0 =	sne.s32 s24, $0x4800;
	_ =	swait.ge [sflag:s14], $0x4000  }
0x44: {  	[sflag:s14] =	ssyncset.done $0x0  }
0x45: {  	s24 =	sadd.s32 $0x1400, s25;
	[sflag:s14] =	ssyncadd.s32 $0xFFFFC000  }
0x46: {  	[spmem:s2] =	stream.indirect.scatter.add.f32 [tilespmem:s17], [sflag:$0x1], $0x80, s24, s16, $0xb8;
	[tilespmem:$0x1E400] =	vst v63  }
0x47: {  	s24 =	sadd.s32 $0x80, s25  }
0x48: {  	[tilespmem:s18], [sflag:$0x3] =	stream.indirect.gather [hbm4b:s4+s16], $0x80, s24, s16, $0xb8;
	[tilespmem:$0x1E400] =	vst v63  }
0x49: {  	_ =	swait.ge [sflag:s14], $0x4000  }
0x4a: {  	[sflag:s14] =	ssyncset.done $0x0  }
0x4b: {  	s24 =	sadd.s32 $0x1480, s25;
	[sflag:s14] =	ssyncadd.s32 $0xFFFFC000  }
0x4c: {  	[spmem:s2] =	stream.indirect.scatter.add.f32 [tilespmem:s18], [sflag:$0x2], $0x80, s24, s16, $0xb8;
	[tilespmem:$0x1E400] =	vst v63  }
0x4d: {  	_ =	swait.ge [sflag:s19], $0x4000  }
0x4e: {  	[sflag:s19] =	ssyncset.done $0x0  }
0x4f: {  	s24 =	sadd.s32 $0x100, s25;
	[sflag:s19] =	ssyncadd.s32 $0xFFFFC000  }
0x50: {  	[tilespmem:s17], [sflag:$0x3] =	stream.indirect.gather [hbm4b:s4+s16], $0x80, s24, s16, $0xb8;
	[tilespmem:$0x1E400] =	vst v63  }
0x51: {  	_ =	swait.ge [sflag:s14], $0x4000  }
0x52: {  	[sflag:s14] =	ssyncset.done $0x0  }
0x53: {  	s24 =	sadd.s32 $0x1500, s25;
	[sflag:s14] =	ssyncadd.s32 $0xFFFFC000  }
0x54: {  	[spmem:s2] =	stream.indirect.scatter.add.f32 [tilespmem:s17], [sflag:$0x1], $0x80, s24, s16, $0xb8;
	[tilespmem:$0x1E400] =	vst v63  }
0x55: {  	_ =	swait.ge [sflag:s20], $0x4000  }
0x56: {  	[sflag:s20] =	ssyncset.done $0x0  }
0x57: {  	s24 =	sadd.s32 $0x180, s25;
	[sflag:s20] =	ssyncadd.s32 $0xFFFFC000  }
0x58: {  	[tilespmem:s18], [sflag:$0x3] =	stream.indirect.gather [hbm4b:s4+s16], $0x80, s24, s16, $0xb8;
	[tilespmem:$0x1E400] =	vst v63  }
0x59: {  	_ =	swait.ge [sflag:s14], $0x4000  }
0x5a: {  	[sflag:s14] =	ssyncset.done $0x0  }
0x5b: {  	s24 =	sadd.s32 $0x1580, s25;
	[sflag:s14] =	ssyncadd.s32 $0xFFFFC000  }
0x5c: {  	[spmem:s2] =	stream.indirect.scatter.add.f32 [tilespmem:s18], [sflag:$0x2], $0x80, s24, s16, $0xb8;
	[tilespmem:$0x1E400] =	vst v63  }
.Ltmp0:
0x5d: {  	_ =	swait.ge [sflag:s19], $0x4000;
	(pc) =	sbr.rel @p0 .LBB2_2-.Ltmp0, $4  }
0x5e: {  	[sflag:s19] =	ssyncset.done $0x0  }
0x5f: {  	[sflag:s19] =	ssyncadd.s32 $0xFFFFC000  }
0x60: {  	_ =	swait.ge [sflag:s20], $0x4000  }
0x61: {  	s24 =	smov.u32 s23;
	[sflag:s20] =	ssyncset.done $0x0  }
0x62: {  	s22 =	sshra.s32 s22, $0x2;
	[sflag:s20] =	ssyncadd.s32 $0xFFFFC000  }
0x63: {  	[tilespmem:s17], [sflag:$0x3] =	stream.indirect.gather [hbm4b:s4+s16], $0x80, s22, s16, $0xb8;
	[tilespmem:$0x1E400] =	vst v63  }
0x64: {  	_ =	swait.ge [sflag:s14], $0x4000  }
0x65: {  	[sflag:s14] =	ssyncset.done $0x0  }
0x66: {  	s23 =	sadd.s32 $0x1400, s22;
	[sflag:s14] =	ssyncadd.s32 $0xFFFFC000  }
0x67: {  	[spmem:s2] =	stream.indirect.scatter.add.f32 [tilespmem:s17], [sflag:$0x1], $0x80, s23, s16, $0xb8;
	[tilespmem:$0x1E400] =	vst v63  }
0x68: {  	s25 =	sadd.s32 $0x80, s22  }
0x69: {  	[tilespmem:s18], [sflag:$0x3] =	stream.indirect.gather [hbm4b:s4+s16], $0x80, s25, s16, $0xb8;
	[tilespmem:$0x1E400] =	vst v63  }
0x6a: {  	_ =	swait.ge [sflag:s14], $0x4000  }
0x6b: {  	[sflag:s14] =	ssyncset.done $0x0  }
0x6c: {  	s26 =	sadd.s32 $0x1480, s22;
	[sflag:s14] =	ssyncadd.s32 $0xFFFFC000  }
0x6d: {  	[spmem:s2] =	stream.indirect.scatter.add.f32 [tilespmem:s18], [sflag:$0x2], $0x80, s26, s16, $0xb8;
	[tilespmem:$0x1E400] =	vst v63  }
0x6e: {  	_ =	swait.ge [sflag:s19], $0x4000  }
0x6f: {  	[sflag:s19] =	ssyncset.done $0x0  }
0x70: {  	s28 =	sadd.s32 $0x100, s22;
	[sflag:s19] =	ssyncadd.s32 $0xFFFFC000  }
0x71: {  	[tilespmem:s17], [sflag:$0x3] =	stream.indirect.gather [hbm4b:s4+s16], $0x80, s28, s16, $0xb8;
	[tilespmem:$0x1E400] =	vst v63  }
0x72: {  	_ =	swait.ge [sflag:s14], $0x4000  }
0x73: {  	[sflag:s14] =	ssyncset.done $0x0  }
0x74: {  	s29 =	sadd.s32 $0x1500, s22;
	[sflag:s14] =	ssyncadd.s32 $0xFFFFC000  }
0x75: {  	[spmem:s2] =	stream.indirect.scatter.add.f32 [tilespmem:s17], [sflag:$0x1], $0x80, s29, s16, $0xb8;
	[tilespmem:$0x1E400] =	vst v63  }
0x76: {  	_ =	swait.ge [sflag:s20], $0x4000  }
0x77: {  	[sflag:s20] =	ssyncset.done $0x0  }
0x78: {  	s30 =	sadd.s32 $0x180, s22;
	[sflag:s20] =	ssyncadd.s32 $0xFFFFC000  }
0x79: {  	[tilespmem:s18], [sflag:$0x3] =	stream.indirect.gather [hbm4b:s4+s16], $0x80, s30, s16, $0xb8;
	[tilespmem:$0x1E400] =	vst v63  }
0x7a: {  	_ =	swait.ge [sflag:s14], $0x4000  }
0x7b: {  	[sflag:s14] =	ssyncset.done $0x0  }
0x7c: {  	s22 =	sadd.s32 $0x1580, s22;
	[sflag:s14] =	ssyncadd.s32 $0xFFFFC000  }
0x7d: {  	[spmem:s2] =	stream.indirect.scatter.add.f32 [tilespmem:s18], [sflag:$0x2], $0x80, s22, s16, $0xb8;
	[tilespmem:$0x1E400] =	vst v63  }
0x7e: {  	_ =	swait.ge [sflag:s19], $0x4000  }
0x7f: {  	[sflag:s19] =	ssyncset.done $0x0  }
0x80: {  	[sflag:s19] =	ssyncadd.s32 $0xFFFFC000  }
0x81: {  	_ =	swait.ge [sflag:s20], $0x4000  }
0x82: {  	[sflag:s20] =	ssyncset.done $0x0  }
0x83: {  	s31 =	simm.s32 $0x0;
	[sflag:s20] =	ssyncadd.s32 $0xFFFFC000  }
0x84: {  	[tilespmem:s31], [sflag:$0x3] =	stream.linear.gather [hbm4b:s9+s31], $0x1400, $0x38;
	[tilespmem:$0x1E400] =	vst v63  }
0x85: {  	_ =	swait.ge [sflag:s14], $0x1400  }
0x86: {  	[sflag:s14] =	ssyncset.done $0x0  }
0x87: {  	[sflag:s14] =	ssyncadd.s32 $0xFFFFEC00  }
0x88: {  	[tilespmem:s15], [sflag:$0x3] =	stream.linear.gather [hbm4b:s10+s31], $0x1400, $0x38;
	[tilespmem:$0x1E400] =	vst v63  }
0x89: {  	_ =	swait.ge [sflag:s14], $0x1400  }
0x8a: {  	[sflag:s14] =	ssyncset.done $0x0  }
0x8b: {  	s23 =	simm.s32 $0x0;
	[sflag:s14] =	ssyncadd.s32 $0xFFFFEC00  }
0x8c: {  	[tilespmem:s17], [sflag:$0x3] =	stream.indirect.gather [hbm4b:s4+s16], $0x80, s23, s16, $0xb8;
	[tilespmem:$0x1E400] =	vst v63  }
0x8d: {  	_ =	swait.ge [sflag:s14], $0x4000  }
0x8e: {  	[sflag:s14] =	ssyncset.done $0x0  }
0x8f: {  	s24 =	simm.s32 $0x1400;
	[sflag:s14] =	ssyncadd.s32 $0xFFFFC000  }
0x90: {  	[spmem:s2] =	stream.indirect.scatter.add.f32 [tilespmem:s17], [sflag:$0x1], $0x80, s24, s16, $0xb8;
	[tilespmem:$0x1E400] =	vst v63  }
0x91: {  	s25 =	simm.s32 $0x80  }
0x92: {  	[tilespmem:s18], [sflag:$0x3] =	stream.indirect.gather [hbm4b:s4+s16], $0x80, s25, s16, $0xb8;
	[tilespmem:$0x1E400] =	vst v63  }
0x93: {  	_ =	swait.ge [sflag:s14], $0x4000  }
0x94: {  	[sflag:s14] =	ssyncset.done $0x0  }
0x95: {  	s26 =	simm.s32 $0x1480;
	[sflag:s14] =	ssyncadd.s32 $0xFFFFC000  }
0x96: {  	[spmem:s2] =	stream.indirect.scatter.add.f32 [tilespmem:s18], [sflag:$0x2], $0x80, s26, s16, $0xb8;
	[tilespmem:$0x1E400] =	vst v63  }
0x97: {  	_ =	swait.ge [sflag:s19], $0x4000  }
0x98: {  	[sflag:s19] =	ssyncset.done $0x0  }
0x99: {  	s28 =	simm.s32 $0x100;
	[sflag:s19] =	ssyncadd.s32 $0xFFFFC000  }
0x9a: {  	[tilespmem:s17], [sflag:$0x3] =	stream.indirect.gather [hbm4b:s4+s16], $0x80, s28, s16, $0xb8;
	[tilespmem:$0x1E400] =	vst v63  }
0x9b: {  	_ =	swait.ge [sflag:s14], $0x4000  }
0x9c: {  	[sflag:s14] =	ssyncset.done $0x0  }
0x9d: {  	s29 =	simm.s32 $0x1500;
	[sflag:s14] =	ssyncadd.s32 $0xFFFFC000  }
0x9e: {  	[spmem:s2] =	stream.indirect.scatter.add.f32 [tilespmem:s17], [sflag:$0x1], $0x80, s29, s16, $0xb8;
	[tilespmem:$0x1E400] =	vst v63  }
0x9f: {  	_ =	swait.ge [sflag:s20], $0x4000  }
0xa0: {  	[sflag:s20] =	ssyncset.done $0x0  }
0xa1: {  	s30 =	simm.s32 $0x180;
	[sflag:s20] =	ssyncadd.s32 $0xFFFFC000  }
0xa2: {  	[tilespmem:s18], [sflag:$0x3] =	stream.indirect.gather [hbm4b:s4+s16], $0x80, s30, s16, $0xb8;
	[tilespmem:$0x1E400] =	vst v63  }
0xa3: {  	_ =	swait.ge [sflag:s14], $0x4000  }
0xa4: {  	[sflag:s14] =	ssyncset.done $0x0  }
0xa5: {  	s31 =	simm.s32 $0x1580;
	[sflag:s14] =	ssyncadd.s32 $0xFFFFC000  }
0xa6: {  	[spmem:s2] =	stream.indirect.scatter.add.f32 [tilespmem:s18], [sflag:$0x2], $0x80, s31, s16, $0xb8;
	[tilespmem:$0x1E400] =	vst v63  }
0xa7: {  	_ =	swait.ge [sflag:s19], $0x4000  }
0xa8: {  	[sflag:s19] =	ssyncset.done $0x0  }
0xa9: {  	[sflag:s19] =	ssyncadd.s32 $0xFFFFC000  }
0xaa: {  	_ =	swait.ge [sflag:s20], $0x4000  }
0xab: {  	s22 =	simm.s32 $0x800;
	s24 =	simm.s32 $0x1000;
	[sflag:s20] =	ssyncset.done $0x0  }
.LBB2_4:
0xac: {  	s25 =	sshra.s32 s22, $0x2  }
0xad: {  	[sflag:s20] =	ssyncadd.s32 $0xFFFFC000;
	s22 =	smov.u32 s24;
	s23 =	sadd.s32 $0x800, s24  }
0xae: {  	[tilespmem:s17], [sflag:$0x3] =	stream.indirect.gather [hbm4b:s4+s16], $0x80, s25, s16, $0xb8;
	[tilespmem:$0x1E400] =	vst v63  }
0xaf: {  	p0 =	sne.s32 s24, $0x4800;
	_ =	swait.ge [sflag:s14], $0x4000  }
0xb0: {  	[sflag:s14] =	ssyncset.done $0x0  }
0xb1: {  	s24 =	sadd.s32 $0x1400, s25;
	[sflag:s14] =	ssyncadd.s32 $0xFFFFC000  }
0xb2: {  	[spmem:s2] =	stream.indirect.scatter.add.f32 [tilespmem:s17], [sflag:$0x1], $0x80, s24, s16, $0xb8;
	[tilespmem:$0x1E400] =	vst v63  }
0xb3: {  	s24 =	sadd.s32 $0x80, s25  }
0xb4: {  	[tilespmem:s18], [sflag:$0x3] =	stream.indirect.gather [hbm4b:s4+s16], $0x80, s24, s16, $0xb8;
	[tilespmem:$0x1E400] =	vst v63  }
0xb5: {  	_ =	swait.ge [sflag:s14], $0x4000  }
0xb6: {  	[sflag:s14] =	ssyncset.done $0x0  }
0xb7: {  	s24 =	sadd.s32 $0x1480, s25;
	[sflag:s14] =	ssyncadd.s32 $0xFFFFC000  }
0xb8: {  	[spmem:s2] =	stream.indirect.scatter.add.f32 [tilespmem:s18], [sflag:$0x2], $0x80, s24, s16, $0xb8;
	[tilespmem:$0x1E400] =	vst v63  }
0xb9: {  	_ =	swait.ge [sflag:s19], $0x4000  }
0xba: {  	[sflag:s19] =	ssyncset.done $0x0  }
0xbb: {  	s24 =	sadd.s32 $0x100, s25;
	[sflag:s19] =	ssyncadd.s32 $0xFFFFC000  }
0xbc: {  	[tilespmem:s17], [sflag:$0x3] =	stream.indirect.gather [hbm4b:s4+s16], $0x80, s24, s16, $0xb8;
	[tilespmem:$0x1E400] =	vst v63  }
0xbd: {  	_ =	swait.ge [sflag:s14], $0x4000  }
0xbe: {  	[sflag:s14] =	ssyncset.done $0x0  }
0xbf: {  	s24 =	sadd.s32 $0x1500, s25;
	[sflag:s14] =	ssyncadd.s32 $0xFFFFC000  }
0xc0: {  	[spmem:s2] =	stream.indirect.scatter.add.f32 [tilespmem:s17], [sflag:$0x1], $0x80, s24, s16, $0xb8;
	[tilespmem:$0x1E400] =	vst v63  }
0xc1: {  	_ =	swait.ge [sflag:s20], $0x4000  }
0xc2: {  	[sflag:s20] =	ssyncset.done $0x0  }
0xc3: {  	s24 =	sadd.s32 $0x180, s25;
	[sflag:s20] =	ssyncadd.s32 $0xFFFFC000  }
0xc4: {  	[tilespmem:s18], [sflag:$0x3] =	stream.indirect.gather [hbm4b:s4+s16], $0x80, s24, s16, $0xb8;
	[tilespmem:$0x1E400] =	vst v63  }
0xc5: {  	_ =	swait.ge [sflag:s14], $0x4000  }
0xc6: {  	[sflag:s14] =	ssyncset.done $0x0  }
0xc7: {  	s24 =	sadd.s32 $0x1580, s25;
	[sflag:s14] =	ssyncadd.s32 $0xFFFFC000  }
0xc8: {  	[spmem:s2] =	stream.indirect.scatter.add.f32 [tilespmem:s18], [sflag:$0x2], $0x80, s24, s16, $0xb8;
	[tilespmem:$0x1E400] =	vst v63  }
.Ltmp1:
0xc9: {  	_ =	swait.ge [sflag:s19], $0x4000;
	(pc) =	sbr.rel @p0 .LBB2_4-.Ltmp1, $4  }
0xca: {  	[sflag:s19] =	ssyncset.done $0x0  }
0xcb: {  	[sflag:s19] =	ssyncadd.s32 $0xFFFFC000  }
0xcc: {  	_ =	swait.ge [sflag:s20], $0x4000  }
0xcd: {  	s24 =	smov.u32 s23;
	[sflag:s20] =	ssyncset.done $0x0  }
0xce: {  	s22 =	sshra.s32 s22, $0x2;
	[sflag:s20] =	ssyncadd.s32 $0xFFFFC000  }
0xcf: {  	[tilespmem:s17], [sflag:$0x3] =	stream.indirect.gather [hbm4b:s4+s16], $0x80, s22, s16, $0xb8;
	[tilespmem:$0x1E400] =	vst v63  }
0xd0: {  	_ =	swait.ge [sflag:s14], $0x4000  }
0xd1: {  	[sflag:s14] =	ssyncset.done $0x0  }
0xd2: {  	s23 =	sadd.s32 $0x1400, s22;
	[sflag:s14] =	ssyncadd.s32 $0xFFFFC000  }
0xd3: {  	[spmem:s2] =	stream.indirect.scatter.add.f32 [tilespmem:s17], [sflag:$0x1], $0x80, s23, s16, $0xb8;
	[tilespmem:$0x1E400] =	vst v63  }
0xd4: {  	s26 =	sadd.s32 $0x80, s22  }
0xd5: {  	[tilespmem:s18], [sflag:$0x3] =	stream.indirect.gather [hbm4b:s4+s16], $0x80, s26, s16, $0xb8;
	[tilespmem:$0x1E400] =	vst v63  }
0xd6: {  	_ =	swait.ge [sflag:s14], $0x4000  }
0xd7: {  	[sflag:s14] =	ssyncset.done $0x0  }
0xd8: {  	s28 =	sadd.s32 $0x1480, s22;
	[sflag:s14] =	ssyncadd.s32 $0xFFFFC000  }
0xd9: {  	[spmem:s2] =	stream.indirect.scatter.add.f32 [tilespmem:s18], [sflag:$0x2], $0x80, s28, s16, $0xb8;
	[tilespmem:$0x1E400] =	vst v63  }
0xda: {  	_ =	swait.ge [sflag:s19], $0x4000  }
0xdb: {  	[sflag:s19] =	ssyncset.done $0x0  }
0xdc: {  	s29 =	sadd.s32 $0x100, s22;
	[sflag:s19] =	ssyncadd.s32 $0xFFFFC000  }
0xdd: {  	[tilespmem:s17], [sflag:$0x3] =	stream.indirect.gather [hbm4b:s4+s16], $0x80, s29, s16, $0xb8;
	[tilespmem:$0x1E400] =	vst v63  }
0xde: {  	_ =	swait.ge [sflag:s14], $0x4000  }
0xdf: {  	[sflag:s14] =	ssyncset.done $0x0  }
0xe0: {  	s30 =	sadd.s32 $0x1500, s22;
	[sflag:s14] =	ssyncadd.s32 $0xFFFFC000  }
0xe1: {  	[spmem:s2] =	stream.indirect.scatter.add.f32 [tilespmem:s17], [sflag:$0x1], $0x80, s30, s16, $0xb8;
	[tilespmem:$0x1E400] =	vst v63  }
0xe2: {  	_ =	swait.ge [sflag:s20], $0x4000  }
0xe3: {  	[sflag:s20] =	ssyncset.done $0x0  }
0xe4: {  	s31 =	sadd.s32 $0x180, s22;
	[sflag:s20] =	ssyncadd.s32 $0xFFFFC000  }
0xe5: {  	[tilespmem:s18], [sflag:$0x3] =	stream.indirect.gather [hbm4b:s4+s16], $0x80, s31, s16, $0xb8;
	[tilespmem:$0x1E400] =	vst v63  }
0xe6: {  	_ =	swait.ge [sflag:s14], $0x4000  }
0xe7: {  	[sflag:s14] =	ssyncset.done $0x0  }
0xe8: {  	s22 =	sadd.s32 $0x1580, s22;
	[sflag:s14] =	ssyncadd.s32 $0xFFFFC000  }
0xe9: {  	[spmem:s2] =	stream.indirect.scatter.add.f32 [tilespmem:s18], [sflag:$0x2], $0x80, s22, s16, $0xb8;
	[tilespmem:$0x1E400] =	vst v63  }
0xea: {  	_ =	swait.ge [sflag:s19], $0x4000  }
0xeb: {  	[sflag:s19] =	ssyncset.done $0x0  }
0xec: {  	[sflag:s19] =	ssyncadd.s32 $0xFFFFC000  }
0xed: {  	_ =	swait.ge [sflag:s20], $0x4000  }
0xee: {  	s21 =	sadd.s32 $0x1, s21;
	[sflag:s20] =	ssyncset.done $0x0  }
0xef: {  	p0 =	sne.s32 s21, s12;
	[sflag:s20] =	ssyncadd.s32 $0xFFFFC000  }
.Ltmp2:
0xf0: {  	[bflag:$0x0] =	sbarrier.arrive $0xFFFF;
	(pc) =	sbr.rel @p0 .LBB2_1-.Ltmp2, $4  }
0xf1: {  	[hbm:s11], [sflag:s6] =	dma.local [spmem:s13], $0x2780  }
0xf2: {  	_ =	swait.ge [sflag:s14], $0x2780  }
0xf3: {  	[sflag:s14] =	ssyncset.done $0x0  }
0xf4: {  	[sflag:s14] =	ssyncadd.s32 $0xFFFFD880  }
0xf5: {  	_ =	sfence.sel $0x180000  }
0xf6: {  	[bflag:$0x0] =	sbarrier.arrive $0xFFFF  }
0xf7: {  	p0 =	sne.s32 s1, $0x0;
	_ =	strace $0x9000004A  }
0xf8: {  	s0 =	sadd.s32 @!p0 $0x100000, s0;
	[bflag:$0x2] =	sbarrier.arrive $0xFFFF  }
0xf9: {  	[sflag:s0] =	ssyncadd.tile.s32 @!p0 $0x1;
	_ =	shalt  }
.Lfunc_end2:
_tile_overlayer_lowered:
.L_overlay_start_2:
0xfa: {  	(tag) =	ssettag $0x2  }
0xfb: {  	s0 =	rddreg [dreg:$0x0];
	s2 =	stileid.u32  }
0xfc: {  	s1 =	rddreg [dreg:$0x1];
	p0 =	sne.s32 s2, $0x0  }
0xfd: {  	s3 =	rddreg [dreg:$0x2];
	[bflag:$0x3] =	sbarrier.arrive $0xFFFF;
	s2 =	simm.s32 @!p0 $0x1C03  }
0xfe: {  	[timem:s3], [sflag:s2] =	dma.local @!p0 [hbm:s0], s1  }
0xff: {  	s0 =	simm.s32 @!p0 $0x3  }
0x100: {  	_ =	swait.ge @!p0 [sflag:s0], s1  }
0x101: {  	s1 =	ssub.s32 @!p0 $0x0, s1;
	[sflag:s0] =	ssyncset.done @!p0 $0x0  }
0x102: {  	[sflag:s0] =	ssyncadd.s32 @!p0 s1  }
0x103: {  	[bflag:$0x3] =	sbarrier.arrive $0xFFFF  }
0x104: {  	_ =	shalt  }

// kernel: kernel.15.cloned.1.call-start
scs
__scs_entry_jumppad:
0x0: {  	(pc) =	sbr.rel $0x88, $3  }
0x1: {  	(tag) =	ssettag $0x0;
	lr =	simm.s32 $0x1  }
0x2: {  	[smem:$0x3F98] =	sst lr;
	_ =	strace $0xD0000000  }
0x3: {  	_ = 	snop  }
0x4: {  	_ = 	snop  }
0x5: {  	_ = 	snop  }
0x6: {  	_ = 	snop  }
0x7: {  	_ = 	snop  }
__scs_overlays_trampoline_lowered:
0x8: {  	[smem:$0x3FA7] =	sst s0  }
0x9: {  	[smem:$0x3FA8] =	sst s1  }
0xa: {  	[smem:$0x3FA9] =	sst s2  }
0xb: {  	[smem:$0x3FAA] =	sst s3  }
0xc: {  	[smem:$0x3FAB] =	sst s4  }
0xd: {  	[smem:$0x3FAC] =	sst s5  }
0xe: {  	[smem:$0x3FAD] =	sst s6  }
0xf: {  	[smem:$0x3FAE] =	sst s7  }
0x10: {  	[smem:$0x3FAF] =	sst s8  }
0x11: {  	[smem:$0x3FB0] =	sst s9;
	s0 =	simm.s32 @!p0 $0x0  }
0x12: {  	s1 =	sld [smem:$0x3F96];
	s0 =	simm.s32 @p0 $0x1  }
0x13: {  	[smem:$0x3FB1] =	sst s0;
	s0 =	simm.s32 @!p1 $0x0  }
0x14: {  	s2 =	sld [smem:$0x3F95];
	s0 =	simm.s32 @p1 $0x1  }
0x15: {  	[smem:$0x3FB2] =	sst s0;
	s0 =	simm.s32 @!p2 $0x0  }
0x16: {  	s3 =	sld [smem:$0x3FDB];
	s0 =	simm.s32 @p2 $0x1  }
0x17: {  	s4 =	simm.s32 $0x1BF5;
	[smem:$0x3FB4] =	sst s0  }
0x18: {  	s0 =	sld [smem:$0x3F97];
	_ =	swait.ge [sflag:s4], $0x0  }
0x19: {  	s7 =	sld [smem:$0x3F98]  }
0x1a: {  	s8 =	sadd.s32 $0xFFFFE003, lr  }
0x1b: {  	s9 =	sadd.s32 $0xFFFFFEF7, lr;
	s5 =	simm.s32 $0xFFFFFFFF;
	p2 =	slt.u32 s8, $0xFFFFF086  }
0x1c: {  	p1 =	slt.u32 s9, $0xF7A;
	s5 =	simm.s32 @!p2 $0x0  }
0x1d: {  	s5 =	simm.s32 @p1 $0x1;
	p0 =	seq.s32 s7, s2  }
0x1e: {  	s7 =	smul.u32 @!p0 $0xF7A, s2;
	p2 =	seq.s32 @!p0 s5, $0x0  }
0x1f: {  	s9 =	smul.u32 $0xF7A, s1;
	s8 =	simm.s32 @!p0 $0x1BF5;
	p2 =	por !p2, p0  }
0x20: {  	[sflag:s8] =	ssyncset.s32 @!p0 $0xFFFFF086;
	s6 =	sadd.s32 @!p0 s3, s7;
	s7 =	simm.s32 @!p0 $0x108  }
0x21: {  	s3 =	sadd.s32 s3, s9;
	s6 =	sadd.s32 @!p0 $0x88, s6;
	s7 =	simm.s32 @p2 $0x1082  }
0x22: {  	[simem:s7], [sflag:s8] =	dma.local @!p0 [hbm:s6], $0xF7A  }
0x23: {  	s9 =	sor.u32 $0xD0000000, s2;
	s6 =	simm.s32 $0x108;
	_ =	swait.ge @!p0 [sflag:s8], $0x0  }
0x24: {  	s3 =	sadd.s32 $0x88, s3;
	s6 =	simm.s32 @!p1 $0x1082;
	[sflag:s4] =	ssyncset.s32 $0xFFFFF086  }
0x25: {  	[simem:s6], [sflag:s4] =	dma.local [hbm:s3], $0xF7A  }
0x26: {  	[smem:$0x3F98] =	sst s1;
	(tag) =	ssettag s2;
	_ =	strace s9  }
0x27: {  	s1 =	sld [smem:$0x3FA8]  }
0x28: {  	s2 =	sld [smem:$0x3FA9]  }
0x29: {  	s4 =	sld [smem:$0x3FAB]  }
0x2a: {  	p0 =	seq.s32 s5, $0x0;
	s5 =	sld [smem:$0x3FAC]  }
0x2b: {  	s6 =	sld [smem:$0x3FAD]  }
0x2c: {  	s7 =	sld [smem:$0x3FAE]  }
0x2d: {  	s3 =	simm.s32 $0x108;
	s8 =	sld [smem:$0x3FAF]  }
0x2e: {  	s3 =	simm.s32 @!p0 $0x1082;
	s9 =	sld [smem:$0x3FB0]  }
0x2f: {  	lr =	sadd.s32 s0, s3;
	s0 =	sld [smem:$0x3FA7]  }
0x30: {  	s3 =	sld [smem:$0x3FAA]  }
0x31: {  	[smem:$0x3FB3] =	sst s10  }
0x32: {  	s10 =	sld [smem:$0x3FB1];
	_ =	sdelay $0x3  }
0x33: {  	p0 =	seq.s32 s10, $0x1;
	s10 =	sld [smem:$0x3FB3];
	_ =	sdelay $0x3  }
0x34: {  	[smem:$0x3FB3] =	sst s10  }
0x35: {  	s10 =	sld [smem:$0x3FB2];
	_ =	sdelay $0x3  }
0x36: {  	p1 =	seq.s32 s10, $0x1;
	s10 =	sld [smem:$0x3FB3];
	_ =	sdelay $0x3  }
0x37: {  	[smem:$0x3FB3] =	sst s10  }
0x38: {  	s10 =	sld [smem:$0x3FB4]  }
0x39: {  	_ = 	snop;
	(pc) =	sbr.ind lr, $3  }
0x3a: {  	_ = 	snop  }
0x3b: {  	_ = 	snop  }
0x3c: {  	p2 =	seq.s32 s10, $0x1;
	s10 =	sld [smem:$0x3FB3]  }
0x3d: {  	_ =	shalt  }
0x3e: {  	_ =	shalt  }
0x3f: {  	_ =	shalt  }
0x40: {  	_ =	shalt  }
0x41: {  	_ =	shalt  }
0x42: {  	_ =	shalt  }
0x43: {  	_ =	shalt  }
0x44: {  	_ =	shalt  }
0x45: {  	_ =	shalt  }
0x46: {  	_ =	shalt  }
0x47: {  	_ =	shalt  }
0x48: {  	_ =	shalt  }
0x49: {  	_ =	shalt  }
0x4a: {  	_ =	shalt  }
0x4b: {  	_ =	shalt  }
0x4c: {  	_ =	shalt  }
0x4d: {  	_ =	shalt  }
0x4e: {  	_ =	shalt  }
0x4f: {  	_ =	shalt  }
0x50: {  	_ =	shalt  }
0x51: {  	_ =	shalt  }
0x52: {  	_ =	shalt  }
0x53: {  	_ =	shalt  }
0x54: {  	_ =	shalt  }
0x55: {  	_ =	shalt  }
0x56: {  	_ =	shalt  }
0x57: {  	_ =	shalt  }
0x58: {  	_ =	shalt  }
0x59: {  	_ =	shalt  }
0x5a: {  	_ =	shalt  }
0x5b: {  	_ =	shalt  }
0x5c: {  	_ =	shalt  }
0x5d: {  	_ =	shalt  }
0x5e: {  	_ =	shalt  }
0x5f: {  	_ =	shalt  }
0x60: {  	_ =	shalt  }
0x61: {  	_ =	shalt  }
0x62: {  	_ =	shalt  }
0x63: {  	_ =	shalt  }
0x64: {  	_ =	shalt  }
0x65: {  	_ =	shalt  }
0x66: {  	_ =	shalt  }
0x67: {  	_ =	shalt  }
0x68: {  	_ =	shalt  }
0x69: {  	_ =	shalt  }
0x6a: {  	_ =	shalt  }
0x6b: {  	_ =	shalt  }
0x6c: {  	_ =	shalt  }
0x6d: {  	_ =	shalt  }
0x6e: {  	_ =	shalt  }
0x6f: {  	_ =	shalt  }
0x70: {  	_ =	shalt  }
0x71: {  	_ =	shalt  }
0x72: {  	_ =	shalt  }
0x73: {  	_ =	shalt  }
0x74: {  	_ =	shalt  }
0x75: {  	_ =	shalt  }
0x76: {  	_ =	shalt  }
0x77: {  	_ =	shalt  }
0x78: {  	_ =	shalt  }
0x79: {  	_ =	shalt  }
0x7a: {  	_ =	shalt  }
0x7b: {  	_ =	shalt  }
0x7c: {  	_ =	shalt  }
0x7d: {  	_ =	shalt  }
0x7e: {  	_ =	shalt  }
0x7f: {  	_ =	shalt  }
0x80: {  	_ =	shalt  }
0x81: {  	_ =	shalt  }
0x82: {  	_ =	shalt  }
0x83: {  	_ =	shalt  }
0x84: {  	_ =	shalt  }
0x85: {  	_ =	shalt  }
0x86: {  	_ =	shalt  }
0x87: {  	_ =	shalt  }
.Lfunc_end0:
.L_simem_size_0:
called_computation.2_lowered:
.L_overlay_start_0:
0x88: {  	s2 =	sld [smem:$0x3FD9]  }
0x89: {  	s3 =	sld [smem:$0x3FFE];
	_ =	sdelay $0x1  }
0x8a: {  	s1 =	srdreg.scid  }
0x8b: {  	s0 =	sand.u32 $0x1, s1  }
0x8c: {  	s16 =	sshll.u32 s0, $0xA;
	s2 =	sadd.s32 s3, s2  }
0x8d: {  	s2 =	sadd.s32 s2, s16  }
0x8e: {  	[smem:$0x3FBF] =	sst s2  }
0x8f: {  	_ = 	snop  }
0x90: {  	(tm) =	ssettm $0x1  }
0x91: {  	s17 =	sld [smem:$0x3FFB];
	_ =	sdelay $0x3  }
0x92: {  	_ =	strace s17  }
0x93: {  	s2 =	sld [smem:$0x3FFC];
	_ =	sdelay $0x3  }
0x94: {  	_ =	strace s2  }
0x95: {  	s2 =	sld [smem:$0x3FFD];
	_ =	sdelay $0x3  }
0x96: {  	_ =	strace s2  }
0x97: {  	_ =	strace $0x8FFFFFFF  }
0x98: {  	s18 =	sld [smem:$0x3FDB];
	_ =	sdelay $0x1  }
0x99: {  	s19 =	simm.s32 $_scs_section_size  }
0x9a: {  	s4 =	simm.s32 $_size__tile_overlayer_lowered;
	s5 =	simm.s32 $_tile_overlayer_lowered  }
0x9b: {  	s22 =	simm.s32 $0x1BFF;
	s21 =	sshll.u32 s5, $0x1;
	s2 =	sadd.s32 s19, s18  }
0x9c: {  	s6 =	simm.s32 $0x0;
	s20 =	sshll.u32 s4, $0x1;
	s4 =	sadd.s32 s21, s2  }
0x9d: {  	[timem:s6], [sflag:s22] =	dma.local [hbm:s4], s20  }
0x9e: {  	_ =	swait.ge [sflag:s22], s20  }
0x9f: {  	s3 =	ssub.s32 $0x0, s20;
	[sflag:s22] =	ssyncset.done $0x0  }
0xa0: {  	[sflag:s22] =	ssyncadd.s32 s3;
	_ =	sdelay $0x1  }
0xa1: {  	s23 =	simm.s32 $0x1B8B  }
0xa2: {  	_ =	swait.ge [sflag:s23], $0x1  }
0xa3: {  	[sflag:s23] =	ssyncset.done $0x0  }
0xa4: {  	s25 =	simm.s32 $0x1B8E;
	s24 =	sld [smem:$0x3FFE];
	[sflag:s23] =	ssyncadd.s32 $0xFFFFFFFF  }
0xa5: {  	s26 =	simm.s32 $execute0_lowered;
	[smem:$0x3FD2] =	sst s25  }
0xa6: {  	s4 =	sshll.u32 s26, $0x1;
	_ =	strace $0x8000004C;
	[dreg:$0x1] =	wrdreg $0xFFFFFFFF  }
0xa7: {  	s28 =	simm.s32 $_size_execute0_lowered;
	s2 =	sadd.s32 s2, s4;
	[dreg:$0x0] =	wrdreg $0x0  }
0xa8: {  	s4 =	sshll.u32 s28, $0x1;
	[dreg:$0x2] =	wrdreg s2  }
0xa9: {  	[dreg:$0x3] =	wrdreg s4  }
0xaa: {  	[dreg:$0x4] =	wrdreg $0xC0  }
0xab: {  	_ =	task [dreg:s6], $0x5FFFF  }
0xac: {  	[dreg:$0x1] =	wrdreg $0xFFFFFFFF  }
0xad: {  	[dreg:$0x0] =	wrdreg $0x60  }
0xae: {  	[dreg:$0x2] =	wrdreg s24  }
0xaf: {  	[dreg:$0x3] =	wrdreg $0xA8000  }
0xb0: {  	[dreg:$0x4] =	wrdreg $0x9  }
0xb1: {  	_ =	task.clear_ibuf [dreg:s6], $0x5FFFF;
	_ =	strace $0x9000004C  }
0xb2: {  	s29 =	simm.s32 $0x9;
	_ =	strace $0x8000004E  }
0xb3: {  	_ =	swait.ge [sflag:s29], $0x1  }
0xb4: {  	[sflag:s29] =	ssyncadd.s32 $0xFFFFFFFF  }
0xb5: {  	_ =	strace $0x9000004E  }
0xb6: {  	_ =	sfence  }
0xb7: {  	s30 =	sld [smem:$0x0];
	_ =	sdelay $0x2  }
0xb8: {  	s31 =	sshll.u32 s1, $0xD;
	s1 =	sshrl.u32 s1, $0x2  }
0xb9: {  	s3 =	sand.u32 $0x4000, s31;
	s1 =	sadd.s32 s1, s30  }
0xba: {  	s0 =	sor.u32 s3, s0;
	s1 =	sshll.u32 s1, $0x11  }
0xbb: {  	s0 =	sor.u32 s1, s0  }
0xbc: {  	s0 =	sadd.s32 $0x8F2B, s0  }
0xbd: {  	[sflag:s0] =	ssyncadd.remote.s32 $0x1  }
0xbe: {  	_ =	sfence.sel $0xFFFF  }
0xbf: {  	[dreg:$0x0] =	wrdreg $0xFFFFFFFF;
	(pc) =	sbr.abs _section_cstart, $3  }
0xc0: {  	[dreg:$0x1] =	wrdreg $0xFFFFFFFF  }
0xc1: {  	_ =	task.clear_ibuf [dreg:s6], $0x2FFFF;
	_ =	strace $0x9FFFFFFF  }
0xc2: {  	(tm) =	ssettm $0x7FFFFFFF  }
0xc3: {  	_ =	shalt  }
tec
execute0_lowered:
.L_overlay_start_1:
0x0: {  	(tag) =	ssettag $0x1  }
0x1: {  	s5 =	rddreg [dreg:$0x0]  }
0x2: {  	s2 =	rddreg [dreg:$0x1]  }
0x3: {  	s0 =	rddreg [dreg:$0x2]  }
0x4: {  	s3 =	simm.s32 $0x0;
	s1 =	stileid.u32;
	s4 =	srdreg.scid  }
0x5: {  	s15 =	simm.s32 $0x1400;
	s16 =	simm.s32 $0x80;
	s17 =	simm.s32 $0x2800  }
0x6: {  	s18 =	simm.s32 $0x6800;
	s19 =	simm.s32 $0x1;
	s20 =	simm.s32 $0x2  }
0x7: {  	s21 =	simm.s32 $0x0;
	[smem:$0x7FF] =	sst s3;
	s6 =	smul.u32 $0x13C00, s1  }
0x8: {  	s7 =	sand.u32 $0x1, s4;
	s4 =	sadd.s32 $0x16000, s5;
	s9 =	sadd.s32 $0xC000, s5  }
0x9: {  	s10 =	sadd.s32 $0x2000, s5;
	s25 =	sshll.u32 s1, $0x1;
	s13 =	smul.u32 $0x4F000, s1  }
0xa: {  	s29 =	sshll.u32 s1, $0x6;
	_ =	strace $0x8000004D;
	s8 =	smul.u32 $0x13C000, s7  }
0xb: {  	s12 =	ssub.s32 $0x2, s7;
	s7 =	sor.u32 s7, s25;
	s11 =	sshrl.u32 s6, $0x3  }
0xc: {  	s26 =	sshrl.u32 s12, $0x1;
	s7 =	smul.u32 $0x2800, s7;
	s28 =	sshrl.u32 s13, $0x2  }
0xd: {  	s11 =	sadd.s32 s11, s5;
	s6 =	sadd.s32 s6, s8;
	s12 =	ssub.s32 s12, s26  }
0xe: {  	s13 =	sadd.s32 s28, s2;
	s6 =	sshrl.u32 s6, $0x3;
	s30 =	sshrl.u32 s7, $0x3  }
0xf: {  	s12 =	smax.u32 s12, $0x1;
	s13 =	sshrl.u32 s13, $0x3;
	s14 =	sadd.s32 s6, s5  }
0x10: {  	s5 =	sadd.s32 $0x3D200, s11;
	s6 =	sor.u32 $0x1C03, s29;
	s31 =	sadd.s32 $0x280, s30  }
0x11: {  	s7 =	sadd.s32 s9, s30;
	s8 =	sadd.s32 s10, s30;
	s9 =	sadd.s32 s9, s31  }
0x12: {  	s10 =	sadd.s32 s10, s31;
	s11 =	sadd.s32 $0x64A00, s14;
	s14 =	simm.s32 $0x3  }
.LBB2_1:
0x13: {  	[spmem:s13], [sflag:s6] =	dma.local [hbm:s5], $0x2780  }
0x14: {  	_ =	swait.ge [sflag:s14], $0x2780  }
0x15: {  	[sflag:s14] =	ssyncset.done $0x0  }
0x16: {  	[sflag:s14] =	ssyncadd.s32 $0xFFFFD880  }
0x17: {  	[bflag:$0x0] =	sbarrier.arrive $0xFFFF  }
0x18: {  	[tilespmem:s3], [sflag:$0x3] =	stream.linear.gather [hbm4b:s7+s3], $0x1400, $0x38;
	[tilespmem:$0x1E400] =	vst v63  }
0x19: {  	_ =	swait.ge [sflag:s14], $0x1400  }
0x1a: {  	[sflag:s14] =	ssyncset.done $0x0  }
0x1b: {  	[sflag:s14] =	ssyncadd.s32 $0xFFFFEC00  }
0x1c: {  	[tilespmem:s15], [sflag:$0x3] =	stream.linear.gather [hbm4b:s8+s3], $0x1400, $0x38;
	[tilespmem:$0x1E400] =	vst v63  }
0x1d: {  	_ =	swait.ge [sflag:s14], $0x1400  }
0x1e: {  	[sflag:s14] =	ssyncset.done $0x0  }
0x1f: {  	s22 =	simm.s32 $0x0;
	[sflag:s14] =	ssyncadd.s32 $0xFFFFEC00  }
0x20: {  	[tilespmem:s17], [sflag:$0x3] =	stream.indirect.gather [hbm4b:s4+s16], $0x80, s22, s16, $0xb8;
	[tilespmem:$0x1E400] =	vst v63  }
0x21: {  	_ =	swait.ge [sflag:s14], $0x4000  }
0x22: {  	[sflag:s14] =	ssyncset.done $0x0  }
0x23: {  	s24 =	simm.s32 $0x1400;
	[sflag:s14] =	ssyncadd.s32 $0xFFFFC000  }
0x24: {  	[spmem:s2] =	stream.indirect.scatter.add.f32 [tilespmem:s17], [sflag:$0x1], $0x80, s24, s16, $0xb8;
	[tilespmem:$0x1E400] =	vst v63  }
0x25: {  	s25 =	simm.s32 $0x80  }
0x26: {  	[tilespmem:s18], [sflag:$0x3] =	stream.indirect.gather [hbm4b:s4+s16], $0x80, s25, s16, $0xb8;
	[tilespmem:$0x1E400] =	vst v63  }
0x27: {  	_ =	swait.ge [sflag:s14], $0x4000  }
0x28: {  	[sflag:s14] =	ssyncset.done $0x0  }
0x29: {  	s26 =	simm.s32 $0x1480;
	[sflag:s14] =	ssyncadd.s32 $0xFFFFC000  }
0x2a: {  	[spmem:s2] =	stream.indirect.scatter.add.f32 [tilespmem:s18], [sflag:$0x2], $0x80, s26, s16, $0xb8;
	[tilespmem:$0x1E400] =	vst v63  }
0x2b: {  	_ =	swait.ge [sflag:s19], $0x4000  }
0x2c: {  	[sflag:s19] =	ssyncset.done $0x0  }
0x2d: {  	s28 =	simm.s32 $0x100;
	[sflag:s19] =	ssyncadd.s32 $0xFFFFC000  }
0x2e: {  	[tilespmem:s17], [sflag:$0x3] =	stream.indirect.gather [hbm4b:s4+s16], $0x80, s28, s16, $0xb8;
	[tilespmem:$0x1E400] =	vst v63  }
0x2f: {  	_ =	swait.ge [sflag:s14], $0x4000  }
0x30: {  	[sflag:s14] =	ssyncset.done $0x0  }
0x31: {  	s29 =	simm.s32 $0x1500;
	[sflag:s14] =	ssyncadd.s32 $0xFFFFC000  }
0x32: {  	[spmem:s2] =	stream.indirect.scatter.add.f32 [tilespmem:s17], [sflag:$0x1], $0x80, s29, s16, $0xb8;
	[tilespmem:$0x1E400] =	vst v63  }
0x33: {  	_ =	swait.ge [sflag:s20], $0x4000  }
0x34: {  	[sflag:s20] =	ssyncset.done $0x0  }
0x35: {  	s30 =	simm.s32 $0x180;
	[sflag:s20] =	ssyncadd.s32 $0xFFFFC000  }
0x36: {  	[tilespmem:s18], [sflag:$0x3] =	stream.indirect.gather [hbm4b:s4+s16], $0x80, s30, s16, $0xb8;
	[tilespmem:$0x1E400] =	vst v63  }
0x37: {  	_ =	swait.ge [sflag:s14], $0x4000  }
0x38: {  	[sflag:s14] =	ssyncset.done $0x0  }
0x39: {  	s31 =	simm.s32 $0x1580;
	[sflag:s14] =	ssyncadd.s32 $0xFFFFC000  }
0x3a: {  	[spmem:s2] =	stream.indirect.scatter.add.f32 [tilespmem:s18], [sflag:$0x2], $0x80, s31, s16, $0xb8;
	[tilespmem:$0x1E400] =	vst v63  }
0x3b: {  	_ =	swait.ge [sflag:s19], $0x4000  }
0x3c: {  	[sflag:s19] =	ssyncset.done $0x0  }
0x3d: {  	[sflag:s19] =	ssyncadd.s32 $0xFFFFC000  }
0x3e: {  	_ =	swait.ge [sflag:s20], $0x4000  }
0x3f: {  	s22 =	simm.s32 $0x800;
	s24 =	simm.s32 $0x1000;
	[sflag:s20] =	ssyncset.done $0x0  }
.LBB2_2:
0x40: {  	s25 =	sshra.s32 s22, $0x2  }
0x41: {  	[sflag:s20] =	ssyncadd.s32 $0xFFFFC000;
	s22 =	smov.u32 s24;
	s23 =	sadd.s32 $0x800, s24  }
0x42: {  	[tilespmem:s17], [sflag:$0x3] =	stream.indirect.gather [hbm4b:s4+s16], $0x80, s25, s16, $0xb8;
	[tilespmem:$0x1E400] =	vst v63  }
0x43: {  	p0 =	sne.s32 s24, $0x4800;
	_ =	swait.ge [sflag:s14], $0x4000  }
0x44: {  	[sflag:s14] =	ssyncset.done $0x0  }
0x45: {  	s24 =	sadd.s32 $0x1400, s25;
	[sflag:s14] =	ssyncadd.s32 $0xFFFFC000  }
0x46: {  	[spmem:s2] =	stream.indirect.scatter.add.f32 [tilespmem:s17], [sflag:$0x1], $0x80, s24, s16, $0xb8;
	[tilespmem:$0x1E400] =	vst v63  }
0x47: {  	s24 =	sadd.s32 $0x80, s25  }
0x48: {  	[tilespmem:s18], [sflag:$0x3] =	stream.indirect.gather [hbm4b:s4+s16], $0x80, s24, s16, $0xb8;
	[tilespmem:$0x1E400] =	vst v63  }
0x49: {  	_ =	swait.ge [sflag:s14], $0x4000  }
0x4a: {  	[sflag:s14] =	ssyncset.done $0x0  }
0x4b: {  	s24 =	sadd.s32 $0x1480, s25;
	[sflag:s14] =	ssyncadd.s32 $0xFFFFC000  }
0x4c: {  	[spmem:s2] =	stream.indirect.scatter.add.f32 [tilespmem:s18], [sflag:$0x2], $0x80, s24, s16, $0xb8;
	[tilespmem:$0x1E400] =	vst v63  }
0x4d: {  	_ =	swait.ge [sflag:s19], $0x4000  }
0x4e: {  	[sflag:s19] =	ssyncset.done $0x0  }
0x4f: {  	s24 =	sadd.s32 $0x100, s25;
	[sflag:s19] =	ssyncadd.s32 $0xFFFFC000  }
0x50: {  	[tilespmem:s17], [sflag:$0x3] =	stream.indirect.gather [hbm4b:s4+s16], $0x80, s24, s16, $0xb8;
	[tilespmem:$0x1E400] =	vst v63  }
0x51: {  	_ =	swait.ge [sflag:s14], $0x4000  }
0x52: {  	[sflag:s14] =	ssyncset.done $0x0  }
0x53: {  	s24 =	sadd.s32 $0x1500, s25;
	[sflag:s14] =	ssyncadd.s32 $0xFFFFC000  }
0x54: {  	[spmem:s2] =	stream.indirect.scatter.add.f32 [tilespmem:s17], [sflag:$0x1], $0x80, s24, s16, $0xb8;
	[tilespmem:$0x1E400] =	vst v63  }
0x55: {  	_ =	swait.ge [sflag:s20], $0x4000  }
0x56: {  	[sflag:s20] =	ssyncset.done $0x0  }
0x57: {  	s24 =	sadd.s32 $0x180, s25;
	[sflag:s20] =	ssyncadd.s32 $0xFFFFC000  }
0x58: {  	[tilespmem:s18], [sflag:$0x3] =	stream.indirect.gather [hbm4b:s4+s16], $0x80, s24, s16, $0xb8;
	[tilespmem:$0x1E400] =	vst v63  }
0x59: {  	_ =	swait.ge [sflag:s14], $0x4000  }
0x5a: {  	[sflag:s14] =	ssyncset.done $0x0  }
0x5b: {  	s24 =	sadd.s32 $0x1580, s25;
	[sflag:s14] =	ssyncadd.s32 $0xFFFFC000  }
0x5c: {  	[spmem:s2] =	stream.indirect.scatter.add.f32 [tilespmem:s18], [sflag:$0x2], $0x80, s24, s16, $0xb8;
	[tilespmem:$0x1E400] =	vst v63  }
.Ltmp0:
0x5d: {  	_ =	swait.ge [sflag:s19], $0x4000;
	(pc) =	sbr.rel @p0 .LBB2_2-.Ltmp0, $4  }
0x5e: {  	[sflag:s19] =	ssyncset.done $0x0  }
0x5f: {  	[sflag:s19] =	ssyncadd.s32 $0xFFFFC000  }
0x60: {  	_ =	swait.ge [sflag:s20], $0x4000  }
0x61: {  	s24 =	smov.u32 s23;
	[sflag:s20] =	ssyncset.done $0x0  }
0x62: {  	s22 =	sshra.s32 s22, $0x2;
	[sflag:s20] =	ssyncadd.s32 $0xFFFFC000  }
0x63: {  	[tilespmem:s17], [sflag:$0x3] =	stream.indirect.gather [hbm4b:s4+s16], $0x80, s22, s16, $0xb8;
	[tilespmem:$0x1E400] =	vst v63  }
0x64: {  	_ =	swait.ge [sflag:s14], $0x4000  }
0x65: {  	[sflag:s14] =	ssyncset.done $0x0  }
0x66: {  	s23 =	sadd.s32 $0x1400, s22;
	[sflag:s14] =	ssyncadd.s32 $0xFFFFC000  }
0x67: {  	[spmem:s2] =	stream.indirect.scatter.add.f32 [tilespmem:s17], [sflag:$0x1], $0x80, s23, s16, $0xb8;
	[tilespmem:$0x1E400] =	vst v63  }
0x68: {  	s25 =	sadd.s32 $0x80, s22  }
0x69: {  	[tilespmem:s18], [sflag:$0x3] =	stream.indirect.gather [hbm4b:s4+s16], $0x80, s25, s16, $0xb8;
	[tilespmem:$0x1E400] =	vst v63  }
0x6a: {  	_ =	swait.ge [sflag:s14], $0x4000  }
0x6b: {  	[sflag:s14] =	ssyncset.done $0x0  }
0x6c: {  	s26 =	sadd.s32 $0x1480, s22;
	[sflag:s14] =	ssyncadd.s32 $0xFFFFC000  }
0x6d: {  	[spmem:s2] =	stream.indirect.scatter.add.f32 [tilespmem:s18], [sflag:$0x2], $0x80, s26, s16, $0xb8;
	[tilespmem:$0x1E400] =	vst v63  }
0x6e: {  	_ =	swait.ge [sflag:s19], $0x4000  }
0x6f: {  	[sflag:s19] =	ssyncset.done $0x0  }
0x70: {  	s28 =	sadd.s32 $0x100, s22;
	[sflag:s19] =	ssyncadd.s32 $0xFFFFC000  }
0x71: {  	[tilespmem:s17], [sflag:$0x3] =	stream.indirect.gather [hbm4b:s4+s16], $0x80, s28, s16, $0xb8;
	[tilespmem:$0x1E400] =	vst v63  }
0x72: {  	_ =	swait.ge [sflag:s14], $0x4000  }
0x73: {  	[sflag:s14] =	ssyncset.done $0x0  }
0x74: {  	s29 =	sadd.s32 $0x1500, s22;
	[sflag:s14] =	ssyncadd.s32 $0xFFFFC000  }
0x75: {  	[spmem:s2] =	stream.indirect.scatter.add.f32 [tilespmem:s17], [sflag:$0x1], $0x80, s29, s16, $0xb8;
	[tilespmem:$0x1E400] =	vst v63  }
0x76: {  	_ =	swait.ge [sflag:s20], $0x4000  }
0x77: {  	[sflag:s20] =	ssyncset.done $0x0  }
0x78: {  	s30 =	sadd.s32 $0x180, s22;
	[sflag:s20] =	ssyncadd.s32 $0xFFFFC000  }
0x79: {  	[tilespmem:s18], [sflag:$0x3] =	stream.indirect.gather [hbm4b:s4+s16], $0x80, s30, s16, $0xb8;
	[tilespmem:$0x1E400] =	vst v63  }
0x7a: {  	_ =	swait.ge [sflag:s14], $0x4000  }
0x7b: {  	[sflag:s14] =	ssyncset.done $0x0  }
0x7c: {  	s22 =	sadd.s32 $0x1580, s22;
	[sflag:s14] =	ssyncadd.s32 $0xFFFFC000  }
0x7d: {  	[spmem:s2] =	stream.indirect.scatter.add.f32 [tilespmem:s18], [sflag:$0x2], $0x80, s22, s16, $0xb8;
	[tilespmem:$0x1E400] =	vst v63  }
0x7e: {  	_ =	swait.ge [sflag:s19], $0x4000  }
0x7f: {  	[sflag:s19] =	ssyncset.done $0x0  }
0x80: {  	[sflag:s19] =	ssyncadd.s32 $0xFFFFC000  }
0x81: {  	_ =	swait.ge [sflag:s20], $0x4000  }
0x82: {  	[sflag:s20] =	ssyncset.done $0x0  }
0x83: {  	s31 =	simm.s32 $0x0;
	[sflag:s20] =	ssyncadd.s32 $0xFFFFC000  }
0x84: {  	[tilespmem:s31], [sflag:$0x3] =	stream.linear.gather [hbm4b:s9+s31], $0x1400, $0x38;
	[tilespmem:$0x1E400] =	vst v63  }
0x85: {  	_ =	swait.ge [sflag:s14], $0x1400  }
0x86: {  	[sflag:s14] =	ssyncset.done $0x0  }
0x87: {  	[sflag:s14] =	ssyncadd.s32 $0xFFFFEC00  }
0x88: {  	[tilespmem:s15], [sflag:$0x3] =	stream.linear.gather [hbm4b:s10+s31], $0x1400, $0x38;
	[tilespmem:$0x1E400] =	vst v63  }
0x89: {  	_ =	swait.ge [sflag:s14], $0x1400  }
0x8a: {  	[sflag:s14] =	ssyncset.done $0x0  }
0x8b: {  	s23 =	simm.s32 $0x0;
	[sflag:s14] =	ssyncadd.s32 $0xFFFFEC00  }
0x8c: {  	[tilespmem:s17], [sflag:$0x3] =	stream.indirect.gather [hbm4b:s4+s16], $0x80, s23, s16, $0xb8;
	[tilespmem:$0x1E400] =	vst v63  }
0x8d: {  	_ =	swait.ge [sflag:s14], $0x4000  }
0x8e: {  	[sflag:s14] =	ssyncset.done $0x0  }
0x8f: {  	s24 =	simm.s32 $0x1400;
	[sflag:s14] =	ssyncadd.s32 $0xFFFFC000  }
0x90: {  	[spmem:s2] =	stream.indirect.scatter.add.f32 [tilespmem:s17], [sflag:$0x1], $0x80, s24, s16, $0xb8;
	[tilespmem:$0x1E400] =	vst v63  }
0x91: {  	s25 =	simm.s32 $0x80  }
0x92: {  	[tilespmem:s18], [sflag:$0x3] =	stream.indirect.gather [hbm4b:s4+s16], $0x80, s25, s16, $0xb8;
	[tilespmem:$0x1E400] =	vst v63  }
0x93: {  	_ =	swait.ge [sflag:s14], $0x4000  }
0x94: {  	[sflag:s14] =	ssyncset.done $0x0  }
0x95: {  	s26 =	simm.s32 $0x1480;
	[sflag:s14] =	ssyncadd.s32 $0xFFFFC000  }
0x96: {  	[spmem:s2] =	stream.indirect.scatter.add.f32 [tilespmem:s18], [sflag:$0x2], $0x80, s26, s16, $0xb8;
	[tilespmem:$0x1E400] =	vst v63  }
0x97: {  	_ =	swait.ge [sflag:s19], $0x4000  }
0x98: {  	[sflag:s19] =	ssyncset.done $0x0  }
0x99: {  	s28 =	simm.s32 $0x100;
	[sflag:s19] =	ssyncadd.s32 $0xFFFFC000  }
0x9a: {  	[tilespmem:s17], [sflag:$0x3] =	stream.indirect.gather [hbm4b:s4+s16], $0x80, s28, s16, $0xb8;
	[tilespmem:$0x1E400] =	vst v63  }
0x9b: {  	_ =	swait.ge [sflag:s14], $0x4000  }
0x9c: {  	[sflag:s14] =	ssyncset.done $0x0  }
0x9d: {  	s29 =	simm.s32 $0x1500;
	[sflag:s14] =	ssyncadd.s32 $0xFFFFC000  }
0x9e: {  	[spmem:s2] =	stream.indirect.scatter.add.f32 [tilespmem:s17], [sflag:$0x1], $0x80, s29, s16, $0xb8;
	[tilespmem:$0x1E400] =	vst v63  }
0x9f: {  	_ =	swait.ge [sflag:s20], $0x4000  }
0xa0: {  	[sflag:s20] =	ssyncset.done $0x0  }
0xa1: {  	s30 =	simm.s32 $0x180;
	[sflag:s20] =	ssyncadd.s32 $0xFFFFC000  }
0xa2: {  	[tilespmem:s18], [sflag:$0x3] =	stream.indirect.gather [hbm4b:s4+s16], $0x80, s30, s16, $0xb8;
	[tilespmem:$0x1E400] =	vst v63  }
0xa3: {  	_ =	swait.ge [sflag:s14], $0x4000  }
0xa4: {  	[sflag:s14] =	ssyncset.done $0x0  }
0xa5: {  	s31 =	simm.s32 $0x1580;
	[sflag:s14] =	ssyncadd.s32 $0xFFFFC000  }
0xa6: {  	[spmem:s2] =	stream.indirect.scatter.add.f32 [tilespmem:s18], [sflag:$0x2], $0x80, s31, s16, $0xb8;
	[tilespmem:$0x1E400] =	vst v63  }
0xa7: {  	_ =	swait.ge [sflag:s19], $0x4000  }
0xa8: {  	[sflag:s19] =	ssyncset.done $0x0  }
0xa9: {  	[sflag:s19] =	ssyncadd.s32 $0xFFFFC000  }
0xaa: {  	_ =	swait.ge [sflag:s20], $0x4000  }
0xab: {  	s22 =	simm.s32 $0x800;
	s24 =	simm.s32 $0x1000;
	[sflag:s20] =	ssyncset.done $0x0  }
.LBB2_4:
0xac: {  	s25 =	sshra.s32 s22, $0x2  }
0xad: {  	[sflag:s20] =	ssyncadd.s32 $0xFFFFC000;
	s22 =	smov.u32 s24;
	s23 =	sadd.s32 $0x800, s24  }
0xae: {  	[tilespmem:s17], [sflag:$0x3] =	stream.indirect.gather [hbm4b:s4+s16], $0x80, s25, s16, $0xb8;
	[tilespmem:$0x1E400] =	vst v63  }
0xaf: {  	p0 =	sne.s32 s24, $0x4800;
	_ =	swait.ge [sflag:s14], $0x4000  }
0xb0: {  	[sflag:s14] =	ssyncset.done $0x0  }
0xb1: {  	s24 =	sadd.s32 $0x1400, s25;
	[sflag:s14] =	ssyncadd.s32 $0xFFFFC000  }
0xb2: {  	[spmem:s2] =	stream.indirect.scatter.add.f32 [tilespmem:s17], [sflag:$0x1], $0x80, s24, s16, $0xb8;
	[tilespmem:$0x1E400] =	vst v63  }
0xb3: {  	s24 =	sadd.s32 $0x80, s25  }
0xb4: {  	[tilespmem:s18], [sflag:$0x3] =	stream.indirect.gather [hbm4b:s4+s16], $0x80, s24, s16, $0xb8;
	[tilespmem:$0x1E400] =	vst v63  }
0xb5: {  	_ =	swait.ge [sflag:s14], $0x4000  }
0xb6: {  	[sflag:s14] =	ssyncset.done $0x0  }
0xb7: {  	s24 =	sadd.s32 $0x1480, s25;
	[sflag:s14] =	ssyncadd.s32 $0xFFFFC000  }
0xb8: {  	[spmem:s2] =	stream.indirect.scatter.add.f32 [tilespmem:s18], [sflag:$0x2], $0x80, s24, s16, $0xb8;
	[tilespmem:$0x1E400] =	vst v63  }
0xb9: {  	_ =	swait.ge [sflag:s19], $0x4000  }
0xba: {  	[sflag:s19] =	ssyncset.done $0x0  }
0xbb: {  	s24 =	sadd.s32 $0x100, s25;
	[sflag:s19] =	ssyncadd.s32 $0xFFFFC000  }
0xbc: {  	[tilespmem:s17], [sflag:$0x3] =	stream.indirect.gather [hbm4b:s4+s16], $0x80, s24, s16, $0xb8;
	[tilespmem:$0x1E400] =	vst v63  }
0xbd: {  	_ =	swait.ge [sflag:s14], $0x4000  }
0xbe: {  	[sflag:s14] =	ssyncset.done $0x0  }
0xbf: {  	s24 =	sadd.s32 $0x1500, s25;
	[sflag:s14] =	ssyncadd.s32 $0xFFFFC000  }
0xc0: {  	[spmem:s2] =	stream.indirect.scatter.add.f32 [tilespmem:s17], [sflag:$0x1], $0x80, s24, s16, $0xb8;
	[tilespmem:$0x1E400] =	vst v63  }
0xc1: {  	_ =	swait.ge [sflag:s20], $0x4000  }
0xc2: {  	[sflag:s20] =	ssyncset.done $0x0  }
0xc3: {  	s24 =	sadd.s32 $0x180, s25;
	[sflag:s20] =	ssyncadd.s32 $0xFFFFC000  }
0xc4: {  	[tilespmem:s18], [sflag:$0x3] =	stream.indirect.gather [hbm4b:s4+s16], $0x80, s24, s16, $0xb8;
	[tilespmem:$0x1E400] =	vst v63  }
0xc5: {  	_ =	swait.ge [sflag:s14], $0x4000  }
0xc6: {  	[sflag:s14] =	ssyncset.done $0x0  }
0xc7: {  	s24 =	sadd.s32 $0x1580, s25;
	[sflag:s14] =	ssyncadd.s32 $0xFFFFC000  }
0xc8: {  	[spmem:s2] =	stream.indirect.scatter.add.f32 [tilespmem:s18], [sflag:$0x2], $0x80, s24, s16, $0xb8;
	[tilespmem:$0x1E400] =	vst v63  }
.Ltmp1:
0xc9: {  	_ =	swait.ge [sflag:s19], $0x4000;
	(pc) =	sbr.rel @p0 .LBB2_4-.Ltmp1, $4  }
0xca: {  	[sflag:s19] =	ssyncset.done $0x0  }
0xcb: {  	[sflag:s19] =	ssyncadd.s32 $0xFFFFC000  }
0xcc: {  	_ =	swait.ge [sflag:s20], $0x4000  }
0xcd: {  	s24 =	smov.u32 s23;
	[sflag:s20] =	ssyncset.done $0x0  }
0xce: {  	s22 =	sshra.s32 s22, $0x2;
	[sflag:s20] =	ssyncadd.s32 $0xFFFFC000  }
0xcf: {  	[tilespmem:s17], [sflag:$0x3] =	stream.indirect.gather [hbm4b:s4+s16], $0x80, s22, s16, $0xb8;
	[tilespmem:$0x1E400] =	vst v63  }
0xd0: {  	_ =	swait.ge [sflag:s14], $0x4000  }
0xd1: {  	[sflag:s14] =	ssyncset.done $0x0  }
0xd2: {  	s23 =	sadd.s32 $0x1400, s22;
	[sflag:s14] =	ssyncadd.s32 $0xFFFFC000  }
0xd3: {  	[spmem:s2] =	stream.indirect.scatter.add.f32 [tilespmem:s17], [sflag:$0x1], $0x80, s23, s16, $0xb8;
	[tilespmem:$0x1E400] =	vst v63  }
0xd4: {  	s26 =	sadd.s32 $0x80, s22  }
0xd5: {  	[tilespmem:s18], [sflag:$0x3] =	stream.indirect.gather [hbm4b:s4+s16], $0x80, s26, s16, $0xb8;
	[tilespmem:$0x1E400] =	vst v63  }
0xd6: {  	_ =	swait.ge [sflag:s14], $0x4000  }
0xd7: {  	[sflag:s14] =	ssyncset.done $0x0  }
0xd8: {  	s28 =	sadd.s32 $0x1480, s22;
	[sflag:s14] =	ssyncadd.s32 $0xFFFFC000  }
0xd9: {  	[spmem:s2] =	stream.indirect.scatter.add.f32 [tilespmem:s18], [sflag:$0x2], $0x80, s28, s16, $0xb8;
	[tilespmem:$0x1E400] =	vst v63  }
0xda: {  	_ =	swait.ge [sflag:s19], $0x4000  }
0xdb: {  	[sflag:s19] =	ssyncset.done $0x0  }
0xdc: {  	s29 =	sadd.s32 $0x100, s22;
	[sflag:s19] =	ssyncadd.s32 $0xFFFFC000  }
0xdd: {  	[tilespmem:s17], [sflag:$0x3] =	stream.indirect.gather [hbm4b:s4+s16], $0x80, s29, s16, $0xb8;
	[tilespmem:$0x1E400] =	vst v63  }
0xde: {  	_ =	swait.ge [sflag:s14], $0x4000  }
0xdf: {  	[sflag:s14] =	ssyncset.done $0x0  }
0xe0: {  	s30 =	sadd.s32 $0x1500, s22;
	[sflag:s14] =	ssyncadd.s32 $0xFFFFC000  }
0xe1: {  	[spmem:s2] =	stream.indirect.scatter.add.f32 [tilespmem:s17], [sflag:$0x1], $0x80, s30, s16, $0xb8;
	[tilespmem:$0x1E400] =	vst v63  }
0xe2: {  	_ =	swait.ge [sflag:s20], $0x4000  }
0xe3: {  	[sflag:s20] =	ssyncset.done $0x0  }
0xe4: {  	s31 =	sadd.s32 $0x180, s22;
	[sflag:s20] =	ssyncadd.s32 $0xFFFFC000  }
0xe5: {  	[tilespmem:s18], [sflag:$0x3] =	stream.indirect.gather [hbm4b:s4+s16], $0x80, s31, s16, $0xb8;
	[tilespmem:$0x1E400] =	vst v63  }
0xe6: {  	_ =	swait.ge [sflag:s14], $0x4000  }
0xe7: {  	[sflag:s14] =	ssyncset.done $0x0  }
0xe8: {  	s22 =	sadd.s32 $0x1580, s22;
	[sflag:s14] =	ssyncadd.s32 $0xFFFFC000  }
0xe9: {  	[spmem:s2] =	stream.indirect.scatter.add.f32 [tilespmem:s18], [sflag:$0x2], $0x80, s22, s16, $0xb8;
	[tilespmem:$0x1E400] =	vst v63  }
0xea: {  	_ =	swait.ge [sflag:s19], $0x4000  }
0xeb: {  	[sflag:s19] =	ssyncset.done $0x0  }
0xec: {  	[sflag:s19] =	ssyncadd.s32 $0xFFFFC000  }
0xed: {  	_ =	swait.ge [sflag:s20], $0x4000  }
0xee: {  	s21 =	sadd.s32 $0x1, s21;
	[sflag:s20] =	ssyncset.done $0x0  }
0xef: {  	p0 =	sne.s32 s21, s12;
	[sflag:s20] =	ssyncadd.s32 $0xFFFFC000  }
.Ltmp2:
0xf0: {  	[bflag:$0x0] =	sbarrier.arrive $0xFFFF;
	(pc) =	sbr.rel @p0 .LBB2_1-.Ltmp2, $4  }
0xf1: {  	[hbm:s11], [sflag:s6] =	dma.local [spmem:s13], $0x2780  }
0xf2: {  	_ =	swait.ge [sflag:s14], $0x2780  }
0xf3: {  	[sflag:s14] =	ssyncset.done $0x0  }
0xf4: {  	[sflag:s14] =	ssyncadd.s32 $0xFFFFD880  }
0xf5: {  	_ =	sfence.sel $0x180000  }
0xf6: {  	[bflag:$0x0] =	sbarrier.arrive $0xFFFF  }
0xf7: {  	p0 =	sne.s32 s1, $0x0;
	_ =	strace $0x9000004D  }
0xf8: {  	s0 =	sadd.s32 @!p0 $0x100000, s0;
	[bflag:$0x2] =	sbarrier.arrive $0xFFFF  }
0xf9: {  	[sflag:s0] =	ssyncadd.tile.s32 @!p0 $0x1;
	_ =	shalt  }
.Lfunc_end2:
_tile_overlayer_lowered:
.L_overlay_start_2:
0xfa: {  	(tag) =	ssettag $0x2  }
0xfb: {  	s0 =	rddreg [dreg:$0x0];
	s2 =	stileid.u32  }
0xfc: {  	s1 =	rddreg [dreg:$0x1];
	p0 =	sne.s32 s2, $0x0  }
0xfd: {  	s3 =	rddreg [dreg:$0x2];
	[bflag:$0x3] =	sbarrier.arrive $0xFFFF;
	s2 =	simm.s32 @!p0 $0x1C03  }
0xfe: {  	[timem:s3], [sflag:s2] =	dma.local @!p0 [hbm:s0], s1  }
0xff: {  	s0 =	simm.s32 @!p0 $0x3  }
0x100: {  	_ =	swait.ge @!p0 [sflag:s0], s1  }
0x101: {  	s1 =	ssub.s32 @!p0 $0x0, s1;
	[sflag:s0] =	ssyncset.done @!p0 $0x0  }
0x102: {  	[sflag:s0] =	ssyncadd.s32 @!p0 s1  }
0x103: {  	[bflag:$0x3] =	sbarrier.arrive $0xFFFF  }
0x104: {  	_ =	shalt  }

// kernel: kernel.9.cloned.1.call-start
scs
__scs_entry_jumppad:
0x0: {  	(pc) =	sbr.rel $0x88, $3  }
0x1: {  	(tag) =	ssettag $0x0;
	lr =	simm.s32 $0x1  }
0x2: {  	[smem:$0x3F98] =	sst lr;
	_ =	strace $0xD0000000  }
0x3: {  	_ = 	snop  }
0x4: {  	_ = 	snop  }
0x5: {  	_ = 	snop  }
0x6: {  	_ = 	snop  }
0x7: {  	_ = 	snop  }
__scs_overlays_trampoline_lowered:
0x8: {  	[smem:$0x3FA7] =	sst s0  }
0x9: {  	[smem:$0x3FA8] =	sst s1  }
0xa: {  	[smem:$0x3FA9] =	sst s2  }
0xb: {  	[smem:$0x3FAA] =	sst s3  }
0xc: {  	[smem:$0x3FAB] =	sst s4  }
0xd: {  	[smem:$0x3FAC] =	sst s5  }
0xe: {  	[smem:$0x3FAD] =	sst s6  }
0xf: {  	[smem:$0x3FAE] =	sst s7  }
0x10: {  	[smem:$0x3FAF] =	sst s8  }
0x11: {  	[smem:$0x3FB0] =	sst s9;
	s0 =	simm.s32 @!p0 $0x0  }
0x12: {  	s1 =	sld [smem:$0x3F96];
	s0 =	simm.s32 @p0 $0x1  }
0x13: {  	[smem:$0x3FB1] =	sst s0;
	s0 =	simm.s32 @!p1 $0x0  }
0x14: {  	s2 =	sld [smem:$0x3F95];
	s0 =	simm.s32 @p1 $0x1  }
0x15: {  	[smem:$0x3FB2] =	sst s0;
	s0 =	simm.s32 @!p2 $0x0  }
0x16: {  	s3 =	sld [smem:$0x3FDB];
	s0 =	simm.s32 @p2 $0x1  }
0x17: {  	s4 =	simm.s32 $0x1BF5;
	[smem:$0x3FB4] =	sst s0  }
0x18: {  	s0 =	sld [smem:$0x3F97];
	_ =	swait.ge [sflag:s4], $0x0  }
0x19: {  	s7 =	sld [smem:$0x3F98]  }
0x1a: {  	s8 =	sadd.s32 $0xFFFFE003, lr  }
0x1b: {  	s9 =	sadd.s32 $0xFFFFFEF7, lr;
	s5 =	simm.s32 $0xFFFFFFFF;
	p2 =	slt.u32 s8, $0xFFFFF086  }
0x1c: {  	p1 =	slt.u32 s9, $0xF7A;
	s5 =	simm.s32 @!p2 $0x0  }
0x1d: {  	s5 =	simm.s32 @p1 $0x1;
	p0 =	seq.s32 s7, s2  }
0x1e: {  	s7 =	smul.u32 @!p0 $0xF7A, s2;
	p2 =	seq.s32 @!p0 s5, $0x0  }
0x1f: {  	s9 =	smul.u32 $0xF7A, s1;
	s8 =	simm.s32 @!p0 $0x1BF5;
	p2 =	por !p2, p0  }
0x20: {  	[sflag:s8] =	ssyncset.s32 @!p0 $0xFFFFF086;
	s6 =	sadd.s32 @!p0 s3, s7;
	s7 =	simm.s32 @!p0 $0x108  }
0x21: {  	s3 =	sadd.s32 s3, s9;
	s6 =	sadd.s32 @!p0 $0x88, s6;
	s7 =	simm.s32 @p2 $0x1082  }
0x22: {  	[simem:s7], [sflag:s8] =	dma.local @!p0 [hbm:s6], $0xF7A  }
0x23: {  	s9 =	sor.u32 $0xD0000000, s2;
	s6 =	simm.s32 $0x108;
	_ =	swait.ge @!p0 [sflag:s8], $0x0  }
0x24: {  	s3 =	sadd.s32 $0x88, s3;
	s6 =	simm.s32 @!p1 $0x1082;
	[sflag:s4] =	ssyncset.s32 $0xFFFFF086  }
0x25: {  	[simem:s6], [sflag:s4] =	dma.local [hbm:s3], $0xF7A  }
0x26: {  	[smem:$0x3F98] =	sst s1;
	(tag) =	ssettag s2;
	_ =	strace s9  }
0x27: {  	s1 =	sld [smem:$0x3FA8]  }
0x28: {  	s2 =	sld [smem:$0x3FA9]  }
0x29: {  	s4 =	sld [smem:$0x3FAB]  }
0x2a: {  	p0 =	seq.s32 s5, $0x0;
	s5 =	sld [smem:$0x3FAC]  }
0x2b: {  	s6 =	sld [smem:$0x3FAD]  }
0x2c: {  	s7 =	sld [smem:$0x3FAE]  }
0x2d: {  	s3 =	simm.s32 $0x108;
	s8 =	sld [smem:$0x3FAF]  }
0x2e: {  	s3 =	simm.s32 @!p0 $0x1082;
	s9 =	sld [smem:$0x3FB0]  }
0x2f: {  	lr =	sadd.s32 s0, s3;
	s0 =	sld [smem:$0x3FA7]  }
0x30: {  	s3 =	sld [smem:$0x3FAA]  }
0x31: {  	[smem:$0x3FB3] =	sst s10  }
0x32: {  	s10 =	sld [smem:$0x3FB1];
	_ =	sdelay $0x3  }
0x33: {  	p0 =	seq.s32 s10, $0x1;
	s10 =	sld [smem:$0x3FB3];
	_ =	sdelay $0x3  }
0x34: {  	[smem:$0x3FB3] =	sst s10  }
0x35: {  	s10 =	sld [smem:$0x3FB2];
	_ =	sdelay $0x3  }
0x36: {  	p1 =	seq.s32 s10, $0x1;
	s10 =	sld [smem:$0x3FB3];
	_ =	sdelay $0x3  }
0x37: {  	[smem:$0x3FB3] =	sst s10  }
0x38: {  	s10 =	sld [smem:$0x3FB4]  }
0x39: {  	_ = 	snop;
	(pc) =	sbr.ind lr, $3  }
0x3a: {  	_ = 	snop  }
0x3b: {  	_ = 	snop  }
0x3c: {  	p2 =	seq.s32 s10, $0x1;
	s10 =	sld [smem:$0x3FB3]  }
0x3d: {  	_ =	shalt  }
0x3e: {  	_ =	shalt  }
0x3f: {  	_ =	shalt  }
0x40: {  	_ =	shalt  }
0x41: {  	_ =	shalt  }
0x42: {  	_ =	shalt  }
0x43: {  	_ =	shalt  }
0x44: {  	_ =	shalt  }
0x45: {  	_ =	shalt  }
0x46: {  	_ =	shalt  }
0x47: {  	_ =	shalt  }
0x48: {  	_ =	shalt  }
0x49: {  	_ =	shalt  }
0x4a: {  	_ =	shalt  }
0x4b: {  	_ =	shalt  }
0x4c: {  	_ =	shalt  }
0x4d: {  	_ =	shalt  }
0x4e: {  	_ =	shalt  }
0x4f: {  	_ =	shalt  }
0x50: {  	_ =	shalt  }
0x51: {  	_ =	shalt  }
0x52: {  	_ =	shalt  }
0x53: {  	_ =	shalt  }
0x54: {  	_ =	shalt  }
0x55: {  	_ =	shalt  }
0x56: {  	_ =	shalt  }
0x57: {  	_ =	shalt  }
0x58: {  	_ =	shalt  }
0x59: {  	_ =	shalt  }
0x5a: {  	_ =	shalt  }
0x5b: {  	_ =	shalt  }
0x5c: {  	_ =	shalt  }
0x5d: {  	_ =	shalt  }
0x5e: {  	_ =	shalt  }
0x5f: {  	_ =	shalt  }
0x60: {  	_ =	shalt  }
0x61: {  	_ =	shalt  }
0x62: {  	_ =	shalt  }
0x63: {  	_ =	shalt  }
0x64: {  	_ =	shalt  }
0x65: {  	_ =	shalt  }
0x66: {  	_ =	shalt  }
0x67: {  	_ =	shalt  }
0x68: {  	_ =	shalt  }
0x69: {  	_ =	shalt  }
0x6a: {  	_ =	shalt  }
0x6b: {  	_ =	shalt  }
0x6c: {  	_ =	shalt  }
0x6d: {  	_ =	shalt  }
0x6e: {  	_ =	shalt  }
0x6f: {  	_ =	shalt  }
0x70: {  	_ =	shalt  }
0x71: {  	_ =	shalt  }
0x72: {  	_ =	shalt  }
0x73: {  	_ =	shalt  }
0x74: {  	_ =	shalt  }
0x75: {  	_ =	shalt  }
0x76: {  	_ =	shalt  }
0x77: {  	_ =	shalt  }
0x78: {  	_ =	shalt  }
0x79: {  	_ =	shalt  }
0x7a: {  	_ =	shalt  }
0x7b: {  	_ =	shalt  }
0x7c: {  	_ =	shalt  }
0x7d: {  	_ =	shalt  }
0x7e: {  	_ =	shalt  }
0x7f: {  	_ =	shalt  }
0x80: {  	_ =	shalt  }
0x81: {  	_ =	shalt  }
0x82: {  	_ =	shalt  }
0x83: {  	_ =	shalt  }
0x84: {  	_ =	shalt  }
0x85: {  	_ =	shalt  }
0x86: {  	_ =	shalt  }
0x87: {  	_ =	shalt  }
.Lfunc_end0:
.L_simem_size_0:
called_computation_lowered:
.L_overlay_start_0:
0x88: {  	s2 =	sld [smem:$0x3FD9]  }
0x89: {  	s3 =	sld [smem:$0x3FFE];
	_ =	sdelay $0x1  }
0x8a: {  	s1 =	srdreg.scid  }
0x8b: {  	s0 =	sand.u32 $0x1, s1  }
0x8c: {  	s16 =	sshll.u32 s0, $0xA;
	s2 =	sadd.s32 s3, s2  }
0x8d: {  	s2 =	sadd.s32 s2, s16  }
0x8e: {  	[smem:$0x3FBF] =	sst s2  }
0x8f: {  	_ = 	snop  }
0x90: {  	(tm) =	ssettm $0x1  }
0x91: {  	s17 =	sld [smem:$0x3FFB];
	_ =	sdelay $0x3  }
0x92: {  	_ =	strace s17  }
0x93: {  	s2 =	sld [smem:$0x3FFC];
	_ =	sdelay $0x3  }
0x94: {  	_ =	strace s2  }
0x95: {  	s2 =	sld [smem:$0x3FFD];
	_ =	sdelay $0x3  }
0x96: {  	_ =	strace s2  }
0x97: {  	_ =	strace $0x8FFFFFFF  }
0x98: {  	s18 =	sld [smem:$0x3FDB];
	_ =	sdelay $0x1  }
0x99: {  	s19 =	simm.s32 $_scs_section_size  }
0x9a: {  	s4 =	simm.s32 $_size__tile_overlayer_lowered;
	s5 =	simm.s32 $_tile_overlayer_lowered  }
0x9b: {  	s22 =	simm.s32 $0x1BFF;
	s21 =	sshll.u32 s5, $0x1;
	s2 =	sadd.s32 s19, s18  }
0x9c: {  	s6 =	simm.s32 $0x0;
	s20 =	sshll.u32 s4, $0x1;
	s4 =	sadd.s32 s21, s2  }
0x9d: {  	[timem:s6], [sflag:s22] =	dma.local [hbm:s4], s20  }
0x9e: {  	_ =	swait.ge [sflag:s22], s20  }
0x9f: {  	s3 =	ssub.s32 $0x0, s20;
	[sflag:s22] =	ssyncset.done $0x0  }
0xa0: {  	[sflag:s22] =	ssyncadd.s32 s3;
	_ =	sdelay $0x1  }
0xa1: {  	s23 =	simm.s32 $0x1B8B  }
0xa2: {  	_ =	swait.ge [sflag:s23], $0x1  }
0xa3: {  	[sflag:s23] =	ssyncset.done $0x0  }
0xa4: {  	s25 =	simm.s32 $0x1B8E;
	s24 =	sld [smem:$0x3FFE];
	[sflag:s23] =	ssyncadd.s32 $0xFFFFFFFF  }
0xa5: {  	s26 =	simm.s32 $execute0_lowered;
	[smem:$0x3FD2] =	sst s25  }
0xa6: {  	s4 =	sshll.u32 s26, $0x1;
	_ =	strace $0x80000046;
	[dreg:$0x1] =	wrdreg $0xFFFFFFFF  }
0xa7: {  	s28 =	simm.s32 $_size_execute0_lowered;
	s2 =	sadd.s32 s2, s4;
	[dreg:$0x0] =	wrdreg $0x0  }
0xa8: {  	s4 =	sshll.u32 s28, $0x1;
	[dreg:$0x2] =	wrdreg s2  }
0xa9: {  	[dreg:$0x3] =	wrdreg s4  }
0xaa: {  	[dreg:$0x4] =	wrdreg $0xC0  }
0xab: {  	_ =	task [dreg:s6], $0x5FFFF  }
0xac: {  	[dreg:$0x1] =	wrdreg $0xFFFFFFFF  }
0xad: {  	[dreg:$0x0] =	wrdreg $0x60  }
0xae: {  	[dreg:$0x2] =	wrdreg s24  }
0xaf: {  	[dreg:$0x3] =	wrdreg $0x68000  }
0xb0: {  	[dreg:$0x4] =	wrdreg $0x9  }
0xb1: {  	_ =	task.clear_ibuf [dreg:s6], $0x5FFFF;
	_ =	strace $0x90000046  }
0xb2: {  	s29 =	simm.s32 $0x9;
	_ =	strace $0x80000048  }
0xb3: {  	_ =	swait.ge [sflag:s29], $0x1  }
0xb4: {  	[sflag:s29] =	ssyncadd.s32 $0xFFFFFFFF  }
0xb5: {  	_ =	strace $0x90000048  }
0xb6: {  	_ =	sfence  }
0xb7: {  	s30 =	sld [smem:$0x0];
	_ =	sdelay $0x2  }
0xb8: {  	s31 =	sshll.u32 s1, $0xD;
	s1 =	sshrl.u32 s1, $0x2  }
0xb9: {  	s3 =	sand.u32 $0x4000, s31;
	s1 =	sadd.s32 s1, s30  }
0xba: {  	s0 =	sor.u32 s3, s0;
	s1 =	sshll.u32 s1, $0x11  }
0xbb: {  	s0 =	sor.u32 s1, s0  }
0xbc: {  	s0 =	sadd.s32 $0x8F2B, s0  }
0xbd: {  	[sflag:s0] =	ssyncadd.remote.s32 $0x1  }
0xbe: {  	_ =	sfence.sel $0xFFFF  }
0xbf: {  	[dreg:$0x0] =	wrdreg $0xFFFFFFFF;
	(pc) =	sbr.abs _section_cstart, $3  }
0xc0: {  	[dreg:$0x1] =	wrdreg $0xFFFFFFFF  }
0xc1: {  	_ =	task.clear_ibuf [dreg:s6], $0x2FFFF;
	_ =	strace $0x9FFFFFFF  }
0xc2: {  	(tm) =	ssettm $0x7FFFFFFF  }
0xc3: {  	_ =	shalt  }
tec
execute0_lowered:
.L_overlay_start_1:
0x0: {  	(tag) =	ssettag $0x1  }
0x1: {  	s1 =	srdreg.scid;
	s5 =	rddreg [dreg:$0x0]  }
0x2: {  	s0 =	stileid.u32;
	s2 =	rddreg [dreg:$0x1];
	s3 =	simm.s32 $0x0  }
0x3: {  	s14 =	simm.s32 $0x0;
	s6 =	sand.u32 $0x1, s1;
	s1 =	rddreg [dreg:$0x2]  }
0x4: {  	s28 =	sshll.u32 s0, $0x1;
	[smem:$0x7FF] =	sst s3;
	s7 =	smul.u32 $0x13C00, s0  }
0x5: {  	s29 =	smul.u32 $0x4F000, s0;
	s31 =	sshll.u32 s0, $0x6;
	s4 =	sor.u32 s6, s28  }
0x6: {  	_ =	strace $0x80000047;
	s8 =	smul.u32 $0x13C000, s6;
	s6 =	ssub.s32 $0x2, s6  }
0x7: {  	s4 =	smul.u32 $0x500, s4;
	s10 =	sshrl.u32 s7, $0x3;
	s11 =	sshrl.u32 s6, $0x1  }
0x8: {  	s30 =	sshrl.u32 s29, $0x2;
	s7 =	sadd.s32 s7, s8;
	s10 =	sadd.s32 s10, s5  }
0x9: {  	s11 =	ssub.s32 s6, s11;
	s13 =	sadd.s32 s30, s2;
	s6 =	sor.u32 $0x1C01, s31  }
0xa: {  	s9 =	sadd.s32 s4, s5;
	s4 =	sadd.s32 $0x3D800, s5;
	s7 =	sshrl.u32 s7, $0x3  }
0xb: {  	s12 =	sadd.s32 s7, s5;
	s5 =	sadd.s32 $0x16000, s10;
	s7 =	sadd.s32 $0x2000, s9  }
0xc: {  	s9 =	smax.u32 s11, $0x1;
	s10 =	sshrl.u32 s13, $0x3;
	s11 =	simm.s32 $0x1  }
0xd: {  	s13 =	simm.s32 $0x80;
	s8 =	sadd.s32 $0x3E000, s12;
	s12 =	simm.s32 $0x2800  }
.LBB2_1:
0xe: {  	[spmem:s10], [sflag:s6] =	dma.local [hbm:s5], $0x2780  }
0xf: {  	_ =	swait.ge [sflag:s11], $0x2780  }
0x10: {  	[sflag:s11] =	ssyncset.done $0x0  }
0x11: {  	[sflag:s11] =	ssyncadd.s32 $0xFFFFD880  }
0x12: {  	[tilespmem:s12], [sflag:$0x1] =	stream.linear.gather [hbm4b:s4+s3], $0x4000, $0x38;
	[tilespmem:$0x8F80] =	vst v63  }
0x13: {  	_ =	swait.ge [sflag:s11], $0x4000  }
0x14: {  	[sflag:s11] =	ssyncset.done $0x0  }
0x15: {  	[sflag:s11] =	ssyncadd.s32 $0xFFFFC000  }
0x16: {  	[tilespmem:s3], [sflag:$0x1] =	stream.linear.gather [hbm4b:s7+s3], $0x2800, $0x38;
	[tilespmem:$0x8F80] =	vst v63  }
0x17: {  	_ =	swait.ge [sflag:s11], $0x2800  }
0x18: {  	[sflag:s11] =	ssyncset.done $0x0  }
0x19: {  	[sflag:s11] =	ssyncadd.s32 $0xFFFFD800  }
0x1a: {  	s15 =	simm.s32 $0x0;
	[bflag:$0x0] =	sbarrier.arrive $0xFFFF  }
0x1b: {  	[spmem:s2] =	stream.indirect.scatter.add.f32 [tilespmem:s12], [sflag:$0x1], $0x10, s15, s13, $0xb8;
	[tilespmem:$0x8F80] =	vst v63  }
0x1c: {  	_ =	swait.ge [sflag:s11], $0x800  }
0x1d: {  	s15 =	simm.s32 $0x200;
	[sflag:s11] =	ssyncset.done $0x0  }
.LBB2_2:
0x1e: {  	s16 =	sshra.s32 s15, $0x2;
	[sflag:s11] =	ssyncadd.s32 $0xFFFFF800;
	p0 =	sne.s32 s15, $0x9E00  }
0x1f: {  	[spmem:s2] =	stream.indirect.scatter.add.f32 [tilespmem:s12], [sflag:$0x1], $0x10, s16, s13, $0xb8;
	[tilespmem:$0x8F80] =	vst v63  }
.Ltmp0:
0x20: {  	_ = 	snop;
	(pc) =	sbr.rel @p0 .LBB2_2-.Ltmp0, $4  }
0x21: {  	_ = 	snop  }
0x22: {  	s15 =	sadd.s32 $0x200, s15  }
0x23: {  	_ =	swait.ge [sflag:s11], $0x800  }
0x24: {  	[sflag:s11] =	ssyncset.done $0x0  }
0x25: {  	s14 =	sadd.s32 $0x1, s14  }
0x26: {  	[sflag:s11] =	ssyncadd.s32 $0xFFFFF800;
	p0 =	sne.s32 s14, s9  }
.Ltmp1:
0x27: {  	[bflag:$0x0] =	sbarrier.arrive $0xFFFF;
	(pc) =	sbr.rel @p0 .LBB2_1-.Ltmp1, $4  }
0x28: {  	[hbm:s8], [sflag:s6] =	dma.local [spmem:s10], $0x2780  }
0x29: {  	_ =	swait.ge [sflag:s11], $0x2780  }
0x2a: {  	[sflag:s11] =	ssyncset.done $0x0  }
0x2b: {  	[sflag:s11] =	ssyncadd.s32 $0xFFFFD880  }
0x2c: {  	_ =	sfence.sel $0x180000  }
0x2d: {  	[bflag:$0x0] =	sbarrier.arrive $0xFFFF  }
0x2e: {  	p0 =	sne.s32 s0, $0x0;
	_ =	strace $0x90000047  }
0x2f: {  	s0 =	sadd.s32 @!p0 $0x100000, s1;
	[bflag:$0x2] =	sbarrier.arrive $0xFFFF  }
0x30: {  	[sflag:s0] =	ssyncadd.tile.s32 @!p0 $0x1;
	_ =	shalt  }
.Lfunc_end2:
_tile_overlayer_lowered:
.L_overlay_start_2:
0x31: {  	(tag) =	ssettag $0x2  }
0x32: {  	s0 =	rddreg [dreg:$0x0];
	s2 =	stileid.u32  }
0x33: {  	s1 =	rddreg [dreg:$0x1];
	p0 =	sne.s32 s2, $0x0  }
0x34: {  	s3 =	rddreg [dreg:$0x2];
	[bflag:$0x3] =	sbarrier.arrive $0xFFFF;
	s2 =	simm.s32 @!p0 $0x1C01  }
0x35: {  	[timem:s3], [sflag:s2] =	dma.local @!p0 [hbm:s0], s1  }
0x36: {  	s0 =	simm.s32 @!p0 $0x1  }
0x37: {  	_ =	swait.ge @!p0 [sflag:s0], s1  }
0x38: {  	s1 =	ssub.s32 @!p0 $0x0, s1;
	[sflag:s0] =	ssyncset.done @!p0 $0x0  }
0x39: {  	[sflag:s0] =	ssyncadd.s32 @!p0 s1  }
0x3a: {  	[bflag:$0x3] =	sbarrier.arrive $0xFFFF  }
0x3b: {  	_ =	shalt  }

</sc_bundles>
